<compile_context>
chip_gen: v7x
topology: tpu7x:2x2x1
jax: 0.10.2.dev20260603
libtpu: 0.0.44.dev20260713+nightly
codegen_flags: <defaults>
</compile_context>

<pallas_src>
import dataclasses
import functools

import jax
import jax.numpy as jnp
import numpy as np
from jax.experimental import pallas as pl
from jax.experimental.pallas import tpu as pltpu
from jax.experimental.pallas import tpu_sc as plsc

B, S, H = 2, 2048, 1024
NHS, HD = 4, 64
HS = NHS * HD
E, K = 8, 2
INTER = 768
EPS = 1e-05

CHUNK = 256
NCHUNK = S // CHUNK


def _rms(x):
    var = jnp.mean(x * x, axis=-1, keepdims=True)
    return x * jax.lax.rsqrt(var + EPS)


def _add_kernel(a_ref, b_ref, o_ref):
    o_ref[...] = a_ref[...] + b_ref[...]


def _make_hs(hidden, inj):
    blk = pl.BlockSpec((1, 512, H), lambda b, c: (b, c, 0))
    return pl.pallas_call(
        _add_kernel,
        grid=(B, S // 512),
        in_specs=[blk, blk],
        out_specs=blk,
        out_shape=jax.ShapeDtypeStruct((B, S, H), jnp.float32),
    )(hidden, inj)


def _route(h0, i0, wgT):
    mesh = plsc.VectorSubcoreMesh(core_axis_name="c", subcore_axis_name="s")
    out_type = [
        jax.ShapeDtypeStruct((1, 16), jnp.int32),
        jax.ShapeDtypeStruct((1, 16), jnp.float32),
        jax.ShapeDtypeStruct((1, 16), jnp.float32),
    ]

    cp = pltpu.CompilerParams()
    if "needs_layout_passes" in pltpu.CompilerParams.__dataclass_fields__:
        cp = dataclasses.replace(cp, needs_layout_passes=False)

    @functools.partial(
        pl.kernel, out_type=out_type, mesh=mesh, compiler_params=cp,
        scratch_types=[
            pltpu.VMEM((B, H), jnp.float32),
            pltpu.VMEM((B, H), jnp.float32),
            pltpu.VMEM((E, H), jnp.float32),
            pltpu.VMEM((1, 16), jnp.int32),
            pltpu.VMEM((1, 16), jnp.float32),
            pltpu.VMEM((1, 16), jnp.float32),
            pltpu.SemaphoreType.DMA,
        ])
    def krn(h0_hbm, i0_hbm, wg_hbm, topi_hbm, wv_hbm, aux_hbm,
            h0_v, i0_v, wg_v, ti_v, wv_v, aux_v, sem):
        cid = jax.lax.axis_index("c")
        sid = jax.lax.axis_index("s")

        @pl.when(jnp.logical_and(cid == 0, sid == 0))
        def _():
            pltpu.async_copy(h0_hbm, h0_v, sem).wait()
            pltpu.async_copy(i0_hbm, i0_v, sem).wait()
            pltpu.async_copy(wg_hbm, wg_v, sem).wait()
            lanes = jax.lax.iota(jnp.int32, 16)
            imp = jnp.zeros((16,), jnp.float32)
            ld = jnp.zeros((16,), jnp.float32)
            ti_vec = jnp.zeros((16,), jnp.int32)
            wv_vec = jnp.zeros((16,), jnp.float32)

            @pl.loop(0, H // 64)
            def _(j):
                off = pl.multiple_of(j * 64, 64)
                for u in range(4):
                    sl = pl.ds(off + u * 16, 16)
                    for b_ in range(B):
                        h0_v[b_, sl] = h0_v[b_, sl] + i0_v[b_, sl]

            for b_ in range(B):
                lg = jnp.full((16,), -3e38, jnp.float32)
                for e_ in range(E):
                    def body(j, acc):
                        off = pl.multiple_of(j * 64, 64)
                        for u in range(4):
                            sl = pl.ds(off + u * 16, 16)
                            acc = acc + h0_v[b_, sl] * wg_v[e_, sl]
                        return acc
                    acc = jax.lax.fori_loop(0, H // 64, body,
                                            jnp.zeros((16,), jnp.float32))
                    lg = jnp.where(lanes == e_, jnp.sum(acc), lg)
                m = jnp.max(lg)
                p = jnp.where(lanes < E, jnp.exp(lg - m), 0.0)
                p = p / jnp.broadcast_to(jnp.sum(p), (16,))
                v1 = jnp.max(p)
                i1 = jnp.min(jnp.where(p == v1, lanes, 16))
                p2 = jnp.where(lanes == i1, -1.0, p)
                v2 = jnp.max(p2)
                i2 = jnp.min(jnp.where(p2 == v2, lanes, 16))
                den = jnp.broadcast_to(jnp.maximum(v1 + v2, 1e-08), (16,))
                num = (jnp.where(lanes == K * b_, v1, 0.0)
                       + jnp.where(lanes == K * b_ + 1, v2, 0.0))
                ti_vec = jnp.where(lanes == K * b_, i1, ti_vec)
                ti_vec = jnp.where(lanes == K * b_ + 1, i2, ti_vec)
                wv_vec = wv_vec + num / den
                imp = imp + p
                ld = ld + jnp.where(
                    jnp.logical_or(lanes == i1, lanes == i2), 1.0, 0.0)
            aux = jnp.sum(imp * ld) * (float(E) / (B * B * K))
            ti_v[0, pl.ds(0, 16)] = ti_vec
            wv_v[0, pl.ds(0, 16)] = wv_vec
            aux_v[0, pl.ds(0, 16)] = jnp.where(lanes == 0, aux, 0.0)
            pltpu.async_copy(ti_v, topi_hbm, sem).wait()
            pltpu.async_copy(wv_v, wv_hbm, sem).wait()
            pltpu.async_copy(aux_v, aux_hbm, sem).wait()

    ti_raw, wv_raw, aux_raw = krn(h0, i0, wgT)
    topi = ti_raw[0, :B * K].reshape(B, K)
    wv = wv_raw[0, :B * K].reshape(B, K)
    return topi, wv, aux_raw[0:1, 0:1]


def _moe_kernel(topi_ref, wv_ref,
                hs_ref, cos_ref, sin_ref,
                wd_ref, wqkv_ref, wo_ref, wgu_ref, wdn_ref, wu_ref,
                out_ref,
                h_s, q_s, k_s, v_s):
    b = pl.program_id(0)
    kk = pl.program_id(1)
    wgt = wv_ref[b, kk]

    bf = jnp.bfloat16
    wd = wd_ref[0].astype(bf)
    wqkv = wqkv_ref[0].astype(bf)
    scale = np.float32(1.0 / np.sqrt(HD))

    def rope_head(xh, cosc, sinc):
        x1 = xh[:, :HD // 2]
        x2 = xh[:, HD // 2:]
        rot = jnp.concatenate([-x2, x1], axis=1)
        return xh * cosc + rot * sinc

    def phase1(c, carry):
        rows = pl.ds(c * CHUNK, CHUNK)
        x = hs_ref[0, rows, :].astype(bf)
        hc = jnp.dot(x, wd, preferred_element_type=jnp.float32)
        h_s[rows, :] = hc
        qkv = jnp.dot(hc.astype(bf), wqkv,
                      preferred_element_type=jnp.float32)
        cosc = cos_ref[rows, :]
        sinc = sin_ref[rows, :]
        for hh in range(NHS):
            qh = qkv[:, hh * HD:(hh + 1) * HD]
            kh = qkv[:, HS + hh * HD:HS + (hh + 1) * HD]
            vh = qkv[:, 2 * HS + hh * HD:2 * HS + (hh + 1) * HD]
            q_s[hh, rows, :] = (rope_head(qh, cosc, sinc) * scale).astype(bf)
            k_s[hh, rows, :] = rope_head(kh, cosc, sinc).astype(bf)
            v_s[hh, rows, :] = vh.astype(bf)
        return carry

    jax.lax.fori_loop(0, NCHUNK, phase1, 0)

    wo = wo_ref[0].astype(bf)
    wgu = wgu_ref[0].astype(bf)
    wdn = wdn_ref[0].astype(bf)
    wu = wu_ref[0].astype(bf)

    def phase2(c, carry):
        rows = pl.ds(c * CHUNK, CHUNK)
        hc = h_s[rows, :]
        o_heads = []
        for hh in range(NHS):
            qh = q_s[hh, rows, :]
            kh = k_s[hh]
            vh = v_s[hh]
            scores = jax.lax.dot_general(
                qh, kh, (((1,), (1,)), ((), ())),
                preferred_element_type=jnp.float32)
            mx = jnp.max(scores, axis=1, keepdims=True)
            ee = jnp.exp(scores - mx)
            rs = 1.0 / jnp.sum(ee, axis=1, keepdims=True)
            ov = jnp.dot(ee.astype(bf), vh,
                         preferred_element_type=jnp.float32)
            o_heads.append(ov * rs)
        o = jnp.concatenate(o_heads, axis=1).astype(bf)
        o = jnp.dot(o, wo, preferred_element_type=jnp.float32)
        t = _rms(hc + o)
        gu = jnp.dot(t.astype(bf), wgu,
                     preferred_element_type=jnp.float32)
        g = gu[:, :INTER]
        u = gu[:, INTER:]
        mm = jnp.dot((jax.nn.silu(g) * u).astype(bf), wdn,
                     preferred_element_type=jnp.float32)
        t2 = _rms(t + mm)
        oe = jnp.dot(t2.astype(bf), wu, preferred_element_type=jnp.float32)

        @pl.when(kk == 0)
        def _():
            out_ref[0, rows, :] = wgt * oe

        @pl.when(kk == K - 1)
        def _():
            x = hs_ref[0, rows, :] + out_ref[0, rows, :] + wgt * oe
            var = jnp.mean(x * x, axis=-1, keepdims=True)
            out_ref[0, rows, :] = x * jax.lax.rsqrt(var + EPS)

        return carry

    jax.lax.fori_loop(0, NCHUNK, phase2, 0)


def _moe(topi, wv, hs, cos, sin, Wd, Wqkv, Wo, Wgu, Wdn, Wu):
    grid_spec = pltpu.PrefetchScalarGridSpec(
        num_scalar_prefetch=2,
        grid=(B, K),
        in_specs=[
            pl.BlockSpec((1, S, H), lambda b, k, ti, wv_: (b, 0, 0)),
            pl.BlockSpec((S, HD), lambda b, k, ti, wv_: (0, 0)),
            pl.BlockSpec((S, HD), lambda b, k, ti, wv_: (0, 0)),
            pl.BlockSpec((1, H, HS), lambda b, k, ti, wv_: (ti[b, k], 0, 0)),
            pl.BlockSpec((1, HS, 3 * HS), lambda b, k, ti, wv_: (ti[b, k], 0, 0)),
            pl.BlockSpec((1, HS, HS), lambda b, k, ti, wv_: (ti[b, k], 0, 0)),
            pl.BlockSpec((1, HS, 2 * INTER), lambda b, k, ti, wv_: (ti[b, k], 0, 0)),
            pl.BlockSpec((1, INTER, HS), lambda b, k, ti, wv_: (ti[b, k], 0, 0)),
            pl.BlockSpec((1, HS, H), lambda b, k, ti, wv_: (ti[b, k], 0, 0)),
        ],
        out_specs=pl.BlockSpec((1, S, H), lambda b, k, ti, wv_: (b, 0, 0)),
        scratch_shapes=[
            pltpu.VMEM((S, HS), jnp.float32),
            pltpu.VMEM((NHS, S, HD), jnp.bfloat16),
            pltpu.VMEM((NHS, S, HD), jnp.bfloat16),
            pltpu.VMEM((NHS, S, HD), jnp.bfloat16),
        ],
    )
    return pl.pallas_call(
        _moe_kernel,
        grid_spec=grid_spec,
        out_shape=jax.ShapeDtypeStruct((B, S, H), jnp.float32),
        compiler_params=pltpu.CompilerParams(
            vmem_limit_bytes=64 * 1024 * 1024,
            dimension_semantics=("parallel", "arbitrary"),
        ),
    )(topi, wv, hs, cos, sin, Wd, Wqkv, Wo, Wgu, Wdn, Wu)


def _final_kernel(hs_ref, mix_ref, o_ref):
    x = hs_ref[...] + mix_ref[...]
    var = jnp.mean(x * x, axis=-1, keepdims=True)
    o_ref[...] = x * jax.lax.rsqrt(var + EPS)


def _finalize(hs, mixed):
    blk = pl.BlockSpec((1, 512, H), lambda b, c: (b, c, 0))
    return pl.pallas_call(
        _final_kernel,
        grid=(B, S // 512),
        in_specs=[blk, blk],
        out_specs=blk,
        out_shape=jax.ShapeDtypeStruct((B, S, H), jnp.float32),
    )(hs, mixed)


def kernel(hidden_states, input_injection, cos, sin, Wg, Wd, Wu, Wqkv, Wo, Wgu, Wdn):
    topi, wv, aux = _route(hidden_states[:, 0, :], input_injection[:, 0, :],
                           Wg.T)
    hs = _make_hs(hidden_states, input_injection)
    out = _moe(topi, wv, hs, cos, sin, Wd, Wqkv, Wo, Wgu, Wdn, Wu)
    return out, aux.reshape(())

# --- scband reference (transcript-rebuilt; emitter-appended) ---
"""Pipeline reference for scband-hierarchical-reasoning-model-actv1-inner-74929999446936 (READ-ONLY COPY).

The authoritative reference and input builder live on the scoring server;
editing this copy changes nothing except your own understanding.
"""

import jax, jax.numpy as jnp
import numpy as np

B, S, H = 2, 2048, 1024
NH, HD = 16, 64
E, K = 8, 2
HIDDEN_RATIO = 0.25
NHS = max(1, min(int(round(NH * HIDDEN_RATIO)), NH))
HS = NHS * HD
EXP = 4.0
EPS = 1e-05
THETA = 10000.0

def _find_multiple(a, b):
    return ((a + b - 1) // b) * b

INTER = _find_multiple(int(round(EXP * HS * 2.0 / 3.0)), 256)


def setup_inputs(seed: int = 0):
    key = jax.random.key(seed)
    ks = jax.random.split(key, 10)
    hidden_states = jax.random.normal(ks[0], (B, S, H), dtype=jnp.float32)
    input_injection = 0.1 * jax.random.normal(ks[1], (B, S, H), dtype=jnp.float32)
    # RoPE cos/sin computed per rope_theta (CosSin input)
    inv_freq = 1.0 / (THETA ** (jnp.arange(0, HD, 2, dtype=jnp.float32) / HD))
    t = jnp.arange(S, dtype=jnp.float32)
    freqs = jnp.outer(t, inv_freq)
    emb = jnp.concatenate([freqs, freqs], axis=-1)
    cos = jnp.cos(emb)
    sin = jnp.sin(emb)

    def lin(k, fan_in, shape):
        return jax.random.normal(k, shape, dtype=jnp.float32) / np.sqrt(fan_in)

    Wg = lin(ks[2], H, (H, E))            # router gate
    Wd = lin(ks[3], H, (E, H, HS))        # per-expert down_proj
    Wu = lin(ks[4], HS, (E, HS, H))       # per-expert up_proj
    Wqkv = lin(ks[5], HS, (E, HS, 3 * HS))
    Wo = lin(ks[6], HS, (E, HS, HS))
    Wgu = lin(ks[7], HS, (E, HS, 2 * INTER))
    Wdn = lin(ks[8], INTER, (E, INTER, HS))
    return {"hidden_states": hidden_states, "input_injection": input_injection, "cos": cos, "sin": sin,
            "Wg": Wg, "Wd": Wd, "Wu": Wu, "Wqkv": Wqkv, "Wo": Wo, "Wgu": Wgu, "Wdn": Wdn}


def rms_norm(x, eps=EPS):
    xf = x.astype(jnp.float32)
    var = jnp.mean(xf * xf, axis=-1, keepdims=True)
    return (xf * jax.lax.rsqrt(var + eps)).astype(x.dtype)


def rotate_half(x):
    x1, x2 = jnp.split(x, 2, axis=-1)
    return jnp.concatenate([-x2, x1], axis=-1)


def apply_rope(x, cos, sin):
    c = cos[None, :, None, :]
    s = sin[None, :, None, :]
    return x * c + rotate_half(x) * s


def expert_forward(h_in, cos, sin, wd, wu, wqkv, wo, wgu, wdn):
    h = h_in @ wd
    b, s = h.shape[0], h.shape[1]
    qkv = (h @ wqkv).reshape(b, s, 3, NHS, HD)
    q, k, v = qkv[:, :, 0], qkv[:, :, 1], qkv[:, :, 2]
    q = apply_rope(q, cos, sin)
    k = apply_rope(k, cos, sin)
    q = q.transpose(0, 2, 1, 3)
    k = k.transpose(0, 2, 1, 3)
    v = v.transpose(0, 2, 1, 3)
    scores = jnp.einsum('bhqd,bhkd->bhqk', q, k) / np.sqrt(HD)
    attn = jax.nn.softmax(scores, axis=-1)
    o = jnp.einsum('bhqk,bhkd->bhqd', attn, v)
    o = o.transpose(0, 2, 1, 3).reshape(b, s, HS) @ wo
    h = rms_norm(h + o)
    g, u = jnp.split(h @ wgu, 2, axis=-1)
    m = (jax.nn.silu(g) * u) @ wdn
    h = rms_norm(h + m)
    return h @ wu


def reference(hidden_states, input_injection, cos, sin, Wg, Wd, Wu, Wqkv, Wo, Wgu, Wdn):
    hs = hidden_states + input_injection
    # TopKSequenceRouter: route each sequence from its position-0 embedding
    logits = hs[:, 0] @ Wg
    probs = jax.nn.softmax(logits.astype(jnp.float32), axis=-1)
    kk = min(K, E)
    topv, topi = jax.lax.top_k(probs, kk)
    w = topv / jnp.maximum(jnp.sum(topv, axis=-1, keepdims=True), 1e-08)
    importance = jnp.sum(probs, axis=0) / max(B, 1)
    rows = jnp.arange(B)[:, None]
    sel = jnp.zeros((B, E), probs.dtype).at[rows, topi].set(1.0)
    load = jnp.sum(sel, axis=0) / max(B * kk, 1)
    aux_loss = jnp.sum(E * (importance * load))
    # scatter-add routing weights into dense [B, E]
    W_full = jnp.zeros((B, E), w.dtype).at[rows, topi].add(w)
    mixed = jnp.zeros_like(hs)
    for e in range(E):
        out_e = expert_forward(hs, cos, sin, Wd[e], Wu[e], Wqkv[e], Wo[e], Wgu[e], Wdn[e])
        mixed = mixed + W_full[:, e][:, None, None].astype(out_e.dtype) * out_e
    out = rms_norm(hs + mixed)
    return out, aux_loss

if __name__ == "__main__":
    import jax
    _d = setup_inputs()
    print(jax.jit(kernel)(*tuple(_d.values())))

</pallas_src>

<mosaic_0001>
#map = affine_map<(d0, d1) -> (0, 0)>
module attributes {stable_mosaic.version = 14 : i64} {
  func.func @krn(%arg0: i32, %arg1: i32, %arg2: memref<2x1024xf32, #tpu.memory_space<hbm>>, %arg3: memref<2x1024xf32, #tpu.memory_space<hbm>>, %arg4: memref<8x1024xf32, #tpu.memory_space<hbm>>, %arg5: memref<1x16xi32, #tpu.memory_space<hbm>>, %arg6: memref<1x16xf32, #tpu.memory_space<hbm>>, %arg7: memref<1x16xf32, #tpu.memory_space<hbm>>, %arg8: memref<2x1024xf32, #tpu.memory_space<vmem>>, %arg9: memref<2x1024xf32, #tpu.memory_space<vmem>>, %arg10: memref<8x1024xf32, #tpu.memory_space<vmem>>, %arg11: memref<1x16xi32, #tpu.memory_space<vmem>>, %arg12: memref<1x16xf32, #tpu.memory_space<vmem>>, %arg13: memref<1x16xf32, #tpu.memory_space<vmem>>, %arg14: memref<!tpu.dma_semaphore, #tpu.memory_space<semaphore_mem>>) attributes {dimension_semantics = [#tpu.dimension_semantics<core_parallel>, #tpu.dimension_semantics<subcore_parallel>], iteration_bounds = array<i64: 2, 16>, scalar_prefetch = 0 : i64, scratch_operands = 7 : i64, tpu.core_type = #tpu.core_type<sc_vector_subcore>, window_params = [{transform_indices = #map}, {transform_indices = #map}, {transform_indices = #map}, {transform_indices = #map}, {transform_indices = #map}, {transform_indices = #map}]} {
    %eq3A = arith.constant 0 : i32
    %eq3A_0 = arith.cmpi eq, %arg0, %eq3A : i32
    %eq3A_1 = arith.constant 0 : i32
    %eq3A_2 = arith.cmpi eq, %arg1, %eq3A_1 : i32
    %and3A = arith.andi %eq3A_0, %eq3A_2 : i1
    %convert_element_type3A = arith.extui %and3A : i1 to i32
    %cond3A = arith.constant 0 : i32
    %cond3A_3 = arith.cmpi ne, %convert_element_type3A, %cond3A : i32
    scf.if %cond3A_3 {
      tpu.enqueue_dma source(%arg2 : memref<2x1024xf32, #tpu.memory_space<hbm>>) target(%arg8 : memref<2x1024xf32, #tpu.memory_space<vmem>>) target_semaphore(%arg14 : memref<!tpu.dma_semaphore, #tpu.memory_space<semaphore_mem>>)
      tpu.wait_dma2 semaphore(%arg14 : memref<!tpu.dma_semaphore, #tpu.memory_space<semaphore_mem>>) src(%arg2 : memref<2x1024xf32, #tpu.memory_space<hbm>>) dst(%arg8 : memref<2x1024xf32, #tpu.memory_space<vmem>>)
      tpu.enqueue_dma source(%arg3 : memref<2x1024xf32, #tpu.memory_space<hbm>>) target(%arg9 : memref<2x1024xf32, #tpu.memory_space<vmem>>) target_semaphore(%arg14 : memref<!tpu.dma_semaphore, #tpu.memory_space<semaphore_mem>>)
      tpu.wait_dma2 semaphore(%arg14 : memref<!tpu.dma_semaphore, #tpu.memory_space<semaphore_mem>>) src(%arg3 : memref<2x1024xf32, #tpu.memory_space<hbm>>) dst(%arg9 : memref<2x1024xf32, #tpu.memory_space<vmem>>)
      tpu.enqueue_dma source(%arg4 : memref<8x1024xf32, #tpu.memory_space<hbm>>) target(%arg10 : memref<8x1024xf32, #tpu.memory_space<vmem>>) target_semaphore(%arg14 : memref<!tpu.dma_semaphore, #tpu.memory_space<semaphore_mem>>)
      tpu.wait_dma2 semaphore(%arg14 : memref<!tpu.dma_semaphore, #tpu.memory_space<semaphore_mem>>) src(%arg4 : memref<8x1024xf32, #tpu.memory_space<hbm>>) dst(%arg10 : memref<8x1024xf32, #tpu.memory_space<vmem>>)
      %iota3A = tpu.iota {dimensions = array<i32: 0>} : vector<16xi32>
      %broadcast_in_dim3A = arith.constant 0.000000e+00 : f32
      %broadcast_in_dim3A_4 = vector.broadcast %broadcast_in_dim3A : f32 to vector<16xf32>
      %broadcast_in_dim3A_5 = arith.constant 0.000000e+00 : f32
      %broadcast_in_dim3A_6 = vector.broadcast %broadcast_in_dim3A_5 : f32 to vector<16xf32>
      %broadcast_in_dim3A_7 = arith.constant 0 : i32
      %broadcast_in_dim3A_8 = vector.broadcast %broadcast_in_dim3A_7 : i32 to vector<16xi32>
      %broadcast_in_dim3A_9 = arith.constant 0.000000e+00 : f32
      %broadcast_in_dim3A_10 = vector.broadcast %broadcast_in_dim3A_9 : f32 to vector<16xf32>
      %scan3A = arith.constant 0 : i32
      %scan3A_11 = arith.constant 16 : i32
      %scan3A_12 = arith.addi %scan3A, %scan3A_11 : i32
      %scan3A_13 = arith.constant 1 : i32
      scf.for %scan3A_505 = %scan3A to %scan3A_12 step %scan3A_13  : i32 {
        %mul3A_506 = arith.constant 1 : i32
        %mul3A_507 = arith.muli %scan3A_505, %mul3A_506 : i32
        %add3A_508 = arith.constant 0 : i32
        %add3A_509 = arith.addi %add3A_508, %mul3A_507 : i32
        %mul3A_510 = arith.constant 64 : i32
        %mul3A_511 = arith.muli %add3A_509, %mul3A_510 : i32
        %multiple_of3A = tpu.assume_multiple %mul3A_511, 64 : i32
        %add3A_512 = arith.constant 0 : i32
        %add3A_513 = arith.addi %multiple_of3A, %add3A_512 : i32
        %get3A = arith.constant 0 : i32
        %get3A_514 = arith.index_cast %get3A : i32 to index
        %get3A_515 = arith.index_cast %add3A_513 : i32 to index
        %get3A_516 = tpu.vector_load %arg8[%get3A_514, %get3A_515] {strides = array<i32>} : memref<2x1024xf32, #tpu.memory_space<vmem>>, vector<16xf32>,
        %get3A_517 = arith.constant 0 : i32
        %get3A_518 = arith.index_cast %get3A_517 : i32 to index
        %get3A_519 = arith.index_cast %add3A_513 : i32 to index
        %get3A_520 = tpu.vector_load %arg9[%get3A_518, %get3A_519] {strides = array<i32>} : memref<2x1024xf32, #tpu.memory_space<vmem>>, vector<16xf32>,
        %add3A_521 = arith.addf %get3A_516, %get3A_520 : vector<16xf32>
        %swap3A_522 = arith.constant 0 : i32
        %swap3A_523 = arith.index_cast %swap3A_522 : i32 to index
        %swap3A_524 = arith.index_cast %add3A_513 : i32 to index
        %swap3A_525 = tpu.vector_load %arg8[%swap3A_523, %swap3A_524] {strides = array<i32>} : memref<2x1024xf32, #tpu.memory_space<vmem>>, vector<16xf32>,
        tpu.vector_store %arg8[%swap3A_523, %swap3A_524], %add3A_521 {strides = array<i32>} : memref<2x1024xf32, #tpu.memory_space<vmem>>, vector<16xf32>,
        %get3A_526 = arith.constant 1 : i32
        %get3A_527 = arith.index_cast %get3A_526 : i32 to index
        %get3A_528 = arith.index_cast %add3A_513 : i32 to index
        %get3A_529 = tpu.vector_load %arg8[%get3A_527, %get3A_528] {strides = array<i32>} : memref<2x1024xf32, #tpu.memory_space<vmem>>, vector<16xf32>,
        %get3A_530 = arith.constant 1 : i32
        %get3A_531 = arith.index_cast %get3A_530 : i32 to index
        %get3A_532 = arith.index_cast %add3A_513 : i32 to index
        %get3A_533 = tpu.vector_load %arg9[%get3A_531, %get3A_532] {strides = array<i32>} : memref<2x1024xf32, #tpu.memory_space<vmem>>, vector<16xf32>,
        %add3A_534 = arith.addf %get3A_529, %get3A_533 : vector<16xf32>
        %swap3A_535 = arith.constant 1 : i32
        %swap3A_536 = arith.index_cast %swap3A_535 : i32 to index
        %swap3A_537 = arith.index_cast %add3A_513 : i32 to index
        %swap3A_538 = tpu.vector_load %arg8[%swap3A_536, %swap3A_537] {strides = array<i32>} : memref<2x1024xf32, #tpu.memory_space<vmem>>, vector<16xf32>,
        tpu.vector_store %arg8[%swap3A_536, %swap3A_537], %add3A_534 {strides = array<i32>} : memref<2x1024xf32, #tpu.memory_space<vmem>>, vector<16xf32>,
        %add3A_539 = arith.constant 16 : i32
        %add3A_540 = arith.addi %multiple_of3A, %add3A_539 : i32
        %get3A_541 = arith.constant 0 : i32
        %get3A_542 = arith.index_cast %get3A_541 : i32 to index
        %get3A_543 = arith.index_cast %add3A_540 : i32 to index
        %get3A_544 = tpu.vector_load %arg8[%get3A_542, %get3A_543] {strides = array<i32>} : memref<2x1024xf32, #tpu.memory_space<vmem>>, vector<16xf32>,
        %get3A_545 = arith.constant 0 : i32
        %get3A_546 = arith.index_cast %get3A_545 : i32 to index
        %get3A_547 = arith.index_cast %add3A_540 : i32 to index
        %get3A_548 = tpu.vector_load %arg9[%get3A_546, %get3A_547] {strides = array<i32>} : memref<2x1024xf32, #tpu.memory_space<vmem>>, vector<16xf32>,
        %add3A_549 = arith.addf %get3A_544, %get3A_548 : vector<16xf32>
        %swap3A_550 = arith.constant 0 : i32
        %swap3A_551 = arith.index_cast %swap3A_550 : i32 to index
        %swap3A_552 = arith.index_cast %add3A_540 : i32 to index
        %swap3A_553 = tpu.vector_load %arg8[%swap3A_551, %swap3A_552] {strides = array<i32>} : memref<2x1024xf32, #tpu.memory_space<vmem>>, vector<16xf32>,
        tpu.vector_store %arg8[%swap3A_551, %swap3A_552], %add3A_549 {strides = array<i32>} : memref<2x1024xf32, #tpu.memory_space<vmem>>, vector<16xf32>,
        %get3A_554 = arith.constant 1 : i32
        %get3A_555 = arith.index_cast %get3A_554 : i32 to index
        %get3A_556 = arith.index_cast %add3A_540 : i32 to index
        %get3A_557 = tpu.vector_load %arg8[%get3A_555, %get3A_556] {strides = array<i32>} : memref<2x1024xf32, #tpu.memory_space<vmem>>, vector<16xf32>,
        %get3A_558 = arith.constant 1 : i32
        %get3A_559 = arith.index_cast %get3A_558 : i32 to index
        %get3A_560 = arith.index_cast %add3A_540 : i32 to index
        %get3A_561 = tpu.vector_load %arg9[%get3A_559, %get3A_560] {strides = array<i32>} : memref<2x1024xf32, #tpu.memory_space<vmem>>, vector<16xf32>,
        %add3A_562 = arith.addf %get3A_557, %get3A_561 : vector<16xf32>
        %swap3A_563 = arith.constant 1 : i32
        %swap3A_564 = arith.index_cast %swap3A_563 : i32 to index
        %swap3A_565 = arith.index_cast %add3A_540 : i32 to index
        %swap3A_566 = tpu.vector_load %arg8[%swap3A_564, %swap3A_565] {strides = array<i32>} : memref<2x1024xf32, #tpu.memory_space<vmem>>, vector<16xf32>,
        tpu.vector_store %arg8[%swap3A_564, %swap3A_565], %add3A_562 {strides = array<i32>} : memref<2x1024xf32, #tpu.memory_space<vmem>>, vector<16xf32>,
        %add3A_567 = arith.constant 32 : i32
        %add3A_568 = arith.addi %multiple_of3A, %add3A_567 : i32
        %get3A_569 = arith.constant 0 : i32
        %get3A_570 = arith.index_cast %get3A_569 : i32 to index
        %get3A_571 = arith.index_cast %add3A_568 : i32 to index
        %get3A_572 = tpu.vector_load %arg8[%get3A_570, %get3A_571] {strides = array<i32>} : memref<2x1024xf32, #tpu.memory_space<vmem>>, vector<16xf32>,
        %get3A_573 = arith.constant 0 : i32
        %get3A_574 = arith.index_cast %get3A_573 : i32 to index
        %get3A_575 = arith.index_cast %add3A_568 : i32 to index
        %get3A_576 = tpu.vector_load %arg9[%get3A_574, %get3A_575] {strides = array<i32>} : memref<2x1024xf32, #tpu.memory_space<vmem>>, vector<16xf32>,
        %add3A_577 = arith.addf %get3A_572, %get3A_576 : vector<16xf32>
        %swap3A_578 = arith.constant 0 : i32
        %swap3A_579 = arith.index_cast %swap3A_578 : i32 to index
        %swap3A_580 = arith.index_cast %add3A_568 : i32 to index
        %swap3A_581 = tpu.vector_load %arg8[%swap3A_579, %swap3A_580] {strides = array<i32>} : memref<2x1024xf32, #tpu.memory_space<vmem>>, vector<16xf32>,
        tpu.vector_store %arg8[%swap3A_579, %swap3A_580], %add3A_577 {strides = array<i32>} : memref<2x1024xf32, #tpu.memory_space<vmem>>, vector<16xf32>,
        %get3A_582 = arith.constant 1 : i32
        %get3A_583 = arith.index_cast %get3A_582 : i32 to index
        %get3A_584 = arith.index_cast %add3A_568 : i32 to index
        %get3A_585 = tpu.vector_load %arg8[%get3A_583, %get3A_584] {strides = array<i32>} : memref<2x1024xf32, #tpu.memory_space<vmem>>, vector<16xf32>,
        %get3A_586 = arith.constant 1 : i32
        %get3A_587 = arith.index_cast %get3A_586 : i32 to index
        %get3A_588 = arith.index_cast %add3A_568 : i32 to index
        %get3A_589 = tpu.vector_load %arg9[%get3A_587, %get3A_588] {strides = array<i32>} : memref<2x1024xf32, #tpu.memory_space<vmem>>, vector<16xf32>,
        %add3A_590 = arith.addf %get3A_585, %get3A_589 : vector<16xf32>
        %swap3A_591 = arith.constant 1 : i32
        %swap3A_592 = arith.index_cast %swap3A_591 : i32 to index
        %swap3A_593 = arith.index_cast %add3A_568 : i32 to index
        %swap3A_594 = tpu.vector_load %arg8[%swap3A_592, %swap3A_593] {strides = array<i32>} : memref<2x1024xf32, #tpu.memory_space<vmem>>, vector<16xf32>,
        tpu.vector_store %arg8[%swap3A_592, %swap3A_593], %add3A_590 {strides = array<i32>} : memref<2x1024xf32, #tpu.memory_space<vmem>>, vector<16xf32>,
        %add3A_595 = arith.constant 48 : i32
        %add3A_596 = arith.addi %multiple_of3A, %add3A_595 : i32
        %get3A_597 = arith.constant 0 : i32
        %get3A_598 = arith.index_cast %get3A_597 : i32 to index
        %get3A_599 = arith.index_cast %add3A_596 : i32 to index
        %get3A_600 = tpu.vector_load %arg8[%get3A_598, %get3A_599] {strides = array<i32>} : memref<2x1024xf32, #tpu.memory_space<vmem>>, vector<16xf32>,
        %get3A_601 = arith.constant 0 : i32
        %get3A_602 = arith.index_cast %get3A_601 : i32 to index
        %get3A_603 = arith.index_cast %add3A_596 : i32 to index
        %get3A_604 = tpu.vector_load %arg9[%get3A_602, %get3A_603] {strides = array<i32>} : memref<2x1024xf32, #tpu.memory_space<vmem>>, vector<16xf32>,
        %add3A_605 = arith.addf %get3A_600, %get3A_604 : vector<16xf32>
        %swap3A_606 = arith.constant 0 : i32
        %swap3A_607 = arith.index_cast %swap3A_606 : i32 to index
        %swap3A_608 = arith.index_cast %add3A_596 : i32 to index
        %swap3A_609 = tpu.vector_load %arg8[%swap3A_607, %swap3A_608] {strides = array<i32>} : memref<2x1024xf32, #tpu.memory_space<vmem>>, vector<16xf32>,
        tpu.vector_store %arg8[%swap3A_607, %swap3A_608], %add3A_605 {strides = array<i32>} : memref<2x1024xf32, #tpu.memory_space<vmem>>, vector<16xf32>,
        %get3A_610 = arith.constant 1 : i32
        %get3A_611 = arith.index_cast %get3A_610 : i32 to index
        %get3A_612 = arith.index_cast %add3A_596 : i32 to index
        %get3A_613 = tpu.vector_load %arg8[%get3A_611, %get3A_612] {strides = array<i32>} : memref<2x1024xf32, #tpu.memory_space<vmem>>, vector<16xf32>,
        %get3A_614 = arith.constant 1 : i32
        %get3A_615 = arith.index_cast %get3A_614 : i32 to index
        %get3A_616 = arith.index_cast %add3A_596 : i32 to index
        %get3A_617 = tpu.vector_load %arg9[%get3A_615, %get3A_616] {strides = array<i32>} : memref<2x1024xf32, #tpu.memory_space<vmem>>, vector<16xf32>,
        %add3A_618 = arith.addf %get3A_613, %get3A_617 : vector<16xf32>
        %swap3A_619 = arith.constant 1 : i32
        %swap3A_620 = arith.index_cast %swap3A_619 : i32 to index
        %swap3A_621 = arith.index_cast %add3A_596 : i32 to index
        %swap3A_622 = tpu.vector_load %arg8[%swap3A_620, %swap3A_621] {strides = array<i32>} : memref<2x1024xf32, #tpu.memory_space<vmem>>, vector<16xf32>,
        tpu.vector_store %arg8[%swap3A_620, %swap3A_621], %add3A_618 {strides = array<i32>} : memref<2x1024xf32, #tpu.memory_space<vmem>>, vector<16xf32>,
      }
      %scan3A_14 = arith.constant 16 : i32
      %broadcast_in_dim3A_15 = arith.constant -3.000000e+38 : f32
      %broadcast_in_dim3A_16 = vector.broadcast %broadcast_in_dim3A_15 : f32 to vector<16xf32>
      %broadcast_in_dim3A_17 = arith.constant 0.000000e+00 : f32
      %broadcast_in_dim3A_18 = vector.broadcast %broadcast_in_dim3A_17 : f32 to vector<16xf32>
      %scan3A_19 = arith.constant 0 : i32
      %scan3A_20 = arith.constant 16 : i32
      %scan3A_21 = arith.addi %scan3A_19, %scan3A_20 : i32
      %scan3A_22 = arith.constant 1 : i32
      %scan3A_23 = scf.for %scan3A_505 = %scan3A_19 to %scan3A_21 step %scan3A_22 iter_args(%scan3A_506 = %broadcast_in_dim3A_18) -> (vector<16xf32>)  : i32 {
        %mul3A_507 = arith.constant 64 : i32
        %mul3A_508 = arith.muli %scan3A_505, %mul3A_507 : i32
        %multiple_of3A = tpu.assume_multiple %mul3A_508, 64 : i32
        %add3A_509 = arith.constant 0 : i32
        %add3A_510 = arith.addi %multiple_of3A, %add3A_509 : i32
        %get3A = arith.constant 0 : i32
        %get3A_511 = arith.index_cast %get3A : i32 to index
        %get3A_512 = arith.index_cast %add3A_510 : i32 to index
        %get3A_513 = tpu.vector_load %arg8[%get3A_511, %get3A_512] {strides = array<i32>} : memref<2x1024xf32, #tpu.memory_space<vmem>>, vector<16xf32>,
        %get3A_514 = arith.constant 0 : i32
        %get3A_515 = arith.index_cast %get3A_514 : i32 to index
        %get3A_516 = arith.index_cast %add3A_510 : i32 to index
        %get3A_517 = tpu.vector_load %arg10[%get3A_515, %get3A_516] {strides = array<i32>} : memref<8x1024xf32, #tpu.memory_space<vmem>>, vector<16xf32>,
        %mul3A_518 = arith.mulf %get3A_513, %get3A_517 : vector<16xf32>
        %add3A_519 = arith.addf %scan3A_506, %mul3A_518 : vector<16xf32>
        %add3A_520 = arith.constant 16 : i32
        %add3A_521 = arith.addi %multiple_of3A, %add3A_520 : i32
        %get3A_522 = arith.constant 0 : i32
        %get3A_523 = arith.index_cast %get3A_522 : i32 to index
        %get3A_524 = arith.index_cast %add3A_521 : i32 to index
        %get3A_525 = tpu.vector_load %arg8[%get3A_523, %get3A_524] {strides = array<i32>} : memref<2x1024xf32, #tpu.memory_space<vmem>>, vector<16xf32>,
        %get3A_526 = arith.constant 0 : i32
        %get3A_527 = arith.index_cast %get3A_526 : i32 to index
        %get3A_528 = arith.index_cast %add3A_521 : i32 to index
        %get3A_529 = tpu.vector_load %arg10[%get3A_527, %get3A_528] {strides = array<i32>} : memref<8x1024xf32, #tpu.memory_space<vmem>>, vector<16xf32>,
        %mul3A_530 = arith.mulf %get3A_525, %get3A_529 : vector<16xf32>
        %add3A_531 = arith.addf %add3A_519, %mul3A_530 : vector<16xf32>
        %add3A_532 = arith.constant 32 : i32
        %add3A_533 = arith.addi %multiple_of3A, %add3A_532 : i32
        %get3A_534 = arith.constant 0 : i32
        %get3A_535 = arith.index_cast %get3A_534 : i32 to index
        %get3A_536 = arith.index_cast %add3A_533 : i32 to index
        %get3A_537 = tpu.vector_load %arg8[%get3A_535, %get3A_536] {strides = array<i32>} : memref<2x1024xf32, #tpu.memory_space<vmem>>, vector<16xf32>,
        %get3A_538 = arith.constant 0 : i32
        %get3A_539 = arith.index_cast %get3A_538 : i32 to index
        %get3A_540 = arith.index_cast %add3A_533 : i32 to index
        %get3A_541 = tpu.vector_load %arg10[%get3A_539, %get3A_540] {strides = array<i32>} : memref<8x1024xf32, #tpu.memory_space<vmem>>, vector<16xf32>,
        %mul3A_542 = arith.mulf %get3A_537, %get3A_541 : vector<16xf32>
        %add3A_543 = arith.addf %add3A_531, %mul3A_542 : vector<16xf32>
        %add3A_544 = arith.constant 48 : i32
        %add3A_545 = arith.addi %multiple_of3A, %add3A_544 : i32
        %get3A_546 = arith.constant 0 : i32
        %get3A_547 = arith.index_cast %get3A_546 : i32 to index
        %get3A_548 = arith.index_cast %add3A_545 : i32 to index
        %get3A_549 = tpu.vector_load %arg8[%get3A_547, %get3A_548] {strides = array<i32>} : memref<2x1024xf32, #tpu.memory_space<vmem>>, vector<16xf32>,
        %get3A_550 = arith.constant 0 : i32
        %get3A_551 = arith.index_cast %get3A_550 : i32 to index
        %get3A_552 = arith.index_cast %add3A_545 : i32 to index
        %get3A_553 = tpu.vector_load %arg10[%get3A_551, %get3A_552] {strides = array<i32>} : memref<8x1024xf32, #tpu.memory_space<vmem>>, vector<16xf32>,
        %mul3A_554 = arith.mulf %get3A_549, %get3A_553 : vector<16xf32>
        %add3A_555 = arith.addf %add3A_543, %mul3A_554 : vector<16xf32>
        scf.yield %add3A_555 : vector<16xf32>
      }
      %scan3A_24 = arith.constant 16 : i32
      %eq3A_25 = arith.constant 0 : i32
      %eq3A_26 = vector.broadcast %eq3A_25 : i32 to vector<16xi32>
      %eq3A_27 = arith.cmpi eq, %iota3A, %eq3A_26 : vector<16xi32>
      %reduce_sum3A = arith.constant true
      %reduce_sum3A_28 = vector.broadcast %reduce_sum3A : i1 to vector<16xi1>
      %reduce_sum3A_29 = tpu.scan <sum>, %scan3A_23 masked %reduce_sum3A_28 : vector<16xf32>, vector<16xi1> -> vector<16xf32>
      %reduce_sum3A_30 = vector.extract %reduce_sum3A_29[15] : f32 from vector<16xf32>
      %broadcast_in_dim3A_31 = vector.broadcast %reduce_sum3A_30 : f32 to vector<16xf32>
      %select_n3A = arith.select %eq3A_27, %broadcast_in_dim3A_31, %broadcast_in_dim3A_16 : vector<16xi1>, vector<16xf32>
      %broadcast_in_dim3A_32 = arith.constant 0.000000e+00 : f32
      %broadcast_in_dim3A_33 = vector.broadcast %broadcast_in_dim3A_32 : f32 to vector<16xf32>
      %scan3A_34 = arith.constant 0 : i32
      %scan3A_35 = arith.constant 16 : i32
      %scan3A_36 = arith.addi %scan3A_34, %scan3A_35 : i32
      %scan3A_37 = arith.constant 1 : i32
      %scan3A_38 = scf.for %scan3A_505 = %scan3A_34 to %scan3A_36 step %scan3A_37 iter_args(%scan3A_506 = %broadcast_in_dim3A_33) -> (vector<16xf32>)  : i32 {
        %mul3A_507 = arith.constant 64 : i32
        %mul3A_508 = arith.muli %scan3A_505, %mul3A_507 : i32
        %multiple_of3A = tpu.assume_multiple %mul3A_508, 64 : i32
        %add3A_509 = arith.constant 0 : i32
        %add3A_510 = arith.addi %multiple_of3A, %add3A_509 : i32
        %get3A = arith.constant 0 : i32
        %get3A_511 = arith.index_cast %get3A : i32 to index
        %get3A_512 = arith.index_cast %add3A_510 : i32 to index
        %get3A_513 = tpu.vector_load %arg8[%get3A_511, %get3A_512] {strides = array<i32>} : memref<2x1024xf32, #tpu.memory_space<vmem>>, vector<16xf32>,
        %get3A_514 = arith.constant 1 : i32
        %get3A_515 = arith.index_cast %get3A_514 : i32 to index
        %get3A_516 = arith.index_cast %add3A_510 : i32 to index
        %get3A_517 = tpu.vector_load %arg10[%get3A_515, %get3A_516] {strides = array<i32>} : memref<8x1024xf32, #tpu.memory_space<vmem>>, vector<16xf32>,
        %mul3A_518 = arith.mulf %get3A_513, %get3A_517 : vector<16xf32>
        %add3A_519 = arith.addf %scan3A_506, %mul3A_518 : vector<16xf32>
        %add3A_520 = arith.constant 16 : i32
        %add3A_521 = arith.addi %multiple_of3A, %add3A_520 : i32
        %get3A_522 = arith.constant 0 : i32
        %get3A_523 = arith.index_cast %get3A_522 : i32 to index
        %get3A_524 = arith.index_cast %add3A_521 : i32 to index
        %get3A_525 = tpu.vector_load %arg8[%get3A_523, %get3A_524] {strides = array<i32>} : memref<2x1024xf32, #tpu.memory_space<vmem>>, vector<16xf32>,
        %get3A_526 = arith.constant 1 : i32
        %get3A_527 = arith.index_cast %get3A_526 : i32 to index
        %get3A_528 = arith.index_cast %add3A_521 : i32 to index
        %get3A_529 = tpu.vector_load %arg10[%get3A_527, %get3A_528] {strides = array<i32>} : memref<8x1024xf32, #tpu.memory_space<vmem>>, vector<16xf32>,
        %mul3A_530 = arith.mulf %get3A_525, %get3A_529 : vector<16xf32>
        %add3A_531 = arith.addf %add3A_519, %mul3A_530 : vector<16xf32>
        %add3A_532 = arith.constant 32 : i32
        %add3A_533 = arith.addi %multiple_of3A, %add3A_532 : i32
        %get3A_534 = arith.constant 0 : i32
        %get3A_535 = arith.index_cast %get3A_534 : i32 to index
        %get3A_536 = arith.index_cast %add3A_533 : i32 to index
        %get3A_537 = tpu.vector_load %arg8[%get3A_535, %get3A_536] {strides = array<i32>} : memref<2x1024xf32, #tpu.memory_space<vmem>>, vector<16xf32>,
        %get3A_538 = arith.constant 1 : i32
        %get3A_539 = arith.index_cast %get3A_538 : i32 to index
        %get3A_540 = arith.index_cast %add3A_533 : i32 to index
        %get3A_541 = tpu.vector_load %arg10[%get3A_539, %get3A_540] {strides = array<i32>} : memref<8x1024xf32, #tpu.memory_space<vmem>>, vector<16xf32>,
        %mul3A_542 = arith.mulf %get3A_537, %get3A_541 : vector<16xf32>
        %add3A_543 = arith.addf %add3A_531, %mul3A_542 : vector<16xf32>
        %add3A_544 = arith.constant 48 : i32
        %add3A_545 = arith.addi %multiple_of3A, %add3A_544 : i32
        %get3A_546 = arith.constant 0 : i32
        %get3A_547 = arith.index_cast %get3A_546 : i32 to index
        %get3A_548 = arith.index_cast %add3A_545 : i32 to index
        %get3A_549 = tpu.vector_load %arg8[%get3A_547, %get3A_548] {strides = array<i32>} : memref<2x1024xf32, #tpu.memory_space<vmem>>, vector<16xf32>,
        %get3A_550 = arith.constant 1 : i32
        %get3A_551 = arith.index_cast %get3A_550 : i32 to index
        %get3A_552 = arith.index_cast %add3A_545 : i32 to index
        %get3A_553 = tpu.vector_load %arg10[%get3A_551, %get3A_552] {strides = array<i32>} : memref<8x1024xf32, #tpu.memory_space<vmem>>, vector<16xf32>,
        %mul3A_554 = arith.mulf %get3A_549, %get3A_553 : vector<16xf32>
        %add3A_555 = arith.addf %add3A_543, %mul3A_554 : vector<16xf32>
        scf.yield %add3A_555 : vector<16xf32>
      }
      %scan3A_39 = arith.constant 16 : i32
      %eq3A_40 = arith.constant 1 : i32
      %eq3A_41 = vector.broadcast %eq3A_40 : i32 to vector<16xi32>
      %eq3A_42 = arith.cmpi eq, %iota3A, %eq3A_41 : vector<16xi32>
      %reduce_sum3A_43 = arith.constant true
      %reduce_sum3A_44 = vector.broadcast %reduce_sum3A_43 : i1 to vector<16xi1>
      %reduce_sum3A_45 = tpu.scan <sum>, %scan3A_38 masked %reduce_sum3A_44 : vector<16xf32>, vector<16xi1> -> vector<16xf32>
      %reduce_sum3A_46 = vector.extract %reduce_sum3A_45[15] : f32 from vector<16xf32>
      %broadcast_in_dim3A_47 = vector.broadcast %reduce_sum3A_46 : f32 to vector<16xf32>
      %select_n3A_48 = arith.select %eq3A_42, %broadcast_in_dim3A_47, %select_n3A : vector<16xi1>, vector<16xf32>
      %broadcast_in_dim3A_49 = arith.constant 0.000000e+00 : f32
      %broadcast_in_dim3A_50 = vector.broadcast %broadcast_in_dim3A_49 : f32 to vector<16xf32>
      %scan3A_51 = arith.constant 0 : i32
      %scan3A_52 = arith.constant 16 : i32
      %scan3A_53 = arith.addi %scan3A_51, %scan3A_52 : i32
      %scan3A_54 = arith.constant 1 : i32
      %scan3A_55 = scf.for %scan3A_505 = %scan3A_51 to %scan3A_53 step %scan3A_54 iter_args(%scan3A_506 = %broadcast_in_dim3A_50) -> (vector<16xf32>)  : i32 {
        %mul3A_507 = arith.constant 64 : i32
        %mul3A_508 = arith.muli %scan3A_505, %mul3A_507 : i32
        %multiple_of3A = tpu.assume_multiple %mul3A_508, 64 : i32
        %add3A_509 = arith.constant 0 : i32
        %add3A_510 = arith.addi %multiple_of3A, %add3A_509 : i32
        %get3A = arith.constant 0 : i32
        %get3A_511 = arith.index_cast %get3A : i32 to index
        %get3A_512 = arith.index_cast %add3A_510 : i32 to index
        %get3A_513 = tpu.vector_load %arg8[%get3A_511, %get3A_512] {strides = array<i32>} : memref<2x1024xf32, #tpu.memory_space<vmem>>, vector<16xf32>,
        %get3A_514 = arith.constant 2 : i32
        %get3A_515 = arith.index_cast %get3A_514 : i32 to index
        %get3A_516 = arith.index_cast %add3A_510 : i32 to index
        %get3A_517 = tpu.vector_load %arg10[%get3A_515, %get3A_516] {strides = array<i32>} : memref<8x1024xf32, #tpu.memory_space<vmem>>, vector<16xf32>,
        %mul3A_518 = arith.mulf %get3A_513, %get3A_517 : vector<16xf32>
        %add3A_519 = arith.addf %scan3A_506, %mul3A_518 : vector<16xf32>
        %add3A_520 = arith.constant 16 : i32
        %add3A_521 = arith.addi %multiple_of3A, %add3A_520 : i32
        %get3A_522 = arith.constant 0 : i32
        %get3A_523 = arith.index_cast %get3A_522 : i32 to index
        %get3A_524 = arith.index_cast %add3A_521 : i32 to index
        %get3A_525 = tpu.vector_load %arg8[%get3A_523, %get3A_524] {strides = array<i32>} : memref<2x1024xf32, #tpu.memory_space<vmem>>, vector<16xf32>,
        %get3A_526 = arith.constant 2 : i32
        %get3A_527 = arith.index_cast %get3A_526 : i32 to index
        %get3A_528 = arith.index_cast %add3A_521 : i32 to index
        %get3A_529 = tpu.vector_load %arg10[%get3A_527, %get3A_528] {strides = array<i32>} : memref<8x1024xf32, #tpu.memory_space<vmem>>, vector<16xf32>,
        %mul3A_530 = arith.mulf %get3A_525, %get3A_529 : vector<16xf32>
        %add3A_531 = arith.addf %add3A_519, %mul3A_530 : vector<16xf32>
        %add3A_532 = arith.constant 32 : i32
        %add3A_533 = arith.addi %multiple_of3A, %add3A_532 : i32
        %get3A_534 = arith.constant 0 : i32
        %get3A_535 = arith.index_cast %get3A_534 : i32 to index
        %get3A_536 = arith.index_cast %add3A_533 : i32 to index
        %get3A_537 = tpu.vector_load %arg8[%get3A_535, %get3A_536] {strides = array<i32>} : memref<2x1024xf32, #tpu.memory_space<vmem>>, vector<16xf32>,
        %get3A_538 = arith.constant 2 : i32
        %get3A_539 = arith.index_cast %get3A_538 : i32 to index
        %get3A_540 = arith.index_cast %add3A_533 : i32 to index
        %get3A_541 = tpu.vector_load %arg10[%get3A_539, %get3A_540] {strides = array<i32>} : memref<8x1024xf32, #tpu.memory_space<vmem>>, vector<16xf32>,
        %mul3A_542 = arith.mulf %get3A_537, %get3A_541 : vector<16xf32>
        %add3A_543 = arith.addf %add3A_531, %mul3A_542 : vector<16xf32>
        %add3A_544 = arith.constant 48 : i32
        %add3A_545 = arith.addi %multiple_of3A, %add3A_544 : i32
        %get3A_546 = arith.constant 0 : i32
        %get3A_547 = arith.index_cast %get3A_546 : i32 to index
        %get3A_548 = arith.index_cast %add3A_545 : i32 to index
        %get3A_549 = tpu.vector_load %arg8[%get3A_547, %get3A_548] {strides = array<i32>} : memref<2x1024xf32, #tpu.memory_space<vmem>>, vector<16xf32>,
        %get3A_550 = arith.constant 2 : i32
        %get3A_551 = arith.index_cast %get3A_550 : i32 to index
        %get3A_552 = arith.index_cast %add3A_545 : i32 to index
        %get3A_553 = tpu.vector_load %arg10[%get3A_551, %get3A_552] {strides = array<i32>} : memref<8x1024xf32, #tpu.memory_space<vmem>>, vector<16xf32>,
        %mul3A_554 = arith.mulf %get3A_549, %get3A_553 : vector<16xf32>
        %add3A_555 = arith.addf %add3A_543, %mul3A_554 : vector<16xf32>
        scf.yield %add3A_555 : vector<16xf32>
      }
      %scan3A_56 = arith.constant 16 : i32
      %eq3A_57 = arith.constant 2 : i32
      %eq3A_58 = vector.broadcast %eq3A_57 : i32 to vector<16xi32>
      %eq3A_59 = arith.cmpi eq, %iota3A, %eq3A_58 : vector<16xi32>
      %reduce_sum3A_60 = arith.constant true
      %reduce_sum3A_61 = vector.broadcast %reduce_sum3A_60 : i1 to vector<16xi1>
      %reduce_sum3A_62 = tpu.scan <sum>, %scan3A_55 masked %reduce_sum3A_61 : vector<16xf32>, vector<16xi1> -> vector<16xf32>
      %reduce_sum3A_63 = vector.extract %reduce_sum3A_62[15] : f32 from vector<16xf32>
      %broadcast_in_dim3A_64 = vector.broadcast %reduce_sum3A_63 : f32 to vector<16xf32>
      %select_n3A_65 = arith.select %eq3A_59, %broadcast_in_dim3A_64, %select_n3A_48 : vector<16xi1>, vector<16xf32>
      %broadcast_in_dim3A_66 = arith.constant 0.000000e+00 : f32
      %broadcast_in_dim3A_67 = vector.broadcast %broadcast_in_dim3A_66 : f32 to vector<16xf32>
      %scan3A_68 = arith.constant 0 : i32
      %scan3A_69 = arith.constant 16 : i32
      %scan3A_70 = arith.addi %scan3A_68, %scan3A_69 : i32
      %scan3A_71 = arith.constant 1 : i32
      %scan3A_72 = scf.for %scan3A_505 = %scan3A_68 to %scan3A_70 step %scan3A_71 iter_args(%scan3A_506 = %broadcast_in_dim3A_67) -> (vector<16xf32>)  : i32 {
        %mul3A_507 = arith.constant 64 : i32
        %mul3A_508 = arith.muli %scan3A_505, %mul3A_507 : i32
        %multiple_of3A = tpu.assume_multiple %mul3A_508, 64 : i32
        %add3A_509 = arith.constant 0 : i32
        %add3A_510 = arith.addi %multiple_of3A, %add3A_509 : i32
        %get3A = arith.constant 0 : i32
        %get3A_511 = arith.index_cast %get3A : i32 to index
        %get3A_512 = arith.index_cast %add3A_510 : i32 to index
        %get3A_513 = tpu.vector_load %arg8[%get3A_511, %get3A_512] {strides = array<i32>} : memref<2x1024xf32, #tpu.memory_space<vmem>>, vector<16xf32>,
        %get3A_514 = arith.constant 3 : i32
        %get3A_515 = arith.index_cast %get3A_514 : i32 to index
        %get3A_516 = arith.index_cast %add3A_510 : i32 to index
        %get3A_517 = tpu.vector_load %arg10[%get3A_515, %get3A_516] {strides = array<i32>} : memref<8x1024xf32, #tpu.memory_space<vmem>>, vector<16xf32>,
        %mul3A_518 = arith.mulf %get3A_513, %get3A_517 : vector<16xf32>
        %add3A_519 = arith.addf %scan3A_506, %mul3A_518 : vector<16xf32>
        %add3A_520 = arith.constant 16 : i32
        %add3A_521 = arith.addi %multiple_of3A, %add3A_520 : i32
        %get3A_522 = arith.constant 0 : i32
        %get3A_523 = arith.index_cast %get3A_522 : i32 to index
        %get3A_524 = arith.index_cast %add3A_521 : i32 to index
        %get3A_525 = tpu.vector_load %arg8[%get3A_523, %get3A_524] {strides = array<i32>} : memref<2x1024xf32, #tpu.memory_space<vmem>>, vector<16xf32>,
        %get3A_526 = arith.constant 3 : i32
        %get3A_527 = arith.index_cast %get3A_526 : i32 to index
        %get3A_528 = arith.index_cast %add3A_521 : i32 to index
        %get3A_529 = tpu.vector_load %arg10[%get3A_527, %get3A_528] {strides = array<i32>} : memref<8x1024xf32, #tpu.memory_space<vmem>>, vector<16xf32>,
        %mul3A_530 = arith.mulf %get3A_525, %get3A_529 : vector<16xf32>
        %add3A_531 = arith.addf %add3A_519, %mul3A_530 : vector<16xf32>
        %add3A_532 = arith.constant 32 : i32
        %add3A_533 = arith.addi %multiple_of3A, %add3A_532 : i32
        %get3A_534 = arith.constant 0 : i32
        %get3A_535 = arith.index_cast %get3A_534 : i32 to index
        %get3A_536 = arith.index_cast %add3A_533 : i32 to index
        %get3A_537 = tpu.vector_load %arg8[%get3A_535, %get3A_536] {strides = array<i32>} : memref<2x1024xf32, #tpu.memory_space<vmem>>, vector<16xf32>,
        %get3A_538 = arith.constant 3 : i32
        %get3A_539 = arith.index_cast %get3A_538 : i32 to index
        %get3A_540 = arith.index_cast %add3A_533 : i32 to index
        %get3A_541 = tpu.vector_load %arg10[%get3A_539, %get3A_540] {strides = array<i32>} : memref<8x1024xf32, #tpu.memory_space<vmem>>, vector<16xf32>,
        %mul3A_542 = arith.mulf %get3A_537, %get3A_541 : vector<16xf32>
        %add3A_543 = arith.addf %add3A_531, %mul3A_542 : vector<16xf32>
        %add3A_544 = arith.constant 48 : i32
        %add3A_545 = arith.addi %multiple_of3A, %add3A_544 : i32
        %get3A_546 = arith.constant 0 : i32
        %get3A_547 = arith.index_cast %get3A_546 : i32 to index
        %get3A_548 = arith.index_cast %add3A_545 : i32 to index
        %get3A_549 = tpu.vector_load %arg8[%get3A_547, %get3A_548] {strides = array<i32>} : memref<2x1024xf32, #tpu.memory_space<vmem>>, vector<16xf32>,
        %get3A_550 = arith.constant 3 : i32
        %get3A_551 = arith.index_cast %get3A_550 : i32 to index
        %get3A_552 = arith.index_cast %add3A_545 : i32 to index
        %get3A_553 = tpu.vector_load %arg10[%get3A_551, %get3A_552] {strides = array<i32>} : memref<8x1024xf32, #tpu.memory_space<vmem>>, vector<16xf32>,
        %mul3A_554 = arith.mulf %get3A_549, %get3A_553 : vector<16xf32>
        %add3A_555 = arith.addf %add3A_543, %mul3A_554 : vector<16xf32>
        scf.yield %add3A_555 : vector<16xf32>
      }
      %scan3A_73 = arith.constant 16 : i32
      %eq3A_74 = arith.constant 3 : i32
      %eq3A_75 = vector.broadcast %eq3A_74 : i32 to vector<16xi32>
      %eq3A_76 = arith.cmpi eq, %iota3A, %eq3A_75 : vector<16xi32>
      %reduce_sum3A_77 = arith.constant true
      %reduce_sum3A_78 = vector.broadcast %reduce_sum3A_77 : i1 to vector<16xi1>
      %reduce_sum3A_79 = tpu.scan <sum>, %scan3A_72 masked %reduce_sum3A_78 : vector<16xf32>, vector<16xi1> -> vector<16xf32>
      %reduce_sum3A_80 = vector.extract %reduce_sum3A_79[15] : f32 from vector<16xf32>
      %broadcast_in_dim3A_81 = vector.broadcast %reduce_sum3A_80 : f32 to vector<16xf32>
      %select_n3A_82 = arith.select %eq3A_76, %broadcast_in_dim3A_81, %select_n3A_65 : vector<16xi1>, vector<16xf32>
      %broadcast_in_dim3A_83 = arith.constant 0.000000e+00 : f32
      %broadcast_in_dim3A_84 = vector.broadcast %broadcast_in_dim3A_83 : f32 to vector<16xf32>
      %scan3A_85 = arith.constant 0 : i32
      %scan3A_86 = arith.constant 16 : i32
      %scan3A_87 = arith.addi %scan3A_85, %scan3A_86 : i32
      %scan3A_88 = arith.constant 1 : i32
      %scan3A_89 = scf.for %scan3A_505 = %scan3A_85 to %scan3A_87 step %scan3A_88 iter_args(%scan3A_506 = %broadcast_in_dim3A_84) -> (vector<16xf32>)  : i32 {
        %mul3A_507 = arith.constant 64 : i32
        %mul3A_508 = arith.muli %scan3A_505, %mul3A_507 : i32
        %multiple_of3A = tpu.assume_multiple %mul3A_508, 64 : i32
        %add3A_509 = arith.constant 0 : i32
        %add3A_510 = arith.addi %multiple_of3A, %add3A_509 : i32
        %get3A = arith.constant 0 : i32
        %get3A_511 = arith.index_cast %get3A : i32 to index
        %get3A_512 = arith.index_cast %add3A_510 : i32 to index
        %get3A_513 = tpu.vector_load %arg8[%get3A_511, %get3A_512] {strides = array<i32>} : memref<2x1024xf32, #tpu.memory_space<vmem>>, vector<16xf32>,
        %get3A_514 = arith.constant 4 : i32
        %get3A_515 = arith.index_cast %get3A_514 : i32 to index
        %get3A_516 = arith.index_cast %add3A_510 : i32 to index
        %get3A_517 = tpu.vector_load %arg10[%get3A_515, %get3A_516] {strides = array<i32>} : memref<8x1024xf32, #tpu.memory_space<vmem>>, vector<16xf32>,
        %mul3A_518 = arith.mulf %get3A_513, %get3A_517 : vector<16xf32>
        %add3A_519 = arith.addf %scan3A_506, %mul3A_518 : vector<16xf32>
        %add3A_520 = arith.constant 16 : i32
        %add3A_521 = arith.addi %multiple_of3A, %add3A_520 : i32
        %get3A_522 = arith.constant 0 : i32
        %get3A_523 = arith.index_cast %get3A_522 : i32 to index
        %get3A_524 = arith.index_cast %add3A_521 : i32 to index
        %get3A_525 = tpu.vector_load %arg8[%get3A_523, %get3A_524] {strides = array<i32>} : memref<2x1024xf32, #tpu.memory_space<vmem>>, vector<16xf32>,
        %get3A_526 = arith.constant 4 : i32
        %get3A_527 = arith.index_cast %get3A_526 : i32 to index
        %get3A_528 = arith.index_cast %add3A_521 : i32 to index
        %get3A_529 = tpu.vector_load %arg10[%get3A_527, %get3A_528] {strides = array<i32>} : memref<8x1024xf32, #tpu.memory_space<vmem>>, vector<16xf32>,
        %mul3A_530 = arith.mulf %get3A_525, %get3A_529 : vector<16xf32>
        %add3A_531 = arith.addf %add3A_519, %mul3A_530 : vector<16xf32>
        %add3A_532 = arith.constant 32 : i32
        %add3A_533 = arith.addi %multiple_of3A, %add3A_532 : i32
        %get3A_534 = arith.constant 0 : i32
        %get3A_535 = arith.index_cast %get3A_534 : i32 to index
        %get3A_536 = arith.index_cast %add3A_533 : i32 to index
        %get3A_537 = tpu.vector_load %arg8[%get3A_535, %get3A_536] {strides = array<i32>} : memref<2x1024xf32, #tpu.memory_space<vmem>>, vector<16xf32>,
        %get3A_538 = arith.constant 4 : i32
        %get3A_539 = arith.index_cast %get3A_538 : i32 to index
        %get3A_540 = arith.index_cast %add3A_533 : i32 to index
        %get3A_541 = tpu.vector_load %arg10[%get3A_539, %get3A_540] {strides = array<i32>} : memref<8x1024xf32, #tpu.memory_space<vmem>>, vector<16xf32>,
        %mul3A_542 = arith.mulf %get3A_537, %get3A_541 : vector<16xf32>
        %add3A_543 = arith.addf %add3A_531, %mul3A_542 : vector<16xf32>
        %add3A_544 = arith.constant 48 : i32
        %add3A_545 = arith.addi %multiple_of3A, %add3A_544 : i32
        %get3A_546 = arith.constant 0 : i32
        %get3A_547 = arith.index_cast %get3A_546 : i32 to index
        %get3A_548 = arith.index_cast %add3A_545 : i32 to index
        %get3A_549 = tpu.vector_load %arg8[%get3A_547, %get3A_548] {strides = array<i32>} : memref<2x1024xf32, #tpu.memory_space<vmem>>, vector<16xf32>,
        %get3A_550 = arith.constant 4 : i32
        %get3A_551 = arith.index_cast %get3A_550 : i32 to index
        %get3A_552 = arith.index_cast %add3A_545 : i32 to index
        %get3A_553 = tpu.vector_load %arg10[%get3A_551, %get3A_552] {strides = array<i32>} : memref<8x1024xf32, #tpu.memory_space<vmem>>, vector<16xf32>,
        %mul3A_554 = arith.mulf %get3A_549, %get3A_553 : vector<16xf32>
        %add3A_555 = arith.addf %add3A_543, %mul3A_554 : vector<16xf32>
        scf.yield %add3A_555 : vector<16xf32>
      }
      %scan3A_90 = arith.constant 16 : i32
      %eq3A_91 = arith.constant 4 : i32
      %eq3A_92 = vector.broadcast %eq3A_91 : i32 to vector<16xi32>
      %eq3A_93 = arith.cmpi eq, %iota3A, %eq3A_92 : vector<16xi32>
      %reduce_sum3A_94 = arith.constant true
      %reduce_sum3A_95 = vector.broadcast %reduce_sum3A_94 : i1 to vector<16xi1>
      %reduce_sum3A_96 = tpu.scan <sum>, %scan3A_89 masked %reduce_sum3A_95 : vector<16xf32>, vector<16xi1> -> vector<16xf32>
      %reduce_sum3A_97 = vector.extract %reduce_sum3A_96[15] : f32 from vector<16xf32>
      %broadcast_in_dim3A_98 = vector.broadcast %reduce_sum3A_97 : f32 to vector<16xf32>
      %select_n3A_99 = arith.select %eq3A_93, %broadcast_in_dim3A_98, %select_n3A_82 : vector<16xi1>, vector<16xf32>
      %broadcast_in_dim3A_100 = arith.constant 0.000000e+00 : f32
      %broadcast_in_dim3A_101 = vector.broadcast %broadcast_in_dim3A_100 : f32 to vector<16xf32>
      %scan3A_102 = arith.constant 0 : i32
      %scan3A_103 = arith.constant 16 : i32
      %scan3A_104 = arith.addi %scan3A_102, %scan3A_103 : i32
      %scan3A_105 = arith.constant 1 : i32
      %scan3A_106 = scf.for %scan3A_505 = %scan3A_102 to %scan3A_104 step %scan3A_105 iter_args(%scan3A_506 = %broadcast_in_dim3A_101) -> (vector<16xf32>)  : i32 {
        %mul3A_507 = arith.constant 64 : i32
        %mul3A_508 = arith.muli %scan3A_505, %mul3A_507 : i32
        %multiple_of3A = tpu.assume_multiple %mul3A_508, 64 : i32
        %add3A_509 = arith.constant 0 : i32
        %add3A_510 = arith.addi %multiple_of3A, %add3A_509 : i32
        %get3A = arith.constant 0 : i32
        %get3A_511 = arith.index_cast %get3A : i32 to index
        %get3A_512 = arith.index_cast %add3A_510 : i32 to index
        %get3A_513 = tpu.vector_load %arg8[%get3A_511, %get3A_512] {strides = array<i32>} : memref<2x1024xf32, #tpu.memory_space<vmem>>, vector<16xf32>,
        %get3A_514 = arith.constant 5 : i32
        %get3A_515 = arith.index_cast %get3A_514 : i32 to index
        %get3A_516 = arith.index_cast %add3A_510 : i32 to index
        %get3A_517 = tpu.vector_load %arg10[%get3A_515, %get3A_516] {strides = array<i32>} : memref<8x1024xf32, #tpu.memory_space<vmem>>, vector<16xf32>,
        %mul3A_518 = arith.mulf %get3A_513, %get3A_517 : vector<16xf32>
        %add3A_519 = arith.addf %scan3A_506, %mul3A_518 : vector<16xf32>
        %add3A_520 = arith.constant 16 : i32
        %add3A_521 = arith.addi %multiple_of3A, %add3A_520 : i32
        %get3A_522 = arith.constant 0 : i32
        %get3A_523 = arith.index_cast %get3A_522 : i32 to index
        %get3A_524 = arith.index_cast %add3A_521 : i32 to index
        %get3A_525 = tpu.vector_load %arg8[%get3A_523, %get3A_524] {strides = array<i32>} : memref<2x1024xf32, #tpu.memory_space<vmem>>, vector<16xf32>,
        %get3A_526 = arith.constant 5 : i32
        %get3A_527 = arith.index_cast %get3A_526 : i32 to index
        %get3A_528 = arith.index_cast %add3A_521 : i32 to index
        %get3A_529 = tpu.vector_load %arg10[%get3A_527, %get3A_528] {strides = array<i32>} : memref<8x1024xf32, #tpu.memory_space<vmem>>, vector<16xf32>,
        %mul3A_530 = arith.mulf %get3A_525, %get3A_529 : vector<16xf32>
        %add3A_531 = arith.addf %add3A_519, %mul3A_530 : vector<16xf32>
        %add3A_532 = arith.constant 32 : i32
        %add3A_533 = arith.addi %multiple_of3A, %add3A_532 : i32
        %get3A_534 = arith.constant 0 : i32
        %get3A_535 = arith.index_cast %get3A_534 : i32 to index
        %get3A_536 = arith.index_cast %add3A_533 : i32 to index
        %get3A_537 = tpu.vector_load %arg8[%get3A_535, %get3A_536] {strides = array<i32>} : memref<2x1024xf32, #tpu.memory_space<vmem>>, vector<16xf32>,
        %get3A_538 = arith.constant 5 : i32
        %get3A_539 = arith.index_cast %get3A_538 : i32 to index
        %get3A_540 = arith.index_cast %add3A_533 : i32 to index
        %get3A_541 = tpu.vector_load %arg10[%get3A_539, %get3A_540] {strides = array<i32>} : memref<8x1024xf32, #tpu.memory_space<vmem>>, vector<16xf32>,
        %mul3A_542 = arith.mulf %get3A_537, %get3A_541 : vector<16xf32>
        %add3A_543 = arith.addf %add3A_531, %mul3A_542 : vector<16xf32>
        %add3A_544 = arith.constant 48 : i32
        %add3A_545 = arith.addi %multiple_of3A, %add3A_544 : i32
        %get3A_546 = arith.constant 0 : i32
        %get3A_547 = arith.index_cast %get3A_546 : i32 to index
        %get3A_548 = arith.index_cast %add3A_545 : i32 to index
        %get3A_549 = tpu.vector_load %arg8[%get3A_547, %get3A_548] {strides = array<i32>} : memref<2x1024xf32, #tpu.memory_space<vmem>>, vector<16xf32>,
        %get3A_550 = arith.constant 5 : i32
        %get3A_551 = arith.index_cast %get3A_550 : i32 to index
        %get3A_552 = arith.index_cast %add3A_545 : i32 to index
        %get3A_553 = tpu.vector_load %arg10[%get3A_551, %get3A_552] {strides = array<i32>} : memref<8x1024xf32, #tpu.memory_space<vmem>>, vector<16xf32>,
        %mul3A_554 = arith.mulf %get3A_549, %get3A_553 : vector<16xf32>
        %add3A_555 = arith.addf %add3A_543, %mul3A_554 : vector<16xf32>
        scf.yield %add3A_555 : vector<16xf32>
      }
      %scan3A_107 = arith.constant 16 : i32
      %eq3A_108 = arith.constant 5 : i32
      %eq3A_109 = vector.broadcast %eq3A_108 : i32 to vector<16xi32>
      %eq3A_110 = arith.cmpi eq, %iota3A, %eq3A_109 : vector<16xi32>
      %reduce_sum3A_111 = arith.constant true
      %reduce_sum3A_112 = vector.broadcast %reduce_sum3A_111 : i1 to vector<16xi1>
      %reduce_sum3A_113 = tpu.scan <sum>, %scan3A_106 masked %reduce_sum3A_112 : vector<16xf32>, vector<16xi1> -> vector<16xf32>
      %reduce_sum3A_114 = vector.extract %reduce_sum3A_113[15] : f32 from vector<16xf32>
      %broadcast_in_dim3A_115 = vector.broadcast %reduce_sum3A_114 : f32 to vector<16xf32>
      %select_n3A_116 = arith.select %eq3A_110, %broadcast_in_dim3A_115, %select_n3A_99 : vector<16xi1>, vector<16xf32>
      %broadcast_in_dim3A_117 = arith.constant 0.000000e+00 : f32
      %broadcast_in_dim3A_118 = vector.broadcast %broadcast_in_dim3A_117 : f32 to vector<16xf32>
      %scan3A_119 = arith.constant 0 : i32
      %scan3A_120 = arith.constant 16 : i32
      %scan3A_121 = arith.addi %scan3A_119, %scan3A_120 : i32
      %scan3A_122 = arith.constant 1 : i32
      %scan3A_123 = scf.for %scan3A_505 = %scan3A_119 to %scan3A_121 step %scan3A_122 iter_args(%scan3A_506 = %broadcast_in_dim3A_118) -> (vector<16xf32>)  : i32 {
        %mul3A_507 = arith.constant 64 : i32
        %mul3A_508 = arith.muli %scan3A_505, %mul3A_507 : i32
        %multiple_of3A = tpu.assume_multiple %mul3A_508, 64 : i32
        %add3A_509 = arith.constant 0 : i32
        %add3A_510 = arith.addi %multiple_of3A, %add3A_509 : i32
        %get3A = arith.constant 0 : i32
        %get3A_511 = arith.index_cast %get3A : i32 to index
        %get3A_512 = arith.index_cast %add3A_510 : i32 to index
        %get3A_513 = tpu.vector_load %arg8[%get3A_511, %get3A_512] {strides = array<i32>} : memref<2x1024xf32, #tpu.memory_space<vmem>>, vector<16xf32>,
        %get3A_514 = arith.constant 6 : i32
        %get3A_515 = arith.index_cast %get3A_514 : i32 to index
        %get3A_516 = arith.index_cast %add3A_510 : i32 to index
        %get3A_517 = tpu.vector_load %arg10[%get3A_515, %get3A_516] {strides = array<i32>} : memref<8x1024xf32, #tpu.memory_space<vmem>>, vector<16xf32>,
        %mul3A_518 = arith.mulf %get3A_513, %get3A_517 : vector<16xf32>
        %add3A_519 = arith.addf %scan3A_506, %mul3A_518 : vector<16xf32>
        %add3A_520 = arith.constant 16 : i32
        %add3A_521 = arith.addi %multiple_of3A, %add3A_520 : i32
        %get3A_522 = arith.constant 0 : i32
        %get3A_523 = arith.index_cast %get3A_522 : i32 to index
        %get3A_524 = arith.index_cast %add3A_521 : i32 to index
        %get3A_525 = tpu.vector_load %arg8[%get3A_523, %get3A_524] {strides = array<i32>} : memref<2x1024xf32, #tpu.memory_space<vmem>>, vector<16xf32>,
        %get3A_526 = arith.constant 6 : i32
        %get3A_527 = arith.index_cast %get3A_526 : i32 to index
        %get3A_528 = arith.index_cast %add3A_521 : i32 to index
        %get3A_529 = tpu.vector_load %arg10[%get3A_527, %get3A_528] {strides = array<i32>} : memref<8x1024xf32, #tpu.memory_space<vmem>>, vector<16xf32>,
        %mul3A_530 = arith.mulf %get3A_525, %get3A_529 : vector<16xf32>
        %add3A_531 = arith.addf %add3A_519, %mul3A_530 : vector<16xf32>
        %add3A_532 = arith.constant 32 : i32
        %add3A_533 = arith.addi %multiple_of3A, %add3A_532 : i32
        %get3A_534 = arith.constant 0 : i32
        %get3A_535 = arith.index_cast %get3A_534 : i32 to index
        %get3A_536 = arith.index_cast %add3A_533 : i32 to index
        %get3A_537 = tpu.vector_load %arg8[%get3A_535, %get3A_536] {strides = array<i32>} : memref<2x1024xf32, #tpu.memory_space<vmem>>, vector<16xf32>,
        %get3A_538 = arith.constant 6 : i32
        %get3A_539 = arith.index_cast %get3A_538 : i32 to index
        %get3A_540 = arith.index_cast %add3A_533 : i32 to index
        %get3A_541 = tpu.vector_load %arg10[%get3A_539, %get3A_540] {strides = array<i32>} : memref<8x1024xf32, #tpu.memory_space<vmem>>, vector<16xf32>,
        %mul3A_542 = arith.mulf %get3A_537, %get3A_541 : vector<16xf32>
        %add3A_543 = arith.addf %add3A_531, %mul3A_542 : vector<16xf32>
        %add3A_544 = arith.constant 48 : i32
        %add3A_545 = arith.addi %multiple_of3A, %add3A_544 : i32
        %get3A_546 = arith.constant 0 : i32
        %get3A_547 = arith.index_cast %get3A_546 : i32 to index
        %get3A_548 = arith.index_cast %add3A_545 : i32 to index
        %get3A_549 = tpu.vector_load %arg8[%get3A_547, %get3A_548] {strides = array<i32>} : memref<2x1024xf32, #tpu.memory_space<vmem>>, vector<16xf32>,
        %get3A_550 = arith.constant 6 : i32
        %get3A_551 = arith.index_cast %get3A_550 : i32 to index
        %get3A_552 = arith.index_cast %add3A_545 : i32 to index
        %get3A_553 = tpu.vector_load %arg10[%get3A_551, %get3A_552] {strides = array<i32>} : memref<8x1024xf32, #tpu.memory_space<vmem>>, vector<16xf32>,
        %mul3A_554 = arith.mulf %get3A_549, %get3A_553 : vector<16xf32>
        %add3A_555 = arith.addf %add3A_543, %mul3A_554 : vector<16xf32>
        scf.yield %add3A_555 : vector<16xf32>
      }
      %scan3A_124 = arith.constant 16 : i32
      %eq3A_125 = arith.constant 6 : i32
      %eq3A_126 = vector.broadcast %eq3A_125 : i32 to vector<16xi32>
      %eq3A_127 = arith.cmpi eq, %iota3A, %eq3A_126 : vector<16xi32>
      %reduce_sum3A_128 = arith.constant true
      %reduce_sum3A_129 = vector.broadcast %reduce_sum3A_128 : i1 to vector<16xi1>
      %reduce_sum3A_130 = tpu.scan <sum>, %scan3A_123 masked %reduce_sum3A_129 : vector<16xf32>, vector<16xi1> -> vector<16xf32>
      %reduce_sum3A_131 = vector.extract %reduce_sum3A_130[15] : f32 from vector<16xf32>
      %broadcast_in_dim3A_132 = vector.broadcast %reduce_sum3A_131 : f32 to vector<16xf32>
      %select_n3A_133 = arith.select %eq3A_127, %broadcast_in_dim3A_132, %select_n3A_116 : vector<16xi1>, vector<16xf32>
      %broadcast_in_dim3A_134 = arith.constant 0.000000e+00 : f32
      %broadcast_in_dim3A_135 = vector.broadcast %broadcast_in_dim3A_134 : f32 to vector<16xf32>
      %scan3A_136 = arith.constant 0 : i32
      %scan3A_137 = arith.constant 16 : i32
      %scan3A_138 = arith.addi %scan3A_136, %scan3A_137 : i32
      %scan3A_139 = arith.constant 1 : i32
      %scan3A_140 = scf.for %scan3A_505 = %scan3A_136 to %scan3A_138 step %scan3A_139 iter_args(%scan3A_506 = %broadcast_in_dim3A_135) -> (vector<16xf32>)  : i32 {
        %mul3A_507 = arith.constant 64 : i32
        %mul3A_508 = arith.muli %scan3A_505, %mul3A_507 : i32
        %multiple_of3A = tpu.assume_multiple %mul3A_508, 64 : i32
        %add3A_509 = arith.constant 0 : i32
        %add3A_510 = arith.addi %multiple_of3A, %add3A_509 : i32
        %get3A = arith.constant 0 : i32
        %get3A_511 = arith.index_cast %get3A : i32 to index
        %get3A_512 = arith.index_cast %add3A_510 : i32 to index
        %get3A_513 = tpu.vector_load %arg8[%get3A_511, %get3A_512] {strides = array<i32>} : memref<2x1024xf32, #tpu.memory_space<vmem>>, vector<16xf32>,
        %get3A_514 = arith.constant 7 : i32
        %get3A_515 = arith.index_cast %get3A_514 : i32 to index
        %get3A_516 = arith.index_cast %add3A_510 : i32 to index
        %get3A_517 = tpu.vector_load %arg10[%get3A_515, %get3A_516] {strides = array<i32>} : memref<8x1024xf32, #tpu.memory_space<vmem>>, vector<16xf32>,
        %mul3A_518 = arith.mulf %get3A_513, %get3A_517 : vector<16xf32>
        %add3A_519 = arith.addf %scan3A_506, %mul3A_518 : vector<16xf32>
        %add3A_520 = arith.constant 16 : i32
        %add3A_521 = arith.addi %multiple_of3A, %add3A_520 : i32
        %get3A_522 = arith.constant 0 : i32
        %get3A_523 = arith.index_cast %get3A_522 : i32 to index
        %get3A_524 = arith.index_cast %add3A_521 : i32 to index
        %get3A_525 = tpu.vector_load %arg8[%get3A_523, %get3A_524] {strides = array<i32>} : memref<2x1024xf32, #tpu.memory_space<vmem>>, vector<16xf32>,
        %get3A_526 = arith.constant 7 : i32
        %get3A_527 = arith.index_cast %get3A_526 : i32 to index
        %get3A_528 = arith.index_cast %add3A_521 : i32 to index
        %get3A_529 = tpu.vector_load %arg10[%get3A_527, %get3A_528] {strides = array<i32>} : memref<8x1024xf32, #tpu.memory_space<vmem>>, vector<16xf32>,
        %mul3A_530 = arith.mulf %get3A_525, %get3A_529 : vector<16xf32>
        %add3A_531 = arith.addf %add3A_519, %mul3A_530 : vector<16xf32>
        %add3A_532 = arith.constant 32 : i32
        %add3A_533 = arith.addi %multiple_of3A, %add3A_532 : i32
        %get3A_534 = arith.constant 0 : i32
        %get3A_535 = arith.index_cast %get3A_534 : i32 to index
        %get3A_536 = arith.index_cast %add3A_533 : i32 to index
        %get3A_537 = tpu.vector_load %arg8[%get3A_535, %get3A_536] {strides = array<i32>} : memref<2x1024xf32, #tpu.memory_space<vmem>>, vector<16xf32>,
        %get3A_538 = arith.constant 7 : i32
        %get3A_539 = arith.index_cast %get3A_538 : i32 to index
        %get3A_540 = arith.index_cast %add3A_533 : i32 to index
        %get3A_541 = tpu.vector_load %arg10[%get3A_539, %get3A_540] {strides = array<i32>} : memref<8x1024xf32, #tpu.memory_space<vmem>>, vector<16xf32>,
        %mul3A_542 = arith.mulf %get3A_537, %get3A_541 : vector<16xf32>
        %add3A_543 = arith.addf %add3A_531, %mul3A_542 : vector<16xf32>
        %add3A_544 = arith.constant 48 : i32
        %add3A_545 = arith.addi %multiple_of3A, %add3A_544 : i32
        %get3A_546 = arith.constant 0 : i32
        %get3A_547 = arith.index_cast %get3A_546 : i32 to index
        %get3A_548 = arith.index_cast %add3A_545 : i32 to index
        %get3A_549 = tpu.vector_load %arg8[%get3A_547, %get3A_548] {strides = array<i32>} : memref<2x1024xf32, #tpu.memory_space<vmem>>, vector<16xf32>,
        %get3A_550 = arith.constant 7 : i32
        %get3A_551 = arith.index_cast %get3A_550 : i32 to index
        %get3A_552 = arith.index_cast %add3A_545 : i32 to index
        %get3A_553 = tpu.vector_load %arg10[%get3A_551, %get3A_552] {strides = array<i32>} : memref<8x1024xf32, #tpu.memory_space<vmem>>, vector<16xf32>,
        %mul3A_554 = arith.mulf %get3A_549, %get3A_553 : vector<16xf32>
        %add3A_555 = arith.addf %add3A_543, %mul3A_554 : vector<16xf32>
        scf.yield %add3A_555 : vector<16xf32>
      }
      %scan3A_141 = arith.constant 16 : i32
      %eq3A_142 = arith.constant 7 : i32
      %eq3A_143 = vector.broadcast %eq3A_142 : i32 to vector<16xi32>
      %eq3A_144 = arith.cmpi eq, %iota3A, %eq3A_143 : vector<16xi32>
      %reduce_sum3A_145 = arith.constant true
      %reduce_sum3A_146 = vector.broadcast %reduce_sum3A_145 : i1 to vector<16xi1>
      %reduce_sum3A_147 = tpu.scan <sum>, %scan3A_140 masked %reduce_sum3A_146 : vector<16xf32>, vector<16xi1> -> vector<16xf32>
      %reduce_sum3A_148 = vector.extract %reduce_sum3A_147[15] : f32 from vector<16xf32>
      %broadcast_in_dim3A_149 = vector.broadcast %reduce_sum3A_148 : f32 to vector<16xf32>
      %select_n3A_150 = arith.select %eq3A_144, %broadcast_in_dim3A_149, %select_n3A_133 : vector<16xi1>, vector<16xf32>
      %reduce_max3A = arith.constant true
      %reduce_max3A_151 = vector.broadcast %reduce_max3A : i1 to vector<16xi1>
      %reduce_max3A_152 = tpu.scan <max>, %select_n3A_150 masked %reduce_max3A_151 : vector<16xf32>, vector<16xi1> -> vector<16xf32>
      %reduce_max3A_153 = vector.extract %reduce_max3A_152[15] : f32 from vector<16xf32>
      %lt3A = arith.constant 8 : i32
      %lt3A_154 = vector.broadcast %lt3A : i32 to vector<16xi32>
      %lt3A_155 = arith.cmpi slt, %iota3A, %lt3A_154 : vector<16xi32>
      %sub3A = vector.broadcast %reduce_max3A_153 : f32 to vector<16xf32>
      %sub3A_156 = arith.subf %select_n3A_150, %sub3A : vector<16xf32>
      %exp3A = math.exp %sub3A_156 : vector<16xf32>
      %jit3A = arith.constant 0.000000e+00 : f32
      %broadcast_in_dim3A_157 = vector.broadcast %jit3A : f32 to vector<16xf32>
      %select_n3A_158 = arith.select %lt3A_155, %exp3A, %broadcast_in_dim3A_157 : vector<16xi1>, vector<16xf32>
      %reduce_sum3A_159 = arith.constant true
      %reduce_sum3A_160 = vector.broadcast %reduce_sum3A_159 : i1 to vector<16xi1>
      %reduce_sum3A_161 = tpu.scan <sum>, %select_n3A_158 masked %reduce_sum3A_160 : vector<16xf32>, vector<16xi1> -> vector<16xf32>
      %reduce_sum3A_162 = vector.extract %reduce_sum3A_161[15] : f32 from vector<16xf32>
      %broadcast_in_dim3A_163 = vector.broadcast %reduce_sum3A_162 : f32 to vector<16xf32>
      %div3A = arith.divf %select_n3A_158, %broadcast_in_dim3A_163 : vector<16xf32>
      %reduce_max3A_164 = arith.constant true
      %reduce_max3A_165 = vector.broadcast %reduce_max3A_164 : i1 to vector<16xi1>
      %reduce_max3A_166 = tpu.scan <max>, %div3A masked %reduce_max3A_165 : vector<16xf32>, vector<16xi1> -> vector<16xf32>
      %reduce_max3A_167 = vector.extract %reduce_max3A_166[15] : f32 from vector<16xf32>
      %eq3A_168 = vector.broadcast %reduce_max3A_167 : f32 to vector<16xf32>
      %eq3A_169 = arith.cmpf oeq, %div3A, %eq3A_168 : vector<16xf32>
      %jit3A_170 = arith.constant 16 : i32
      %broadcast_in_dim3A_171 = vector.broadcast %jit3A_170 : i32 to vector<16xi32>
      %select_n3A_172 = arith.select %eq3A_169, %iota3A, %broadcast_in_dim3A_171 : vector<16xi1>, vector<16xi32>
      %reduce_min3A = arith.constant true
      %reduce_min3A_173 = vector.broadcast %reduce_min3A : i1 to vector<16xi1>
      %reduce_min3A_174 = arith.constant -2147483648 : i32
      %reduce_min3A_175 = vector.broadcast %reduce_min3A_174 : i32 to vector<16xi32>
      %reduce_min3A_176 = arith.xori %select_n3A_172, %reduce_min3A_175 : vector<16xi32>
      %reduce_min3A_177 = tpu.scan <min>, %reduce_min3A_176 masked %reduce_min3A_173 : vector<16xi32>, vector<16xi1> -> vector<16xi32>
      %reduce_min3A_178 = arith.xori %reduce_min3A_177, %reduce_min3A_175 : vector<16xi32>
      %reduce_min3A_179 = vector.extract %reduce_min3A_178[15] : i32 from vector<16xi32>
      %eq3A_180 = vector.broadcast %reduce_min3A_179 : i32 to vector<16xi32>
      %eq3A_181 = arith.cmpi eq, %iota3A, %eq3A_180 : vector<16xi32>
      %jit3A_182 = arith.constant -1.000000e+00 : f32
      %broadcast_in_dim3A_183 = vector.broadcast %jit3A_182 : f32 to vector<16xf32>
      %select_n3A_184 = arith.select %eq3A_181, %broadcast_in_dim3A_183, %div3A : vector<16xi1>, vector<16xf32>
      %reduce_max3A_185 = arith.constant true
      %reduce_max3A_186 = vector.broadcast %reduce_max3A_185 : i1 to vector<16xi1>
      %reduce_max3A_187 = tpu.scan <max>, %select_n3A_184 masked %reduce_max3A_186 : vector<16xf32>, vector<16xi1> -> vector<16xf32>
      %reduce_max3A_188 = vector.extract %reduce_max3A_187[15] : f32 from vector<16xf32>
      %eq3A_189 = vector.broadcast %reduce_max3A_188 : f32 to vector<16xf32>
      %eq3A_190 = arith.cmpf oeq, %select_n3A_184, %eq3A_189 : vector<16xf32>
      %jit3A_191 = arith.constant 16 : i32
      %broadcast_in_dim3A_192 = vector.broadcast %jit3A_191 : i32 to vector<16xi32>
      %select_n3A_193 = arith.select %eq3A_190, %iota3A, %broadcast_in_dim3A_192 : vector<16xi1>, vector<16xi32>
      %reduce_min3A_194 = arith.constant true
      %reduce_min3A_195 = vector.broadcast %reduce_min3A_194 : i1 to vector<16xi1>
      %reduce_min3A_196 = arith.constant -2147483648 : i32
      %reduce_min3A_197 = vector.broadcast %reduce_min3A_196 : i32 to vector<16xi32>
      %reduce_min3A_198 = arith.xori %select_n3A_193, %reduce_min3A_197 : vector<16xi32>
      %reduce_min3A_199 = tpu.scan <min>, %reduce_min3A_198 masked %reduce_min3A_195 : vector<16xi32>, vector<16xi1> -> vector<16xi32>
      %reduce_min3A_200 = arith.xori %reduce_min3A_199, %reduce_min3A_197 : vector<16xi32>
      %reduce_min3A_201 = vector.extract %reduce_min3A_200[15] : i32 from vector<16xi32>
      %add3A = arith.addf %reduce_max3A_167, %reduce_max3A_188 : f32
      %max3A = arith.constant 9.99999993E-9 : f32
      %max3A_202 = arith.maximumf %add3A, %max3A : f32
      %broadcast_in_dim3A_203 = vector.broadcast %max3A_202 : f32 to vector<16xf32>
      %eq3A_204 = arith.constant 0 : i32
      %eq3A_205 = vector.broadcast %eq3A_204 : i32 to vector<16xi32>
      %eq3A_206 = arith.cmpi eq, %iota3A, %eq3A_205 : vector<16xi32>
      %jit3A_207 = arith.constant 0.000000e+00 : f32
      %broadcast_in_dim3A_208 = vector.broadcast %reduce_max3A_167 : f32 to vector<16xf32>
      %broadcast_in_dim3A_209 = vector.broadcast %jit3A_207 : f32 to vector<16xf32>
      %select_n3A_210 = arith.select %eq3A_206, %broadcast_in_dim3A_208, %broadcast_in_dim3A_209 : vector<16xi1>, vector<16xf32>
      %eq3A_211 = arith.constant 1 : i32
      %eq3A_212 = vector.broadcast %eq3A_211 : i32 to vector<16xi32>
      %eq3A_213 = arith.cmpi eq, %iota3A, %eq3A_212 : vector<16xi32>
      %jit3A_214 = arith.constant 0.000000e+00 : f32
      %broadcast_in_dim3A_215 = vector.broadcast %reduce_max3A_188 : f32 to vector<16xf32>
      %broadcast_in_dim3A_216 = vector.broadcast %jit3A_214 : f32 to vector<16xf32>
      %select_n3A_217 = arith.select %eq3A_213, %broadcast_in_dim3A_215, %broadcast_in_dim3A_216 : vector<16xi1>, vector<16xf32>
      %add3A_218 = arith.addf %select_n3A_210, %select_n3A_217 : vector<16xf32>
      %eq3A_219 = arith.constant 0 : i32
      %eq3A_220 = vector.broadcast %eq3A_219 : i32 to vector<16xi32>
      %eq3A_221 = arith.cmpi eq, %iota3A, %eq3A_220 : vector<16xi32>
      %broadcast_in_dim3A_222 = vector.broadcast %reduce_min3A_179 : i32 to vector<16xi32>
      %select_n3A_223 = arith.select %eq3A_221, %broadcast_in_dim3A_222, %broadcast_in_dim3A_8 : vector<16xi1>, vector<16xi32>
      %eq3A_224 = arith.constant 1 : i32
      %eq3A_225 = vector.broadcast %eq3A_224 : i32 to vector<16xi32>
      %eq3A_226 = arith.cmpi eq, %iota3A, %eq3A_225 : vector<16xi32>
      %broadcast_in_dim3A_227 = vector.broadcast %reduce_min3A_201 : i32 to vector<16xi32>
      %select_n3A_228 = arith.select %eq3A_226, %broadcast_in_dim3A_227, %select_n3A_223 : vector<16xi1>, vector<16xi32>
      %div3A_229 = arith.divf %add3A_218, %broadcast_in_dim3A_203 : vector<16xf32>
      %add3A_230 = arith.addf %broadcast_in_dim3A_10, %div3A_229 : vector<16xf32>
      %add3A_231 = arith.addf %broadcast_in_dim3A_4, %div3A : vector<16xf32>
      %eq3A_232 = vector.broadcast %reduce_min3A_179 : i32 to vector<16xi32>
      %eq3A_233 = arith.cmpi eq, %iota3A, %eq3A_232 : vector<16xi32>
      %eq3A_234 = vector.broadcast %reduce_min3A_201 : i32 to vector<16xi32>
      %eq3A_235 = arith.cmpi eq, %iota3A, %eq3A_234 : vector<16xi32>
      %or3A = arith.ori %eq3A_233, %eq3A_235 : vector<16xi1>
      %jit3A_236 = arith.constant 1.000000e+00 : f32
      %jit3A_237 = arith.constant 0.000000e+00 : f32
      %broadcast_in_dim3A_238 = vector.broadcast %jit3A_236 : f32 to vector<16xf32>
      %broadcast_in_dim3A_239 = vector.broadcast %jit3A_237 : f32 to vector<16xf32>
      %select_n3A_240 = arith.select %or3A, %broadcast_in_dim3A_238, %broadcast_in_dim3A_239 : vector<16xi1>, vector<16xf32>
      %add3A_241 = arith.addf %broadcast_in_dim3A_6, %select_n3A_240 : vector<16xf32>
      %broadcast_in_dim3A_242 = arith.constant -3.000000e+38 : f32
      %broadcast_in_dim3A_243 = vector.broadcast %broadcast_in_dim3A_242 : f32 to vector<16xf32>
      %broadcast_in_dim3A_244 = arith.constant 0.000000e+00 : f32
      %broadcast_in_dim3A_245 = vector.broadcast %broadcast_in_dim3A_244 : f32 to vector<16xf32>
      %scan3A_246 = arith.constant 0 : i32
      %scan3A_247 = arith.constant 16 : i32
      %scan3A_248 = arith.addi %scan3A_246, %scan3A_247 : i32
      %scan3A_249 = arith.constant 1 : i32
      %scan3A_250 = scf.for %scan3A_505 = %scan3A_246 to %scan3A_248 step %scan3A_249 iter_args(%scan3A_506 = %broadcast_in_dim3A_245) -> (vector<16xf32>)  : i32 {
        %mul3A_507 = arith.constant 64 : i32
        %mul3A_508 = arith.muli %scan3A_505, %mul3A_507 : i32
        %multiple_of3A = tpu.assume_multiple %mul3A_508, 64 : i32
        %add3A_509 = arith.constant 0 : i32
        %add3A_510 = arith.addi %multiple_of3A, %add3A_509 : i32
        %get3A = arith.constant 1 : i32
        %get3A_511 = arith.index_cast %get3A : i32 to index
        %get3A_512 = arith.index_cast %add3A_510 : i32 to index
        %get3A_513 = tpu.vector_load %arg8[%get3A_511, %get3A_512] {strides = array<i32>} : memref<2x1024xf32, #tpu.memory_space<vmem>>, vector<16xf32>,
        %get3A_514 = arith.constant 0 : i32
        %get3A_515 = arith.index_cast %get3A_514 : i32 to index
        %get3A_516 = arith.index_cast %add3A_510 : i32 to index
        %get3A_517 = tpu.vector_load %arg10[%get3A_515, %get3A_516] {strides = array<i32>} : memref<8x1024xf32, #tpu.memory_space<vmem>>, vector<16xf32>,
        %mul3A_518 = arith.mulf %get3A_513, %get3A_517 : vector<16xf32>
        %add3A_519 = arith.addf %scan3A_506, %mul3A_518 : vector<16xf32>
        %add3A_520 = arith.constant 16 : i32
        %add3A_521 = arith.addi %multiple_of3A, %add3A_520 : i32
        %get3A_522 = arith.constant 1 : i32
        %get3A_523 = arith.index_cast %get3A_522 : i32 to index
        %get3A_524 = arith.index_cast %add3A_521 : i32 to index
        %get3A_525 = tpu.vector_load %arg8[%get3A_523, %get3A_524] {strides = array<i32>} : memref<2x1024xf32, #tpu.memory_space<vmem>>, vector<16xf32>,
        %get3A_526 = arith.constant 0 : i32
        %get3A_527 = arith.index_cast %get3A_526 : i32 to index
        %get3A_528 = arith.index_cast %add3A_521 : i32 to index
        %get3A_529 = tpu.vector_load %arg10[%get3A_527, %get3A_528] {strides = array<i32>} : memref<8x1024xf32, #tpu.memory_space<vmem>>, vector<16xf32>,
        %mul3A_530 = arith.mulf %get3A_525, %get3A_529 : vector<16xf32>
        %add3A_531 = arith.addf %add3A_519, %mul3A_530 : vector<16xf32>
        %add3A_532 = arith.constant 32 : i32
        %add3A_533 = arith.addi %multiple_of3A, %add3A_532 : i32
        %get3A_534 = arith.constant 1 : i32
        %get3A_535 = arith.index_cast %get3A_534 : i32 to index
        %get3A_536 = arith.index_cast %add3A_533 : i32 to index
        %get3A_537 = tpu.vector_load %arg8[%get3A_535, %get3A_536] {strides = array<i32>} : memref<2x1024xf32, #tpu.memory_space<vmem>>, vector<16xf32>,
        %get3A_538 = arith.constant 0 : i32
        %get3A_539 = arith.index_cast %get3A_538 : i32 to index
        %get3A_540 = arith.index_cast %add3A_533 : i32 to index
        %get3A_541 = tpu.vector_load %arg10[%get3A_539, %get3A_540] {strides = array<i32>} : memref<8x1024xf32, #tpu.memory_space<vmem>>, vector<16xf32>,
        %mul3A_542 = arith.mulf %get3A_537, %get3A_541 : vector<16xf32>
        %add3A_543 = arith.addf %add3A_531, %mul3A_542 : vector<16xf32>
        %add3A_544 = arith.constant 48 : i32
        %add3A_545 = arith.addi %multiple_of3A, %add3A_544 : i32
        %get3A_546 = arith.constant 1 : i32
        %get3A_547 = arith.index_cast %get3A_546 : i32 to index
        %get3A_548 = arith.index_cast %add3A_545 : i32 to index
        %get3A_549 = tpu.vector_load %arg8[%get3A_547, %get3A_548] {strides = array<i32>} : memref<2x1024xf32, #tpu.memory_space<vmem>>, vector<16xf32>,
        %get3A_550 = arith.constant 0 : i32
        %get3A_551 = arith.index_cast %get3A_550 : i32 to index
        %get3A_552 = arith.index_cast %add3A_545 : i32 to index
        %get3A_553 = tpu.vector_load %arg10[%get3A_551, %get3A_552] {strides = array<i32>} : memref<8x1024xf32, #tpu.memory_space<vmem>>, vector<16xf32>,
        %mul3A_554 = arith.mulf %get3A_549, %get3A_553 : vector<16xf32>
        %add3A_555 = arith.addf %add3A_543, %mul3A_554 : vector<16xf32>
        scf.yield %add3A_555 : vector<16xf32>
      }
      %scan3A_251 = arith.constant 16 : i32
      %eq3A_252 = arith.constant 0 : i32
      %eq3A_253 = vector.broadcast %eq3A_252 : i32 to vector<16xi32>
      %eq3A_254 = arith.cmpi eq, %iota3A, %eq3A_253 : vector<16xi32>
      %reduce_sum3A_255 = arith.constant true
      %reduce_sum3A_256 = vector.broadcast %reduce_sum3A_255 : i1 to vector<16xi1>
      %reduce_sum3A_257 = tpu.scan <sum>, %scan3A_250 masked %reduce_sum3A_256 : vector<16xf32>, vector<16xi1> -> vector<16xf32>
      %reduce_sum3A_258 = vector.extract %reduce_sum3A_257[15] : f32 from vector<16xf32>
      %broadcast_in_dim3A_259 = vector.broadcast %reduce_sum3A_258 : f32 to vector<16xf32>
      %select_n3A_260 = arith.select %eq3A_254, %broadcast_in_dim3A_259, %broadcast_in_dim3A_243 : vector<16xi1>, vector<16xf32>
      %broadcast_in_dim3A_261 = arith.constant 0.000000e+00 : f32
      %broadcast_in_dim3A_262 = vector.broadcast %broadcast_in_dim3A_261 : f32 to vector<16xf32>
      %scan3A_263 = arith.constant 0 : i32
      %scan3A_264 = arith.constant 16 : i32
      %scan3A_265 = arith.addi %scan3A_263, %scan3A_264 : i32
      %scan3A_266 = arith.constant 1 : i32
      %scan3A_267 = scf.for %scan3A_505 = %scan3A_263 to %scan3A_265 step %scan3A_266 iter_args(%scan3A_506 = %broadcast_in_dim3A_262) -> (vector<16xf32>)  : i32 {
        %mul3A_507 = arith.constant 64 : i32
        %mul3A_508 = arith.muli %scan3A_505, %mul3A_507 : i32
        %multiple_of3A = tpu.assume_multiple %mul3A_508, 64 : i32
        %add3A_509 = arith.constant 0 : i32
        %add3A_510 = arith.addi %multiple_of3A, %add3A_509 : i32
        %get3A = arith.constant 1 : i32
        %get3A_511 = arith.index_cast %get3A : i32 to index
        %get3A_512 = arith.index_cast %add3A_510 : i32 to index
        %get3A_513 = tpu.vector_load %arg8[%get3A_511, %get3A_512] {strides = array<i32>} : memref<2x1024xf32, #tpu.memory_space<vmem>>, vector<16xf32>,
        %get3A_514 = arith.constant 1 : i32
        %get3A_515 = arith.index_cast %get3A_514 : i32 to index
        %get3A_516 = arith.index_cast %add3A_510 : i32 to index
        %get3A_517 = tpu.vector_load %arg10[%get3A_515, %get3A_516] {strides = array<i32>} : memref<8x1024xf32, #tpu.memory_space<vmem>>, vector<16xf32>,
        %mul3A_518 = arith.mulf %get3A_513, %get3A_517 : vector<16xf32>
        %add3A_519 = arith.addf %scan3A_506, %mul3A_518 : vector<16xf32>
        %add3A_520 = arith.constant 16 : i32
        %add3A_521 = arith.addi %multiple_of3A, %add3A_520 : i32
        %get3A_522 = arith.constant 1 : i32
        %get3A_523 = arith.index_cast %get3A_522 : i32 to index
        %get3A_524 = arith.index_cast %add3A_521 : i32 to index
        %get3A_525 = tpu.vector_load %arg8[%get3A_523, %get3A_524] {strides = array<i32>} : memref<2x1024xf32, #tpu.memory_space<vmem>>, vector<16xf32>,
        %get3A_526 = arith.constant 1 : i32
        %get3A_527 = arith.index_cast %get3A_526 : i32 to index
        %get3A_528 = arith.index_cast %add3A_521 : i32 to index
        %get3A_529 = tpu.vector_load %arg10[%get3A_527, %get3A_528] {strides = array<i32>} : memref<8x1024xf32, #tpu.memory_space<vmem>>, vector<16xf32>,
        %mul3A_530 = arith.mulf %get3A_525, %get3A_529 : vector<16xf32>
        %add3A_531 = arith.addf %add3A_519, %mul3A_530 : vector<16xf32>
        %add3A_532 = arith.constant 32 : i32
        %add3A_533 = arith.addi %multiple_of3A, %add3A_532 : i32
        %get3A_534 = arith.constant 1 : i32
        %get3A_535 = arith.index_cast %get3A_534 : i32 to index
        %get3A_536 = arith.index_cast %add3A_533 : i32 to index
        %get3A_537 = tpu.vector_load %arg8[%get3A_535, %get3A_536] {strides = array<i32>} : memref<2x1024xf32, #tpu.memory_space<vmem>>, vector<16xf32>,
        %get3A_538 = arith.constant 1 : i32
        %get3A_539 = arith.index_cast %get3A_538 : i32 to index
        %get3A_540 = arith.index_cast %add3A_533 : i32 to index
        %get3A_541 = tpu.vector_load %arg10[%get3A_539, %get3A_540] {strides = array<i32>} : memref<8x1024xf32, #tpu.memory_space<vmem>>, vector<16xf32>,
        %mul3A_542 = arith.mulf %get3A_537, %get3A_541 : vector<16xf32>
        %add3A_543 = arith.addf %add3A_531, %mul3A_542 : vector<16xf32>
        %add3A_544 = arith.constant 48 : i32
        %add3A_545 = arith.addi %multiple_of3A, %add3A_544 : i32
        %get3A_546 = arith.constant 1 : i32
        %get3A_547 = arith.index_cast %get3A_546 : i32 to index
        %get3A_548 = arith.index_cast %add3A_545 : i32 to index
        %get3A_549 = tpu.vector_load %arg8[%get3A_547, %get3A_548] {strides = array<i32>} : memref<2x1024xf32, #tpu.memory_space<vmem>>, vector<16xf32>,
        %get3A_550 = arith.constant 1 : i32
        %get3A_551 = arith.index_cast %get3A_550 : i32 to index
        %get3A_552 = arith.index_cast %add3A_545 : i32 to index
        %get3A_553 = tpu.vector_load %arg10[%get3A_551, %get3A_552] {strides = array<i32>} : memref<8x1024xf32, #tpu.memory_space<vmem>>, vector<16xf32>,
        %mul3A_554 = arith.mulf %get3A_549, %get3A_553 : vector<16xf32>
        %add3A_555 = arith.addf %add3A_543, %mul3A_554 : vector<16xf32>
        scf.yield %add3A_555 : vector<16xf32>
      }
      %scan3A_268 = arith.constant 16 : i32
      %eq3A_269 = arith.constant 1 : i32
      %eq3A_270 = vector.broadcast %eq3A_269 : i32 to vector<16xi32>
      %eq3A_271 = arith.cmpi eq, %iota3A, %eq3A_270 : vector<16xi32>
      %reduce_sum3A_272 = arith.constant true
      %reduce_sum3A_273 = vector.broadcast %reduce_sum3A_272 : i1 to vector<16xi1>
      %reduce_sum3A_274 = tpu.scan <sum>, %scan3A_267 masked %reduce_sum3A_273 : vector<16xf32>, vector<16xi1> -> vector<16xf32>
      %reduce_sum3A_275 = vector.extract %reduce_sum3A_274[15] : f32 from vector<16xf32>
      %broadcast_in_dim3A_276 = vector.broadcast %reduce_sum3A_275 : f32 to vector<16xf32>
      %select_n3A_277 = arith.select %eq3A_271, %broadcast_in_dim3A_276, %select_n3A_260 : vector<16xi1>, vector<16xf32>
      %broadcast_in_dim3A_278 = arith.constant 0.000000e+00 : f32
      %broadcast_in_dim3A_279 = vector.broadcast %broadcast_in_dim3A_278 : f32 to vector<16xf32>
      %scan3A_280 = arith.constant 0 : i32
      %scan3A_281 = arith.constant 16 : i32
      %scan3A_282 = arith.addi %scan3A_280, %scan3A_281 : i32
      %scan3A_283 = arith.constant 1 : i32
      %scan3A_284 = scf.for %scan3A_505 = %scan3A_280 to %scan3A_282 step %scan3A_283 iter_args(%scan3A_506 = %broadcast_in_dim3A_279) -> (vector<16xf32>)  : i32 {
        %mul3A_507 = arith.constant 64 : i32
        %mul3A_508 = arith.muli %scan3A_505, %mul3A_507 : i32
        %multiple_of3A = tpu.assume_multiple %mul3A_508, 64 : i32
        %add3A_509 = arith.constant 0 : i32
        %add3A_510 = arith.addi %multiple_of3A, %add3A_509 : i32
        %get3A = arith.constant 1 : i32
        %get3A_511 = arith.index_cast %get3A : i32 to index
        %get3A_512 = arith.index_cast %add3A_510 : i32 to index
        %get3A_513 = tpu.vector_load %arg8[%get3A_511, %get3A_512] {strides = array<i32>} : memref<2x1024xf32, #tpu.memory_space<vmem>>, vector<16xf32>,
        %get3A_514 = arith.constant 2 : i32
        %get3A_515 = arith.index_cast %get3A_514 : i32 to index
        %get3A_516 = arith.index_cast %add3A_510 : i32 to index
        %get3A_517 = tpu.vector_load %arg10[%get3A_515, %get3A_516] {strides = array<i32>} : memref<8x1024xf32, #tpu.memory_space<vmem>>, vector<16xf32>,
        %mul3A_518 = arith.mulf %get3A_513, %get3A_517 : vector<16xf32>
        %add3A_519 = arith.addf %scan3A_506, %mul3A_518 : vector<16xf32>
        %add3A_520 = arith.constant 16 : i32
        %add3A_521 = arith.addi %multiple_of3A, %add3A_520 : i32
        %get3A_522 = arith.constant 1 : i32
        %get3A_523 = arith.index_cast %get3A_522 : i32 to index
        %get3A_524 = arith.index_cast %add3A_521 : i32 to index
        %get3A_525 = tpu.vector_load %arg8[%get3A_523, %get3A_524] {strides = array<i32>} : memref<2x1024xf32, #tpu.memory_space<vmem>>, vector<16xf32>,
        %get3A_526 = arith.constant 2 : i32
        %get3A_527 = arith.index_cast %get3A_526 : i32 to index
        %get3A_528 = arith.index_cast %add3A_521 : i32 to index
        %get3A_529 = tpu.vector_load %arg10[%get3A_527, %get3A_528] {strides = array<i32>} : memref<8x1024xf32, #tpu.memory_space<vmem>>, vector<16xf32>,
        %mul3A_530 = arith.mulf %get3A_525, %get3A_529 : vector<16xf32>
        %add3A_531 = arith.addf %add3A_519, %mul3A_530 : vector<16xf32>
        %add3A_532 = arith.constant 32 : i32
        %add3A_533 = arith.addi %multiple_of3A, %add3A_532 : i32
        %get3A_534 = arith.constant 1 : i32
        %get3A_535 = arith.index_cast %get3A_534 : i32 to index
        %get3A_536 = arith.index_cast %add3A_533 : i32 to index
        %get3A_537 = tpu.vector_load %arg8[%get3A_535, %get3A_536] {strides = array<i32>} : memref<2x1024xf32, #tpu.memory_space<vmem>>, vector<16xf32>,
        %get3A_538 = arith.constant 2 : i32
        %get3A_539 = arith.index_cast %get3A_538 : i32 to index
        %get3A_540 = arith.index_cast %add3A_533 : i32 to index
        %get3A_541 = tpu.vector_load %arg10[%get3A_539, %get3A_540] {strides = array<i32>} : memref<8x1024xf32, #tpu.memory_space<vmem>>, vector<16xf32>,
        %mul3A_542 = arith.mulf %get3A_537, %get3A_541 : vector<16xf32>
        %add3A_543 = arith.addf %add3A_531, %mul3A_542 : vector<16xf32>
        %add3A_544 = arith.constant 48 : i32
        %add3A_545 = arith.addi %multiple_of3A, %add3A_544 : i32
        %get3A_546 = arith.constant 1 : i32
        %get3A_547 = arith.index_cast %get3A_546 : i32 to index
        %get3A_548 = arith.index_cast %add3A_545 : i32 to index
        %get3A_549 = tpu.vector_load %arg8[%get3A_547, %get3A_548] {strides = array<i32>} : memref<2x1024xf32, #tpu.memory_space<vmem>>, vector<16xf32>,
        %get3A_550 = arith.constant 2 : i32
        %get3A_551 = arith.index_cast %get3A_550 : i32 to index
        %get3A_552 = arith.index_cast %add3A_545 : i32 to index
        %get3A_553 = tpu.vector_load %arg10[%get3A_551, %get3A_552] {strides = array<i32>} : memref<8x1024xf32, #tpu.memory_space<vmem>>, vector<16xf32>,
        %mul3A_554 = arith.mulf %get3A_549, %get3A_553 : vector<16xf32>
        %add3A_555 = arith.addf %add3A_543, %mul3A_554 : vector<16xf32>
        scf.yield %add3A_555 : vector<16xf32>
      }
      %scan3A_285 = arith.constant 16 : i32
      %eq3A_286 = arith.constant 2 : i32
      %eq3A_287 = vector.broadcast %eq3A_286 : i32 to vector<16xi32>
      %eq3A_288 = arith.cmpi eq, %iota3A, %eq3A_287 : vector<16xi32>
      %reduce_sum3A_289 = arith.constant true
      %reduce_sum3A_290 = vector.broadcast %reduce_sum3A_289 : i1 to vector<16xi1>
      %reduce_sum3A_291 = tpu.scan <sum>, %scan3A_284 masked %reduce_sum3A_290 : vector<16xf32>, vector<16xi1> -> vector<16xf32>
      %reduce_sum3A_292 = vector.extract %reduce_sum3A_291[15] : f32 from vector<16xf32>
      %broadcast_in_dim3A_293 = vector.broadcast %reduce_sum3A_292 : f32 to vector<16xf32>
      %select_n3A_294 = arith.select %eq3A_288, %broadcast_in_dim3A_293, %select_n3A_277 : vector<16xi1>, vector<16xf32>
      %broadcast_in_dim3A_295 = arith.constant 0.000000e+00 : f32
      %broadcast_in_dim3A_296 = vector.broadcast %broadcast_in_dim3A_295 : f32 to vector<16xf32>
      %scan3A_297 = arith.constant 0 : i32
      %scan3A_298 = arith.constant 16 : i32
      %scan3A_299 = arith.addi %scan3A_297, %scan3A_298 : i32
      %scan3A_300 = arith.constant 1 : i32
      %scan3A_301 = scf.for %scan3A_505 = %scan3A_297 to %scan3A_299 step %scan3A_300 iter_args(%scan3A_506 = %broadcast_in_dim3A_296) -> (vector<16xf32>)  : i32 {
        %mul3A_507 = arith.constant 64 : i32
        %mul3A_508 = arith.muli %scan3A_505, %mul3A_507 : i32
        %multiple_of3A = tpu.assume_multiple %mul3A_508, 64 : i32
        %add3A_509 = arith.constant 0 : i32
        %add3A_510 = arith.addi %multiple_of3A, %add3A_509 : i32
        %get3A = arith.constant 1 : i32
        %get3A_511 = arith.index_cast %get3A : i32 to index
        %get3A_512 = arith.index_cast %add3A_510 : i32 to index
        %get3A_513 = tpu.vector_load %arg8[%get3A_511, %get3A_512] {strides = array<i32>} : memref<2x1024xf32, #tpu.memory_space<vmem>>, vector<16xf32>,
        %get3A_514 = arith.constant 3 : i32
        %get3A_515 = arith.index_cast %get3A_514 : i32 to index
        %get3A_516 = arith.index_cast %add3A_510 : i32 to index
        %get3A_517 = tpu.vector_load %arg10[%get3A_515, %get3A_516] {strides = array<i32>} : memref<8x1024xf32, #tpu.memory_space<vmem>>, vector<16xf32>,
        %mul3A_518 = arith.mulf %get3A_513, %get3A_517 : vector<16xf32>
        %add3A_519 = arith.addf %scan3A_506, %mul3A_518 : vector<16xf32>
        %add3A_520 = arith.constant 16 : i32
        %add3A_521 = arith.addi %multiple_of3A, %add3A_520 : i32
        %get3A_522 = arith.constant 1 : i32
        %get3A_523 = arith.index_cast %get3A_522 : i32 to index
        %get3A_524 = arith.index_cast %add3A_521 : i32 to index
        %get3A_525 = tpu.vector_load %arg8[%get3A_523, %get3A_524] {strides = array<i32>} : memref<2x1024xf32, #tpu.memory_space<vmem>>, vector<16xf32>,
        %get3A_526 = arith.constant 3 : i32
        %get3A_527 = arith.index_cast %get3A_526 : i32 to index
        %get3A_528 = arith.index_cast %add3A_521 : i32 to index
        %get3A_529 = tpu.vector_load %arg10[%get3A_527, %get3A_528] {strides = array<i32>} : memref<8x1024xf32, #tpu.memory_space<vmem>>, vector<16xf32>,
        %mul3A_530 = arith.mulf %get3A_525, %get3A_529 : vector<16xf32>
        %add3A_531 = arith.addf %add3A_519, %mul3A_530 : vector<16xf32>
        %add3A_532 = arith.constant 32 : i32
        %add3A_533 = arith.addi %multiple_of3A, %add3A_532 : i32
        %get3A_534 = arith.constant 1 : i32
        %get3A_535 = arith.index_cast %get3A_534 : i32 to index
        %get3A_536 = arith.index_cast %add3A_533 : i32 to index
        %get3A_537 = tpu.vector_load %arg8[%get3A_535, %get3A_536] {strides = array<i32>} : memref<2x1024xf32, #tpu.memory_space<vmem>>, vector<16xf32>,
        %get3A_538 = arith.constant 3 : i32
        %get3A_539 = arith.index_cast %get3A_538 : i32 to index
        %get3A_540 = arith.index_cast %add3A_533 : i32 to index
        %get3A_541 = tpu.vector_load %arg10[%get3A_539, %get3A_540] {strides = array<i32>} : memref<8x1024xf32, #tpu.memory_space<vmem>>, vector<16xf32>,
        %mul3A_542 = arith.mulf %get3A_537, %get3A_541 : vector<16xf32>
        %add3A_543 = arith.addf %add3A_531, %mul3A_542 : vector<16xf32>
        %add3A_544 = arith.constant 48 : i32
        %add3A_545 = arith.addi %multiple_of3A, %add3A_544 : i32
        %get3A_546 = arith.constant 1 : i32
        %get3A_547 = arith.index_cast %get3A_546 : i32 to index
        %get3A_548 = arith.index_cast %add3A_545 : i32 to index
        %get3A_549 = tpu.vector_load %arg8[%get3A_547, %get3A_548] {strides = array<i32>} : memref<2x1024xf32, #tpu.memory_space<vmem>>, vector<16xf32>,
        %get3A_550 = arith.constant 3 : i32
        %get3A_551 = arith.index_cast %get3A_550 : i32 to index
        %get3A_552 = arith.index_cast %add3A_545 : i32 to index
        %get3A_553 = tpu.vector_load %arg10[%get3A_551, %get3A_552] {strides = array<i32>} : memref<8x1024xf32, #tpu.memory_space<vmem>>, vector<16xf32>,
        %mul3A_554 = arith.mulf %get3A_549, %get3A_553 : vector<16xf32>
        %add3A_555 = arith.addf %add3A_543, %mul3A_554 : vector<16xf32>
        scf.yield %add3A_555 : vector<16xf32>
      }
      %scan3A_302 = arith.constant 16 : i32
      %eq3A_303 = arith.constant 3 : i32
      %eq3A_304 = vector.broadcast %eq3A_303 : i32 to vector<16xi32>
      %eq3A_305 = arith.cmpi eq, %iota3A, %eq3A_304 : vector<16xi32>
      %reduce_sum3A_306 = arith.constant true
      %reduce_sum3A_307 = vector.broadcast %reduce_sum3A_306 : i1 to vector<16xi1>
      %reduce_sum3A_308 = tpu.scan <sum>, %scan3A_301 masked %reduce_sum3A_307 : vector<16xf32>, vector<16xi1> -> vector<16xf32>
      %reduce_sum3A_309 = vector.extract %reduce_sum3A_308[15] : f32 from vector<16xf32>
      %broadcast_in_dim3A_310 = vector.broadcast %reduce_sum3A_309 : f32 to vector<16xf32>
      %select_n3A_311 = arith.select %eq3A_305, %broadcast_in_dim3A_310, %select_n3A_294 : vector<16xi1>, vector<16xf32>
      %broadcast_in_dim3A_312 = arith.constant 0.000000e+00 : f32
      %broadcast_in_dim3A_313 = vector.broadcast %broadcast_in_dim3A_312 : f32 to vector<16xf32>
      %scan3A_314 = arith.constant 0 : i32
      %scan3A_315 = arith.constant 16 : i32
      %scan3A_316 = arith.addi %scan3A_314, %scan3A_315 : i32
      %scan3A_317 = arith.constant 1 : i32
      %scan3A_318 = scf.for %scan3A_505 = %scan3A_314 to %scan3A_316 step %scan3A_317 iter_args(%scan3A_506 = %broadcast_in_dim3A_313) -> (vector<16xf32>)  : i32 {
        %mul3A_507 = arith.constant 64 : i32
        %mul3A_508 = arith.muli %scan3A_505, %mul3A_507 : i32
        %multiple_of3A = tpu.assume_multiple %mul3A_508, 64 : i32
        %add3A_509 = arith.constant 0 : i32
        %add3A_510 = arith.addi %multiple_of3A, %add3A_509 : i32
        %get3A = arith.constant 1 : i32
        %get3A_511 = arith.index_cast %get3A : i32 to index
        %get3A_512 = arith.index_cast %add3A_510 : i32 to index
        %get3A_513 = tpu.vector_load %arg8[%get3A_511, %get3A_512] {strides = array<i32>} : memref<2x1024xf32, #tpu.memory_space<vmem>>, vector<16xf32>,
        %get3A_514 = arith.constant 4 : i32
        %get3A_515 = arith.index_cast %get3A_514 : i32 to index
        %get3A_516 = arith.index_cast %add3A_510 : i32 to index
        %get3A_517 = tpu.vector_load %arg10[%get3A_515, %get3A_516] {strides = array<i32>} : memref<8x1024xf32, #tpu.memory_space<vmem>>, vector<16xf32>,
        %mul3A_518 = arith.mulf %get3A_513, %get3A_517 : vector<16xf32>
        %add3A_519 = arith.addf %scan3A_506, %mul3A_518 : vector<16xf32>
        %add3A_520 = arith.constant 16 : i32
        %add3A_521 = arith.addi %multiple_of3A, %add3A_520 : i32
        %get3A_522 = arith.constant 1 : i32
        %get3A_523 = arith.index_cast %get3A_522 : i32 to index
        %get3A_524 = arith.index_cast %add3A_521 : i32 to index
        %get3A_525 = tpu.vector_load %arg8[%get3A_523, %get3A_524] {strides = array<i32>} : memref<2x1024xf32, #tpu.memory_space<vmem>>, vector<16xf32>,
        %get3A_526 = arith.constant 4 : i32
        %get3A_527 = arith.index_cast %get3A_526 : i32 to index
        %get3A_528 = arith.index_cast %add3A_521 : i32 to index
        %get3A_529 = tpu.vector_load %arg10[%get3A_527, %get3A_528] {strides = array<i32>} : memref<8x1024xf32, #tpu.memory_space<vmem>>, vector<16xf32>,
        %mul3A_530 = arith.mulf %get3A_525, %get3A_529 : vector<16xf32>
        %add3A_531 = arith.addf %add3A_519, %mul3A_530 : vector<16xf32>
        %add3A_532 = arith.constant 32 : i32
        %add3A_533 = arith.addi %multiple_of3A, %add3A_532 : i32
        %get3A_534 = arith.constant 1 : i32
        %get3A_535 = arith.index_cast %get3A_534 : i32 to index
        %get3A_536 = arith.index_cast %add3A_533 : i32 to index
        %get3A_537 = tpu.vector_load %arg8[%get3A_535, %get3A_536] {strides = array<i32>} : memref<2x1024xf32, #tpu.memory_space<vmem>>, vector<16xf32>,
        %get3A_538 = arith.constant 4 : i32
        %get3A_539 = arith.index_cast %get3A_538 : i32 to index
        %get3A_540 = arith.index_cast %add3A_533 : i32 to index
        %get3A_541 = tpu.vector_load %arg10[%get3A_539, %get3A_540] {strides = array<i32>} : memref<8x1024xf32, #tpu.memory_space<vmem>>, vector<16xf32>,
        %mul3A_542 = arith.mulf %get3A_537, %get3A_541 : vector<16xf32>
        %add3A_543 = arith.addf %add3A_531, %mul3A_542 : vector<16xf32>
        %add3A_544 = arith.constant 48 : i32
        %add3A_545 = arith.addi %multiple_of3A, %add3A_544 : i32
        %get3A_546 = arith.constant 1 : i32
        %get3A_547 = arith.index_cast %get3A_546 : i32 to index
        %get3A_548 = arith.index_cast %add3A_545 : i32 to index
        %get3A_549 = tpu.vector_load %arg8[%get3A_547, %get3A_548] {strides = array<i32>} : memref<2x1024xf32, #tpu.memory_space<vmem>>, vector<16xf32>,
        %get3A_550 = arith.constant 4 : i32
        %get3A_551 = arith.index_cast %get3A_550 : i32 to index
        %get3A_552 = arith.index_cast %add3A_545 : i32 to index
        %get3A_553 = tpu.vector_load %arg10[%get3A_551, %get3A_552] {strides = array<i32>} : memref<8x1024xf32, #tpu.memory_space<vmem>>, vector<16xf32>,
        %mul3A_554 = arith.mulf %get3A_549, %get3A_553 : vector<16xf32>
        %add3A_555 = arith.addf %add3A_543, %mul3A_554 : vector<16xf32>
        scf.yield %add3A_555 : vector<16xf32>
      }
      %scan3A_319 = arith.constant 16 : i32
      %eq3A_320 = arith.constant 4 : i32
      %eq3A_321 = vector.broadcast %eq3A_320 : i32 to vector<16xi32>
      %eq3A_322 = arith.cmpi eq, %iota3A, %eq3A_321 : vector<16xi32>
      %reduce_sum3A_323 = arith.constant true
      %reduce_sum3A_324 = vector.broadcast %reduce_sum3A_323 : i1 to vector<16xi1>
      %reduce_sum3A_325 = tpu.scan <sum>, %scan3A_318 masked %reduce_sum3A_324 : vector<16xf32>, vector<16xi1> -> vector<16xf32>
      %reduce_sum3A_326 = vector.extract %reduce_sum3A_325[15] : f32 from vector<16xf32>
      %broadcast_in_dim3A_327 = vector.broadcast %reduce_sum3A_326 : f32 to vector<16xf32>
      %select_n3A_328 = arith.select %eq3A_322, %broadcast_in_dim3A_327, %select_n3A_311 : vector<16xi1>, vector<16xf32>
      %broadcast_in_dim3A_329 = arith.constant 0.000000e+00 : f32
      %broadcast_in_dim3A_330 = vector.broadcast %broadcast_in_dim3A_329 : f32 to vector<16xf32>
      %scan3A_331 = arith.constant 0 : i32
      %scan3A_332 = arith.constant 16 : i32
      %scan3A_333 = arith.addi %scan3A_331, %scan3A_332 : i32
      %scan3A_334 = arith.constant 1 : i32
      %scan3A_335 = scf.for %scan3A_505 = %scan3A_331 to %scan3A_333 step %scan3A_334 iter_args(%scan3A_506 = %broadcast_in_dim3A_330) -> (vector<16xf32>)  : i32 {
        %mul3A_507 = arith.constant 64 : i32
        %mul3A_508 = arith.muli %scan3A_505, %mul3A_507 : i32
        %multiple_of3A = tpu.assume_multiple %mul3A_508, 64 : i32
        %add3A_509 = arith.constant 0 : i32
        %add3A_510 = arith.addi %multiple_of3A, %add3A_509 : i32
        %get3A = arith.constant 1 : i32
        %get3A_511 = arith.index_cast %get3A : i32 to index
        %get3A_512 = arith.index_cast %add3A_510 : i32 to index
        %get3A_513 = tpu.vector_load %arg8[%get3A_511, %get3A_512] {strides = array<i32>} : memref<2x1024xf32, #tpu.memory_space<vmem>>, vector<16xf32>,
        %get3A_514 = arith.constant 5 : i32
        %get3A_515 = arith.index_cast %get3A_514 : i32 to index
        %get3A_516 = arith.index_cast %add3A_510 : i32 to index
        %get3A_517 = tpu.vector_load %arg10[%get3A_515, %get3A_516] {strides = array<i32>} : memref<8x1024xf32, #tpu.memory_space<vmem>>, vector<16xf32>,
        %mul3A_518 = arith.mulf %get3A_513, %get3A_517 : vector<16xf32>
        %add3A_519 = arith.addf %scan3A_506, %mul3A_518 : vector<16xf32>
        %add3A_520 = arith.constant 16 : i32
        %add3A_521 = arith.addi %multiple_of3A, %add3A_520 : i32
        %get3A_522 = arith.constant 1 : i32
        %get3A_523 = arith.index_cast %get3A_522 : i32 to index
        %get3A_524 = arith.index_cast %add3A_521 : i32 to index
        %get3A_525 = tpu.vector_load %arg8[%get3A_523, %get3A_524] {strides = array<i32>} : memref<2x1024xf32, #tpu.memory_space<vmem>>, vector<16xf32>,
        %get3A_526 = arith.constant 5 : i32
        %get3A_527 = arith.index_cast %get3A_526 : i32 to index
        %get3A_528 = arith.index_cast %add3A_521 : i32 to index
        %get3A_529 = tpu.vector_load %arg10[%get3A_527, %get3A_528] {strides = array<i32>} : memref<8x1024xf32, #tpu.memory_space<vmem>>, vector<16xf32>,
        %mul3A_530 = arith.mulf %get3A_525, %get3A_529 : vector<16xf32>
        %add3A_531 = arith.addf %add3A_519, %mul3A_530 : vector<16xf32>
        %add3A_532 = arith.constant 32 : i32
        %add3A_533 = arith.addi %multiple_of3A, %add3A_532 : i32
        %get3A_534 = arith.constant 1 : i32
        %get3A_535 = arith.index_cast %get3A_534 : i32 to index
        %get3A_536 = arith.index_cast %add3A_533 : i32 to index
        %get3A_537 = tpu.vector_load %arg8[%get3A_535, %get3A_536] {strides = array<i32>} : memref<2x1024xf32, #tpu.memory_space<vmem>>, vector<16xf32>,
        %get3A_538 = arith.constant 5 : i32
        %get3A_539 = arith.index_cast %get3A_538 : i32 to index
        %get3A_540 = arith.index_cast %add3A_533 : i32 to index
        %get3A_541 = tpu.vector_load %arg10[%get3A_539, %get3A_540] {strides = array<i32>} : memref<8x1024xf32, #tpu.memory_space<vmem>>, vector<16xf32>,
        %mul3A_542 = arith.mulf %get3A_537, %get3A_541 : vector<16xf32>
        %add3A_543 = arith.addf %add3A_531, %mul3A_542 : vector<16xf32>
        %add3A_544 = arith.constant 48 : i32
        %add3A_545 = arith.addi %multiple_of3A, %add3A_544 : i32
        %get3A_546 = arith.constant 1 : i32
        %get3A_547 = arith.index_cast %get3A_546 : i32 to index
        %get3A_548 = arith.index_cast %add3A_545 : i32 to index
        %get3A_549 = tpu.vector_load %arg8[%get3A_547, %get3A_548] {strides = array<i32>} : memref<2x1024xf32, #tpu.memory_space<vmem>>, vector<16xf32>,
        %get3A_550 = arith.constant 5 : i32
        %get3A_551 = arith.index_cast %get3A_550 : i32 to index
        %get3A_552 = arith.index_cast %add3A_545 : i32 to index
        %get3A_553 = tpu.vector_load %arg10[%get3A_551, %get3A_552] {strides = array<i32>} : memref<8x1024xf32, #tpu.memory_space<vmem>>, vector<16xf32>,
        %mul3A_554 = arith.mulf %get3A_549, %get3A_553 : vector<16xf32>
        %add3A_555 = arith.addf %add3A_543, %mul3A_554 : vector<16xf32>
        scf.yield %add3A_555 : vector<16xf32>
      }
      %scan3A_336 = arith.constant 16 : i32
      %eq3A_337 = arith.constant 5 : i32
      %eq3A_338 = vector.broadcast %eq3A_337 : i32 to vector<16xi32>
      %eq3A_339 = arith.cmpi eq, %iota3A, %eq3A_338 : vector<16xi32>
      %reduce_sum3A_340 = arith.constant true
      %reduce_sum3A_341 = vector.broadcast %reduce_sum3A_340 : i1 to vector<16xi1>
      %reduce_sum3A_342 = tpu.scan <sum>, %scan3A_335 masked %reduce_sum3A_341 : vector<16xf32>, vector<16xi1> -> vector<16xf32>
      %reduce_sum3A_343 = vector.extract %reduce_sum3A_342[15] : f32 from vector<16xf32>
      %broadcast_in_dim3A_344 = vector.broadcast %reduce_sum3A_343 : f32 to vector<16xf32>
      %select_n3A_345 = arith.select %eq3A_339, %broadcast_in_dim3A_344, %select_n3A_328 : vector<16xi1>, vector<16xf32>
      %broadcast_in_dim3A_346 = arith.constant 0.000000e+00 : f32
      %broadcast_in_dim3A_347 = vector.broadcast %broadcast_in_dim3A_346 : f32 to vector<16xf32>
      %scan3A_348 = arith.constant 0 : i32
      %scan3A_349 = arith.constant 16 : i32
      %scan3A_350 = arith.addi %scan3A_348, %scan3A_349 : i32
      %scan3A_351 = arith.constant 1 : i32
      %scan3A_352 = scf.for %scan3A_505 = %scan3A_348 to %scan3A_350 step %scan3A_351 iter_args(%scan3A_506 = %broadcast_in_dim3A_347) -> (vector<16xf32>)  : i32 {
        %mul3A_507 = arith.constant 64 : i32
        %mul3A_508 = arith.muli %scan3A_505, %mul3A_507 : i32
        %multiple_of3A = tpu.assume_multiple %mul3A_508, 64 : i32
        %add3A_509 = arith.constant 0 : i32
        %add3A_510 = arith.addi %multiple_of3A, %add3A_509 : i32
        %get3A = arith.constant 1 : i32
        %get3A_511 = arith.index_cast %get3A : i32 to index
        %get3A_512 = arith.index_cast %add3A_510 : i32 to index
        %get3A_513 = tpu.vector_load %arg8[%get3A_511, %get3A_512] {strides = array<i32>} : memref<2x1024xf32, #tpu.memory_space<vmem>>, vector<16xf32>,
        %get3A_514 = arith.constant 6 : i32
        %get3A_515 = arith.index_cast %get3A_514 : i32 to index
        %get3A_516 = arith.index_cast %add3A_510 : i32 to index
        %get3A_517 = tpu.vector_load %arg10[%get3A_515, %get3A_516] {strides = array<i32>} : memref<8x1024xf32, #tpu.memory_space<vmem>>, vector<16xf32>,
        %mul3A_518 = arith.mulf %get3A_513, %get3A_517 : vector<16xf32>
        %add3A_519 = arith.addf %scan3A_506, %mul3A_518 : vector<16xf32>
        %add3A_520 = arith.constant 16 : i32
        %add3A_521 = arith.addi %multiple_of3A, %add3A_520 : i32
        %get3A_522 = arith.constant 1 : i32
        %get3A_523 = arith.index_cast %get3A_522 : i32 to index
        %get3A_524 = arith.index_cast %add3A_521 : i32 to index
        %get3A_525 = tpu.vector_load %arg8[%get3A_523, %get3A_524] {strides = array<i32>} : memref<2x1024xf32, #tpu.memory_space<vmem>>, vector<16xf32>,
        %get3A_526 = arith.constant 6 : i32
        %get3A_527 = arith.index_cast %get3A_526 : i32 to index
        %get3A_528 = arith.index_cast %add3A_521 : i32 to index
        %get3A_529 = tpu.vector_load %arg10[%get3A_527, %get3A_528] {strides = array<i32>} : memref<8x1024xf32, #tpu.memory_space<vmem>>, vector<16xf32>,
        %mul3A_530 = arith.mulf %get3A_525, %get3A_529 : vector<16xf32>
        %add3A_531 = arith.addf %add3A_519, %mul3A_530 : vector<16xf32>
        %add3A_532 = arith.constant 32 : i32
        %add3A_533 = arith.addi %multiple_of3A, %add3A_532 : i32
        %get3A_534 = arith.constant 1 : i32
        %get3A_535 = arith.index_cast %get3A_534 : i32 to index
        %get3A_536 = arith.index_cast %add3A_533 : i32 to index
        %get3A_537 = tpu.vector_load %arg8[%get3A_535, %get3A_536] {strides = array<i32>} : memref<2x1024xf32, #tpu.memory_space<vmem>>, vector<16xf32>,
        %get3A_538 = arith.constant 6 : i32
        %get3A_539 = arith.index_cast %get3A_538 : i32 to index
        %get3A_540 = arith.index_cast %add3A_533 : i32 to index
        %get3A_541 = tpu.vector_load %arg10[%get3A_539, %get3A_540] {strides = array<i32>} : memref<8x1024xf32, #tpu.memory_space<vmem>>, vector<16xf32>,
        %mul3A_542 = arith.mulf %get3A_537, %get3A_541 : vector<16xf32>
        %add3A_543 = arith.addf %add3A_531, %mul3A_542 : vector<16xf32>
        %add3A_544 = arith.constant 48 : i32
        %add3A_545 = arith.addi %multiple_of3A, %add3A_544 : i32
        %get3A_546 = arith.constant 1 : i32
        %get3A_547 = arith.index_cast %get3A_546 : i32 to index
        %get3A_548 = arith.index_cast %add3A_545 : i32 to index
        %get3A_549 = tpu.vector_load %arg8[%get3A_547, %get3A_548] {strides = array<i32>} : memref<2x1024xf32, #tpu.memory_space<vmem>>, vector<16xf32>,
        %get3A_550 = arith.constant 6 : i32
        %get3A_551 = arith.index_cast %get3A_550 : i32 to index
        %get3A_552 = arith.index_cast %add3A_545 : i32 to index
        %get3A_553 = tpu.vector_load %arg10[%get3A_551, %get3A_552] {strides = array<i32>} : memref<8x1024xf32, #tpu.memory_space<vmem>>, vector<16xf32>,
        %mul3A_554 = arith.mulf %get3A_549, %get3A_553 : vector<16xf32>
        %add3A_555 = arith.addf %add3A_543, %mul3A_554 : vector<16xf32>
        scf.yield %add3A_555 : vector<16xf32>
      }
      %scan3A_353 = arith.constant 16 : i32
      %eq3A_354 = arith.constant 6 : i32
      %eq3A_355 = vector.broadcast %eq3A_354 : i32 to vector<16xi32>
      %eq3A_356 = arith.cmpi eq, %iota3A, %eq3A_355 : vector<16xi32>
      %reduce_sum3A_357 = arith.constant true
      %reduce_sum3A_358 = vector.broadcast %reduce_sum3A_357 : i1 to vector<16xi1>
      %reduce_sum3A_359 = tpu.scan <sum>, %scan3A_352 masked %reduce_sum3A_358 : vector<16xf32>, vector<16xi1> -> vector<16xf32>
      %reduce_sum3A_360 = vector.extract %reduce_sum3A_359[15] : f32 from vector<16xf32>
      %broadcast_in_dim3A_361 = vector.broadcast %reduce_sum3A_360 : f32 to vector<16xf32>
      %select_n3A_362 = arith.select %eq3A_356, %broadcast_in_dim3A_361, %select_n3A_345 : vector<16xi1>, vector<16xf32>
      %broadcast_in_dim3A_363 = arith.constant 0.000000e+00 : f32
      %broadcast_in_dim3A_364 = vector.broadcast %broadcast_in_dim3A_363 : f32 to vector<16xf32>
      %scan3A_365 = arith.constant 0 : i32
      %scan3A_366 = arith.constant 16 : i32
      %scan3A_367 = arith.addi %scan3A_365, %scan3A_366 : i32
      %scan3A_368 = arith.constant 1 : i32
      %scan3A_369 = scf.for %scan3A_505 = %scan3A_365 to %scan3A_367 step %scan3A_368 iter_args(%scan3A_506 = %broadcast_in_dim3A_364) -> (vector<16xf32>)  : i32 {
        %mul3A_507 = arith.constant 64 : i32
        %mul3A_508 = arith.muli %scan3A_505, %mul3A_507 : i32
        %multiple_of3A = tpu.assume_multiple %mul3A_508, 64 : i32
        %add3A_509 = arith.constant 0 : i32
        %add3A_510 = arith.addi %multiple_of3A, %add3A_509 : i32
        %get3A = arith.constant 1 : i32
        %get3A_511 = arith.index_cast %get3A : i32 to index
        %get3A_512 = arith.index_cast %add3A_510 : i32 to index
        %get3A_513 = tpu.vector_load %arg8[%get3A_511, %get3A_512] {strides = array<i32>} : memref<2x1024xf32, #tpu.memory_space<vmem>>, vector<16xf32>,
        %get3A_514 = arith.constant 7 : i32
        %get3A_515 = arith.index_cast %get3A_514 : i32 to index
        %get3A_516 = arith.index_cast %add3A_510 : i32 to index
        %get3A_517 = tpu.vector_load %arg10[%get3A_515, %get3A_516] {strides = array<i32>} : memref<8x1024xf32, #tpu.memory_space<vmem>>, vector<16xf32>,
        %mul3A_518 = arith.mulf %get3A_513, %get3A_517 : vector<16xf32>
        %add3A_519 = arith.addf %scan3A_506, %mul3A_518 : vector<16xf32>
        %add3A_520 = arith.constant 16 : i32
        %add3A_521 = arith.addi %multiple_of3A, %add3A_520 : i32
        %get3A_522 = arith.constant 1 : i32
        %get3A_523 = arith.index_cast %get3A_522 : i32 to index
        %get3A_524 = arith.index_cast %add3A_521 : i32 to index
        %get3A_525 = tpu.vector_load %arg8[%get3A_523, %get3A_524] {strides = array<i32>} : memref<2x1024xf32, #tpu.memory_space<vmem>>, vector<16xf32>,
        %get3A_526 = arith.constant 7 : i32
        %get3A_527 = arith.index_cast %get3A_526 : i32 to index
        %get3A_528 = arith.index_cast %add3A_521 : i32 to index
        %get3A_529 = tpu.vector_load %arg10[%get3A_527, %get3A_528] {strides = array<i32>} : memref<8x1024xf32, #tpu.memory_space<vmem>>, vector<16xf32>,
        %mul3A_530 = arith.mulf %get3A_525, %get3A_529 : vector<16xf32>
        %add3A_531 = arith.addf %add3A_519, %mul3A_530 : vector<16xf32>
        %add3A_532 = arith.constant 32 : i32
        %add3A_533 = arith.addi %multiple_of3A, %add3A_532 : i32
        %get3A_534 = arith.constant 1 : i32
        %get3A_535 = arith.index_cast %get3A_534 : i32 to index
        %get3A_536 = arith.index_cast %add3A_533 : i32 to index
        %get3A_537 = tpu.vector_load %arg8[%get3A_535, %get3A_536] {strides = array<i32>} : memref<2x1024xf32, #tpu.memory_space<vmem>>, vector<16xf32>,
        %get3A_538 = arith.constant 7 : i32
        %get3A_539 = arith.index_cast %get3A_538 : i32 to index
        %get3A_540 = arith.index_cast %add3A_533 : i32 to index
        %get3A_541 = tpu.vector_load %arg10[%get3A_539, %get3A_540] {strides = array<i32>} : memref<8x1024xf32, #tpu.memory_space<vmem>>, vector<16xf32>,
        %mul3A_542 = arith.mulf %get3A_537, %get3A_541 : vector<16xf32>
        %add3A_543 = arith.addf %add3A_531, %mul3A_542 : vector<16xf32>
        %add3A_544 = arith.constant 48 : i32
        %add3A_545 = arith.addi %multiple_of3A, %add3A_544 : i32
        %get3A_546 = arith.constant 1 : i32
        %get3A_547 = arith.index_cast %get3A_546 : i32 to index
        %get3A_548 = arith.index_cast %add3A_545 : i32 to index
        %get3A_549 = tpu.vector_load %arg8[%get3A_547, %get3A_548] {strides = array<i32>} : memref<2x1024xf32, #tpu.memory_space<vmem>>, vector<16xf32>,
        %get3A_550 = arith.constant 7 : i32
        %get3A_551 = arith.index_cast %get3A_550 : i32 to index
        %get3A_552 = arith.index_cast %add3A_545 : i32 to index
        %get3A_553 = tpu.vector_load %arg10[%get3A_551, %get3A_552] {strides = array<i32>} : memref<8x1024xf32, #tpu.memory_space<vmem>>, vector<16xf32>,
        %mul3A_554 = arith.mulf %get3A_549, %get3A_553 : vector<16xf32>
        %add3A_555 = arith.addf %add3A_543, %mul3A_554 : vector<16xf32>
        scf.yield %add3A_555 : vector<16xf32>
      }
      %scan3A_370 = arith.constant 16 : i32
      %eq3A_371 = arith.constant 7 : i32
      %eq3A_372 = vector.broadcast %eq3A_371 : i32 to vector<16xi32>
      %eq3A_373 = arith.cmpi eq, %iota3A, %eq3A_372 : vector<16xi32>
      %reduce_sum3A_374 = arith.constant true
      %reduce_sum3A_375 = vector.broadcast %reduce_sum3A_374 : i1 to vector<16xi1>
      %reduce_sum3A_376 = tpu.scan <sum>, %scan3A_369 masked %reduce_sum3A_375 : vector<16xf32>, vector<16xi1> -> vector<16xf32>
      %reduce_sum3A_377 = vector.extract %reduce_sum3A_376[15] : f32 from vector<16xf32>
      %broadcast_in_dim3A_378 = vector.broadcast %reduce_sum3A_377 : f32 to vector<16xf32>
      %select_n3A_379 = arith.select %eq3A_373, %broadcast_in_dim3A_378, %select_n3A_362 : vector<16xi1>, vector<16xf32>
      %reduce_max3A_380 = arith.constant true
      %reduce_max3A_381 = vector.broadcast %reduce_max3A_380 : i1 to vector<16xi1>
      %reduce_max3A_382 = tpu.scan <max>, %select_n3A_379 masked %reduce_max3A_381 : vector<16xf32>, vector<16xi1> -> vector<16xf32>
      %reduce_max3A_383 = vector.extract %reduce_max3A_382[15] : f32 from vector<16xf32>
      %lt3A_384 = arith.constant 8 : i32
      %lt3A_385 = vector.broadcast %lt3A_384 : i32 to vector<16xi32>
      %lt3A_386 = arith.cmpi slt, %iota3A, %lt3A_385 : vector<16xi32>
      %sub3A_387 = vector.broadcast %reduce_max3A_383 : f32 to vector<16xf32>
      %sub3A_388 = arith.subf %select_n3A_379, %sub3A_387 : vector<16xf32>
      %exp3A_389 = math.exp %sub3A_388 : vector<16xf32>
      %jit3A_390 = arith.constant 0.000000e+00 : f32
      %broadcast_in_dim3A_391 = vector.broadcast %jit3A_390 : f32 to vector<16xf32>
      %select_n3A_392 = arith.select %lt3A_386, %exp3A_389, %broadcast_in_dim3A_391 : vector<16xi1>, vector<16xf32>
      %reduce_sum3A_393 = arith.constant true
      %reduce_sum3A_394 = vector.broadcast %reduce_sum3A_393 : i1 to vector<16xi1>
      %reduce_sum3A_395 = tpu.scan <sum>, %select_n3A_392 masked %reduce_sum3A_394 : vector<16xf32>, vector<16xi1> -> vector<16xf32>
      %reduce_sum3A_396 = vector.extract %reduce_sum3A_395[15] : f32 from vector<16xf32>
      %broadcast_in_dim3A_397 = vector.broadcast %reduce_sum3A_396 : f32 to vector<16xf32>
      %div3A_398 = arith.divf %select_n3A_392, %broadcast_in_dim3A_397 : vector<16xf32>
      %reduce_max3A_399 = arith.constant true
      %reduce_max3A_400 = vector.broadcast %reduce_max3A_399 : i1 to vector<16xi1>
      %reduce_max3A_401 = tpu.scan <max>, %div3A_398 masked %reduce_max3A_400 : vector<16xf32>, vector<16xi1> -> vector<16xf32>
      %reduce_max3A_402 = vector.extract %reduce_max3A_401[15] : f32 from vector<16xf32>
      %eq3A_403 = vector.broadcast %reduce_max3A_402 : f32 to vector<16xf32>
      %eq3A_404 = arith.cmpf oeq, %div3A_398, %eq3A_403 : vector<16xf32>
      %jit3A_405 = arith.constant 16 : i32
      %broadcast_in_dim3A_406 = vector.broadcast %jit3A_405 : i32 to vector<16xi32>
      %select_n3A_407 = arith.select %eq3A_404, %iota3A, %broadcast_in_dim3A_406 : vector<16xi1>, vector<16xi32>
      %reduce_min3A_408 = arith.constant true
      %reduce_min3A_409 = vector.broadcast %reduce_min3A_408 : i1 to vector<16xi1>
      %reduce_min3A_410 = arith.constant -2147483648 : i32
      %reduce_min3A_411 = vector.broadcast %reduce_min3A_410 : i32 to vector<16xi32>
      %reduce_min3A_412 = arith.xori %select_n3A_407, %reduce_min3A_411 : vector<16xi32>
      %reduce_min3A_413 = tpu.scan <min>, %reduce_min3A_412 masked %reduce_min3A_409 : vector<16xi32>, vector<16xi1> -> vector<16xi32>
      %reduce_min3A_414 = arith.xori %reduce_min3A_413, %reduce_min3A_411 : vector<16xi32>
      %reduce_min3A_415 = vector.extract %reduce_min3A_414[15] : i32 from vector<16xi32>
      %eq3A_416 = vector.broadcast %reduce_min3A_415 : i32 to vector<16xi32>
      %eq3A_417 = arith.cmpi eq, %iota3A, %eq3A_416 : vector<16xi32>
      %jit3A_418 = arith.constant -1.000000e+00 : f32
      %broadcast_in_dim3A_419 = vector.broadcast %jit3A_418 : f32 to vector<16xf32>
      %select_n3A_420 = arith.select %eq3A_417, %broadcast_in_dim3A_419, %div3A_398 : vector<16xi1>, vector<16xf32>
      %reduce_max3A_421 = arith.constant true
      %reduce_max3A_422 = vector.broadcast %reduce_max3A_421 : i1 to vector<16xi1>
      %reduce_max3A_423 = tpu.scan <max>, %select_n3A_420 masked %reduce_max3A_422 : vector<16xf32>, vector<16xi1> -> vector<16xf32>
      %reduce_max3A_424 = vector.extract %reduce_max3A_423[15] : f32 from vector<16xf32>
      %eq3A_425 = vector.broadcast %reduce_max3A_424 : f32 to vector<16xf32>
      %eq3A_426 = arith.cmpf oeq, %select_n3A_420, %eq3A_425 : vector<16xf32>
      %jit3A_427 = arith.constant 16 : i32
      %broadcast_in_dim3A_428 = vector.broadcast %jit3A_427 : i32 to vector<16xi32>
      %select_n3A_429 = arith.select %eq3A_426, %iota3A, %broadcast_in_dim3A_428 : vector<16xi1>, vector<16xi32>
      %reduce_min3A_430 = arith.constant true
      %reduce_min3A_431 = vector.broadcast %reduce_min3A_430 : i1 to vector<16xi1>
      %reduce_min3A_432 = arith.constant -2147483648 : i32
      %reduce_min3A_433 = vector.broadcast %reduce_min3A_432 : i32 to vector<16xi32>
      %reduce_min3A_434 = arith.xori %select_n3A_429, %reduce_min3A_433 : vector<16xi32>
      %reduce_min3A_435 = tpu.scan <min>, %reduce_min3A_434 masked %reduce_min3A_431 : vector<16xi32>, vector<16xi1> -> vector<16xi32>
      %reduce_min3A_436 = arith.xori %reduce_min3A_435, %reduce_min3A_433 : vector<16xi32>
      %reduce_min3A_437 = vector.extract %reduce_min3A_436[15] : i32 from vector<16xi32>
      %add3A_438 = arith.addf %reduce_max3A_402, %reduce_max3A_424 : f32
      %max3A_439 = arith.constant 9.99999993E-9 : f32
      %max3A_440 = arith.maximumf %add3A_438, %max3A_439 : f32
      %broadcast_in_dim3A_441 = vector.broadcast %max3A_440 : f32 to vector<16xf32>
      %eq3A_442 = arith.constant 2 : i32
      %eq3A_443 = vector.broadcast %eq3A_442 : i32 to vector<16xi32>
      %eq3A_444 = arith.cmpi eq, %iota3A, %eq3A_443 : vector<16xi32>
      %jit3A_445 = arith.constant 0.000000e+00 : f32
      %broadcast_in_dim3A_446 = vector.broadcast %reduce_max3A_402 : f32 to vector<16xf32>
      %broadcast_in_dim3A_447 = vector.broadcast %jit3A_445 : f32 to vector<16xf32>
      %select_n3A_448 = arith.select %eq3A_444, %broadcast_in_dim3A_446, %broadcast_in_dim3A_447 : vector<16xi1>, vector<16xf32>
      %eq3A_449 = arith.constant 3 : i32
      %eq3A_450 = vector.broadcast %eq3A_449 : i32 to vector<16xi32>
      %eq3A_451 = arith.cmpi eq, %iota3A, %eq3A_450 : vector<16xi32>
      %jit3A_452 = arith.constant 0.000000e+00 : f32
      %broadcast_in_dim3A_453 = vector.broadcast %reduce_max3A_424 : f32 to vector<16xf32>
      %broadcast_in_dim3A_454 = vector.broadcast %jit3A_452 : f32 to vector<16xf32>
      %select_n3A_455 = arith.select %eq3A_451, %broadcast_in_dim3A_453, %broadcast_in_dim3A_454 : vector<16xi1>, vector<16xf32>
      %add3A_456 = arith.addf %select_n3A_448, %select_n3A_455 : vector<16xf32>
      %eq3A_457 = arith.constant 2 : i32
      %eq3A_458 = vector.broadcast %eq3A_457 : i32 to vector<16xi32>
      %eq3A_459 = arith.cmpi eq, %iota3A, %eq3A_458 : vector<16xi32>
      %broadcast_in_dim3A_460 = vector.broadcast %reduce_min3A_415 : i32 to vector<16xi32>
      %select_n3A_461 = arith.select %eq3A_459, %broadcast_in_dim3A_460, %select_n3A_228 : vector<16xi1>, vector<16xi32>
      %eq3A_462 = arith.constant 3 : i32
      %eq3A_463 = vector.broadcast %eq3A_462 : i32 to vector<16xi32>
      %eq3A_464 = arith.cmpi eq, %iota3A, %eq3A_463 : vector<16xi32>
      %broadcast_in_dim3A_465 = vector.broadcast %reduce_min3A_437 : i32 to vector<16xi32>
      %select_n3A_466 = arith.select %eq3A_464, %broadcast_in_dim3A_465, %select_n3A_461 : vector<16xi1>, vector<16xi32>
      %div3A_467 = arith.divf %add3A_456, %broadcast_in_dim3A_441 : vector<16xf32>
      %add3A_468 = arith.addf %add3A_230, %div3A_467 : vector<16xf32>
      %add3A_469 = arith.addf %add3A_231, %div3A_398 : vector<16xf32>
      %eq3A_470 = vector.broadcast %reduce_min3A_415 : i32 to vector<16xi32>
      %eq3A_471 = arith.cmpi eq, %iota3A, %eq3A_470 : vector<16xi32>
      %eq3A_472 = vector.broadcast %reduce_min3A_437 : i32 to vector<16xi32>
      %eq3A_473 = arith.cmpi eq, %iota3A, %eq3A_472 : vector<16xi32>
      %or3A_474 = arith.ori %eq3A_471, %eq3A_473 : vector<16xi1>
      %jit3A_475 = arith.constant 1.000000e+00 : f32
      %jit3A_476 = arith.constant 0.000000e+00 : f32
      %broadcast_in_dim3A_477 = vector.broadcast %jit3A_475 : f32 to vector<16xf32>
      %broadcast_in_dim3A_478 = vector.broadcast %jit3A_476 : f32 to vector<16xf32>
      %select_n3A_479 = arith.select %or3A_474, %broadcast_in_dim3A_477, %broadcast_in_dim3A_478 : vector<16xi1>, vector<16xf32>
      %add3A_480 = arith.addf %add3A_241, %select_n3A_479 : vector<16xf32>
      %mul3A = arith.mulf %add3A_469, %add3A_480 : vector<16xf32>
      %reduce_sum3A_481 = arith.constant true
      %reduce_sum3A_482 = vector.broadcast %reduce_sum3A_481 : i1 to vector<16xi1>
      %reduce_sum3A_483 = tpu.scan <sum>, %mul3A masked %reduce_sum3A_482 : vector<16xf32>, vector<16xi1> -> vector<16xf32>
      %reduce_sum3A_484 = vector.extract %reduce_sum3A_483[15] : f32 from vector<16xf32>
      %mul3A_485 = arith.constant 1.000000e+00 : f32
      %mul3A_486 = arith.mulf %reduce_sum3A_484, %mul3A_485 : f32
      %swap3A = arith.constant 0 : i32
      %swap3A_487 = arith.index_cast %swap3A : i32 to index
      %swap3A_488 = arith.constant 0 : index
      %swap3A_489 = tpu.vector_load %arg11[%swap3A_487, %swap3A_488] {strides = array<i32>} : memref<1x16xi32, #tpu.memory_space<vmem>>, vector<16xi32>,
      tpu.vector_store %arg11[%swap3A_487, %swap3A_488], %select_n3A_466 {strides = array<i32>} : memref<1x16xi32, #tpu.memory_space<vmem>>, vector<16xi32>,
      %swap3A_490 = arith.constant 0 : i32
      %swap3A_491 = arith.index_cast %swap3A_490 : i32 to index
      %swap3A_492 = arith.constant 0 : index
      %swap3A_493 = tpu.vector_load %arg12[%swap3A_491, %swap3A_492] {strides = array<i32>} : memref<1x16xf32, #tpu.memory_space<vmem>>, vector<16xf32>,
      tpu.vector_store %arg12[%swap3A_491, %swap3A_492], %add3A_468 {strides = array<i32>} : memref<1x16xf32, #tpu.memory_space<vmem>>, vector<16xf32>,
      %eq3A_494 = arith.constant 0 : i32
      %eq3A_495 = vector.broadcast %eq3A_494 : i32 to vector<16xi32>
      %eq3A_496 = arith.cmpi eq, %iota3A, %eq3A_495 : vector<16xi32>
      %jit3A_497 = arith.constant 0.000000e+00 : f32
      %broadcast_in_dim3A_498 = vector.broadcast %mul3A_486 : f32 to vector<16xf32>
      %broadcast_in_dim3A_499 = vector.broadcast %jit3A_497 : f32 to vector<16xf32>
      %select_n3A_500 = arith.select %eq3A_496, %broadcast_in_dim3A_498, %broadcast_in_dim3A_499 : vector<16xi1>, vector<16xf32>
      %swap3A_501 = arith.constant 0 : i32
      %swap3A_502 = arith.index_cast %swap3A_501 : i32 to index
      %swap3A_503 = arith.constant 0 : index
      %swap3A_504 = tpu.vector_load %arg13[%swap3A_502, %swap3A_503] {strides = array<i32>} : memref<1x16xf32, #tpu.memory_space<vmem>>, vector<16xf32>,
      tpu.vector_store %arg13[%swap3A_502, %swap3A_503], %select_n3A_500 {strides = array<i32>} : memref<1x16xf32, #tpu.memory_space<vmem>>, vector<16xf32>,
      tpu.enqueue_dma source(%arg11 : memref<1x16xi32, #tpu.memory_space<vmem>>) target(%arg5 : memref<1x16xi32, #tpu.memory_space<hbm>>) target_semaphore(%arg14 : memref<!tpu.dma_semaphore, #tpu.memory_space<semaphore_mem>>)
      tpu.wait_dma2 semaphore(%arg14 : memref<!tpu.dma_semaphore, #tpu.memory_space<semaphore_mem>>) src(%arg11 : memref<1x16xi32, #tpu.memory_space<vmem>>) dst(%arg5 : memref<1x16xi32, #tpu.memory_space<hbm>>)
      tpu.enqueue_dma source(%arg12 : memref<1x16xf32, #tpu.memory_space<vmem>>) target(%arg6 : memref<1x16xf32, #tpu.memory_space<hbm>>) target_semaphore(%arg14 : memref<!tpu.dma_semaphore, #tpu.memory_space<semaphore_mem>>)
      tpu.wait_dma2 semaphore(%arg14 : memref<!tpu.dma_semaphore, #tpu.memory_space<semaphore_mem>>) src(%arg12 : memref<1x16xf32, #tpu.memory_space<vmem>>) dst(%arg6 : memref<1x16xf32, #tpu.memory_space<hbm>>)
      tpu.enqueue_dma source(%arg13 : memref<1x16xf32, #tpu.memory_space<vmem>>) target(%arg7 : memref<1x16xf32, #tpu.memory_space<hbm>>) target_semaphore(%arg14 : memref<!tpu.dma_semaphore, #tpu.memory_space<semaphore_mem>>)
      tpu.wait_dma2 semaphore(%arg14 : memref<!tpu.dma_semaphore, #tpu.memory_space<semaphore_mem>>) src(%arg13 : memref<1x16xf32, #tpu.memory_space<vmem>>) dst(%arg7 : memref<1x16xf32, #tpu.memory_space<hbm>>)
    } else {
    }
    return
  }
}

module attributes {stable_mosaic.version = 14 : i64} {
  func.func @_add_kernel(%arg0: i32, %arg1: i32, %arg2: memref<1x512x1024xf32, #tpu.memory_space<vmem>>, %arg3: memref<1x512x1024xf32, #tpu.memory_space<vmem>>, %arg4: memref<1x512x1024xf32, #tpu.memory_space<vmem>>) attributes {dimension_semantics = [#tpu.dimension_semantics<arbitrary>, #tpu.dimension_semantics<arbitrary>], iteration_bounds = array<i64: 2, 4>, scalar_prefetch = 0 : i64, scratch_operands = 0 : i64, tpu.core_type = #tpu.core_type<tc>, window_params = [{transform_indices = @transform_0, window_bounds = array<i64: 1, 512, 1024>}, {transform_indices = @transform_1, window_bounds = array<i64: 1, 512, 1024>}, {transform_indices = @transform_2, window_bounds = array<i64: 1, 512, 1024>}]} {
    %get3A = arith.constant 0 : index
    %get3A_0 = arith.constant 0 : index
    %get3A_1 = arith.constant 0 : index
    %get3A_2 = vector.load %arg2[%get3A, %get3A_0, %get3A_1] : memref<1x512x1024xf32, #tpu.memory_space<vmem>>, vector<1x512x1024xf32>
    %get3A_3 = arith.constant 0 : index
    %get3A_4 = arith.constant 0 : index
    %get3A_5 = arith.constant 0 : index
    %get3A_6 = vector.load %arg3[%get3A_3, %get3A_4, %get3A_5] : memref<1x512x1024xf32, #tpu.memory_space<vmem>>, vector<1x512x1024xf32>
    %add3A = arith.addf %get3A_2, %get3A_6 : vector<1x512x1024xf32>
    %swap3A = arith.constant 0 : index
    %swap3A_7 = arith.constant 0 : index
    %swap3A_8 = arith.constant 0 : index
    %swap3A_9 = vector.load %arg4[%swap3A, %swap3A_7, %swap3A_8] : memref<1x512x1024xf32, #tpu.memory_space<vmem>>, vector<1x512x1024xf32>
    tpu.vector_store %arg4[%swap3A, %swap3A_7, %swap3A_8], %add3A {strides = array<i32>} : memref<1x512x1024xf32, #tpu.memory_space<vmem>>, vector<1x512x1024xf32>,
    return
  }
  func.func @transform_0(%arg0: i32, %arg1: i32) -> (i32, i32, i32) {
    %c0_i32 = arith.constant 0 : i32
    %c0_i32_0 = arith.constant 0 : i32
    return %arg0, %arg1, %c0_i32 : i32, i32, i32
  }
  func.func @transform_1(%arg0: i32, %arg1: i32) -> (i32, i32, i32) {
    %c0_i32 = arith.constant 0 : i32
    %c0_i32_0 = arith.constant 0 : i32
    return %arg0, %arg1, %c0_i32 : i32, i32, i32
  }
  func.func @transform_2(%arg0: i32, %arg1: i32) -> (i32, i32, i32) {
    %c0_i32 = arith.constant 0 : i32
    %c0_i32_0 = arith.constant 0 : i32
    return %arg0, %arg1, %c0_i32 : i32, i32, i32
  }
}

module attributes {stable_mosaic.version = 14 : i64} {
  func.func @_moe_kernel(%arg0: i32, %arg1: i32, %arg2: memref<2x2xi32, #tpu.memory_space<smem>>, %arg3: memref<2x2xf32, #tpu.memory_space<smem>>, %arg4: memref<1x2048x1024xf32, #tpu.memory_space<vmem>>, %arg5: memref<2048x64xf32, #tpu.memory_space<vmem>>, %arg6: memref<2048x64xf32, #tpu.memory_space<vmem>>, %arg7: memref<1x1024x256xf32, #tpu.memory_space<vmem>>, %arg8: memref<1x256x768xf32, #tpu.memory_space<vmem>>, %arg9: memref<1x256x256xf32, #tpu.memory_space<vmem>>, %arg10: memref<1x256x1536xf32, #tpu.memory_space<vmem>>, %arg11: memref<1x768x256xf32, #tpu.memory_space<vmem>>, %arg12: memref<1x256x1024xf32, #tpu.memory_space<vmem>>, %arg13: memref<1x2048x1024xf32, #tpu.memory_space<vmem>>, %arg14: memref<2048x256xf32, #tpu.memory_space<vmem>>, %arg15: memref<4x2048x64xbf16, #tpu.memory_space<vmem>>, %arg16: memref<4x2048x64xbf16, #tpu.memory_space<vmem>>, %arg17: memref<4x2048x64xbf16, #tpu.memory_space<vmem>>) attributes {dimension_semantics = [#tpu.dimension_semantics<parallel>, #tpu.dimension_semantics<arbitrary>], iteration_bounds = array<i64: 2, 2>, scalar_prefetch = 2 : i64, scratch_operands = 4 : i64, tpu.core_type = #tpu.core_type<tc>, window_params = [{transform_indices = @transform_0, window_bounds = array<i64: 1, 2048, 1024>}, {pipeline_mode = #tpu.pipeline_mode<synchronous>, transform_indices = @transform_1, window_bounds = array<i64: 2048, 64>}, {pipeline_mode = #tpu.pipeline_mode<synchronous>, transform_indices = @transform_2, window_bounds = array<i64: 2048, 64>}, {transform_indices = @transform_3, window_bounds = array<i64: 1, 1024, 256>}, {transform_indices = @transform_4, window_bounds = array<i64: 1, 256, 768>}, {transform_indices = @transform_5, window_bounds = array<i64: 1, 256, 256>}, {transform_indices = @transform_6, window_bounds = array<i64: 1, 256, 1536>}, {transform_indices = @transform_7, window_bounds = array<i64: 1, 768, 256>}, {transform_indices = @transform_8, window_bounds = array<i64: 1, 256, 1024>}, {transform_indices = @transform_9, window_bounds = array<i64: 1, 2048, 1024>}]} {
    %get3A = arith.index_cast %arg0 : i32 to index
    %get3A_0 = arith.index_cast %arg1 : i32 to index
    %get3A_1 = memref.load %arg3[%get3A, %get3A_0] : memref<2x2xf32, #tpu.memory_space<smem>>
    %get3A_2 = arith.constant 0 : index
    %get3A_3 = arith.constant 0 : index
    %get3A_4 = arith.constant 0 : index
    %get3A_5 = vector.load %arg7[%get3A_2, %get3A_3, %get3A_4] : memref<1x1024x256xf32, #tpu.memory_space<vmem>>, vector<1x1024x256xf32>
    %get3A_6 = vector.shape_cast %get3A_5 : vector<1x1024x256xf32> to vector<1024x256xf32>
    %convert_element_type3A = arith.truncf %get3A_6 : vector<1024x256xf32> to vector<1024x256xbf16>
    %get3A_7 = arith.constant 0 : index
    %get3A_8 = arith.constant 0 : index
    %get3A_9 = arith.constant 0 : index
    %get3A_10 = vector.load %arg8[%get3A_7, %get3A_8, %get3A_9] : memref<1x256x768xf32, #tpu.memory_space<vmem>>, vector<1x256x768xf32>
    %get3A_11 = vector.shape_cast %get3A_10 : vector<1x256x768xf32> to vector<256x768xf32>
    %convert_element_type3A_12 = arith.truncf %get3A_11 : vector<256x768xf32> to vector<256x768xbf16>
    %scan3A = arith.constant 0 : i32
    %scan3A_13 = arith.constant 8 : i32
    %scan3A_14 = arith.addi %scan3A, %scan3A_13 : i32
    %scan3A_15 = arith.constant 1 : i32
    scf.for %scan3A_46 = %scan3A to %scan3A_14 step %scan3A_15  : i32 {
      %mul3A = arith.constant 256 : i32
      %mul3A_47 = arith.muli %scan3A_46, %mul3A : i32
      %get3A_48 = arith.constant 0 : index
      %get3A_49 = arith.index_cast %mul3A_47 : i32 to index
      %get3A_50 = arith.constant 0 : index
      %get3A_51 = vector.load %arg4[%get3A_48, %get3A_49, %get3A_50] : memref<1x2048x1024xf32, #tpu.memory_space<vmem>>, vector<1x256x1024xf32>
      %get3A_52 = vector.shape_cast %get3A_51 : vector<1x256x1024xf32> to vector<256x1024xf32>
      %convert_element_type3A_53 = arith.truncf %get3A_52 : vector<256x1024xf32> to vector<256x1024xbf16>
      %dot_general3A = arith.constant dense<0.000000e+00> : vector<256x256xf32>
      %dot_general3A_54 = tpu.matmul %convert_element_type3A_53, %convert_element_type3A, %dot_general3A {dimension_numbers = #tpu.dot_dimension_numbers<[1], [0], [0], [1], [0, 0, 1, 1], [], []>, transpose_lhs_hint = false} : vector<256x1024xbf16>, vector<1024x256xbf16>, vector<256x256xf32> -> vector<256x256xf32>
      %swap3A = arith.index_cast %mul3A_47 : i32 to index
      %swap3A_55 = arith.constant 0 : index
      %swap3A_56 = vector.load %arg14[%swap3A, %swap3A_55] : memref<2048x256xf32, #tpu.memory_space<vmem>>, vector<256x256xf32>
      tpu.vector_store %arg14[%swap3A, %swap3A_55], %dot_general3A_54 {strides = array<i32>} : memref<2048x256xf32, #tpu.memory_space<vmem>>, vector<256x256xf32>,
      %convert_element_type3A_57 = arith.truncf %dot_general3A_54 : vector<256x256xf32> to vector<256x256xbf16>
      %dot_general3A_58 = arith.constant dense<0.000000e+00> : vector<256x768xf32>
      %dot_general3A_59 = tpu.matmul %convert_element_type3A_57, %convert_element_type3A_12, %dot_general3A_58 {dimension_numbers = #tpu.dot_dimension_numbers<[1], [0], [0], [1], [0, 0, 1, 1], [], []>, transpose_lhs_hint = false} : vector<256x256xbf16>, vector<256x768xbf16>, vector<256x768xf32> -> vector<256x768xf32>
      %get3A_60 = arith.index_cast %mul3A_47 : i32 to index
      %get3A_61 = arith.constant 0 : index
      %get3A_62 = vector.load %arg5[%get3A_60, %get3A_61] : memref<2048x64xf32, #tpu.memory_space<vmem>>, vector<256x64xf32>
      %get3A_63 = arith.index_cast %mul3A_47 : i32 to index
      %get3A_64 = arith.constant 0 : index
      %get3A_65 = vector.load %arg6[%get3A_63, %get3A_64] : memref<2048x64xf32, #tpu.memory_space<vmem>>, vector<256x64xf32>
      %slice3A = vector.extract_strided_slice %dot_general3A_59 {offsets = [0, 0], sizes = [256, 64], strides = [1, 1]} : vector<256x768xf32> to vector<256x64xf32>
      %slice3A_66 = vector.extract_strided_slice %dot_general3A_59 {offsets = [0, 256], sizes = [256, 64], strides = [1, 1]} : vector<256x768xf32> to vector<256x64xf32>
      %slice3A_67 = vector.extract_strided_slice %dot_general3A_59 {offsets = [0, 512], sizes = [256, 64], strides = [1, 1]} : vector<256x768xf32> to vector<256x64xf32>
      %slice3A_68 = vector.extract_strided_slice %slice3A {offsets = [0, 0], sizes = [256, 32], strides = [1, 1]} : vector<256x64xf32> to vector<256x32xf32>
      %slice3A_69 = vector.extract_strided_slice %slice3A {offsets = [0, 32], sizes = [256, 32], strides = [1, 1]} : vector<256x64xf32> to vector<256x32xf32>
      %neg3A = arith.constant 0.000000e+00 : f32
      %neg3A_70 = vector.broadcast %neg3A : f32 to vector<256x32xf32>
      %neg3A_71 = arith.subf %neg3A_70, %slice3A_69 : vector<256x32xf32>
      %concatenate3A = tpu.concatenate %neg3A_71, %slice3A_68 in 1 : vector<256x32xf32>, vector<256x32xf32> -> vector<256x64xf32>
      %mul3A_72 = arith.mulf %slice3A, %get3A_62 : vector<256x64xf32>
      %mul3A_73 = arith.mulf %concatenate3A, %get3A_65 : vector<256x64xf32>
      %add3A = arith.addf %mul3A_72, %mul3A_73 : vector<256x64xf32>
      %mul3A_74 = arith.constant 1.250000e-01 : f32
      %mul3A_75 = vector.broadcast %mul3A_74 : f32 to vector<256x64xf32>
      %mul3A_76 = arith.mulf %add3A, %mul3A_75 : vector<256x64xf32>
      %convert_element_type3A_77 = arith.truncf %mul3A_76 : vector<256x64xf32> to vector<256x64xbf16>
      %swap3A_78 = arith.constant 0 : index
      %swap3A_79 = arith.index_cast %mul3A_47 : i32 to index
      %swap3A_80 = arith.constant 0 : index
      %swap3A_81 = vector.load %arg15[%swap3A_78, %swap3A_79, %swap3A_80] : memref<4x2048x64xbf16, #tpu.memory_space<vmem>>, vector<1x256x64xbf16>
      %swap3A_82 = vector.shape_cast %swap3A_81 : vector<1x256x64xbf16> to vector<256x64xbf16>
      %swap3A_83 = vector.shape_cast %convert_element_type3A_77 : vector<256x64xbf16> to vector<1x256x64xbf16>
      tpu.vector_store %arg15[%swap3A_78, %swap3A_79, %swap3A_80], %swap3A_83 {strides = array<i32>} : memref<4x2048x64xbf16, #tpu.memory_space<vmem>>, vector<1x256x64xbf16>,
      %slice3A_84 = vector.extract_strided_slice %slice3A_66 {offsets = [0, 0], sizes = [256, 32], strides = [1, 1]} : vector<256x64xf32> to vector<256x32xf32>
      %slice3A_85 = vector.extract_strided_slice %slice3A_66 {offsets = [0, 32], sizes = [256, 32], strides = [1, 1]} : vector<256x64xf32> to vector<256x32xf32>
      %neg3A_86 = arith.constant 0.000000e+00 : f32
      %neg3A_87 = vector.broadcast %neg3A_86 : f32 to vector<256x32xf32>
      %neg3A_88 = arith.subf %neg3A_87, %slice3A_85 : vector<256x32xf32>
      %concatenate3A_89 = tpu.concatenate %neg3A_88, %slice3A_84 in 1 : vector<256x32xf32>, vector<256x32xf32> -> vector<256x64xf32>
      %mul3A_90 = arith.mulf %slice3A_66, %get3A_62 : vector<256x64xf32>
      %mul3A_91 = arith.mulf %concatenate3A_89, %get3A_65 : vector<256x64xf32>
      %add3A_92 = arith.addf %mul3A_90, %mul3A_91 : vector<256x64xf32>
      %convert_element_type3A_93 = arith.truncf %add3A_92 : vector<256x64xf32> to vector<256x64xbf16>
      %swap3A_94 = arith.constant 0 : index
      %swap3A_95 = arith.index_cast %mul3A_47 : i32 to index
      %swap3A_96 = arith.constant 0 : index
      %swap3A_97 = vector.load %arg16[%swap3A_94, %swap3A_95, %swap3A_96] : memref<4x2048x64xbf16, #tpu.memory_space<vmem>>, vector<1x256x64xbf16>
      %swap3A_98 = vector.shape_cast %swap3A_97 : vector<1x256x64xbf16> to vector<256x64xbf16>
      %swap3A_99 = vector.shape_cast %convert_element_type3A_93 : vector<256x64xbf16> to vector<1x256x64xbf16>
      tpu.vector_store %arg16[%swap3A_94, %swap3A_95, %swap3A_96], %swap3A_99 {strides = array<i32>} : memref<4x2048x64xbf16, #tpu.memory_space<vmem>>, vector<1x256x64xbf16>,
      %convert_element_type3A_100 = arith.truncf %slice3A_67 : vector<256x64xf32> to vector<256x64xbf16>
      %swap3A_101 = arith.constant 0 : index
      %swap3A_102 = arith.index_cast %mul3A_47 : i32 to index
      %swap3A_103 = arith.constant 0 : index
      %swap3A_104 = vector.load %arg17[%swap3A_101, %swap3A_102, %swap3A_103] : memref<4x2048x64xbf16, #tpu.memory_space<vmem>>, vector<1x256x64xbf16>
      %swap3A_105 = vector.shape_cast %swap3A_104 : vector<1x256x64xbf16> to vector<256x64xbf16>
      %swap3A_106 = vector.shape_cast %convert_element_type3A_100 : vector<256x64xbf16> to vector<1x256x64xbf16>
      tpu.vector_store %arg17[%swap3A_101, %swap3A_102, %swap3A_103], %swap3A_106 {strides = array<i32>} : memref<4x2048x64xbf16, #tpu.memory_space<vmem>>, vector<1x256x64xbf16>,
      %slice3A_107 = vector.extract_strided_slice %dot_general3A_59 {offsets = [0, 64], sizes = [256, 64], strides = [1, 1]} : vector<256x768xf32> to vector<256x64xf32>
      %slice3A_108 = vector.extract_strided_slice %dot_general3A_59 {offsets = [0, 320], sizes = [256, 64], strides = [1, 1]} : vector<256x768xf32> to vector<256x64xf32>
      %slice3A_109 = vector.extract_strided_slice %dot_general3A_59 {offsets = [0, 576], sizes = [256, 64], strides = [1, 1]} : vector<256x768xf32> to vector<256x64xf32>
      %slice3A_110 = vector.extract_strided_slice %slice3A_107 {offsets = [0, 0], sizes = [256, 32], strides = [1, 1]} : vector<256x64xf32> to vector<256x32xf32>
      %slice3A_111 = vector.extract_strided_slice %slice3A_107 {offsets = [0, 32], sizes = [256, 32], strides = [1, 1]} : vector<256x64xf32> to vector<256x32xf32>
      %neg3A_112 = arith.constant 0.000000e+00 : f32
      %neg3A_113 = vector.broadcast %neg3A_112 : f32 to vector<256x32xf32>
      %neg3A_114 = arith.subf %neg3A_113, %slice3A_111 : vector<256x32xf32>
      %concatenate3A_115 = tpu.concatenate %neg3A_114, %slice3A_110 in 1 : vector<256x32xf32>, vector<256x32xf32> -> vector<256x64xf32>
      %mul3A_116 = arith.mulf %slice3A_107, %get3A_62 : vector<256x64xf32>
      %mul3A_117 = arith.mulf %concatenate3A_115, %get3A_65 : vector<256x64xf32>
      %add3A_118 = arith.addf %mul3A_116, %mul3A_117 : vector<256x64xf32>
      %mul3A_119 = arith.constant 1.250000e-01 : f32
      %mul3A_120 = vector.broadcast %mul3A_119 : f32 to vector<256x64xf32>
      %mul3A_121 = arith.mulf %add3A_118, %mul3A_120 : vector<256x64xf32>
      %convert_element_type3A_122 = arith.truncf %mul3A_121 : vector<256x64xf32> to vector<256x64xbf16>
      %swap3A_123 = arith.constant 1 : index
      %swap3A_124 = arith.index_cast %mul3A_47 : i32 to index
      %swap3A_125 = arith.constant 0 : index
      %swap3A_126 = vector.load %arg15[%swap3A_123, %swap3A_124, %swap3A_125] : memref<4x2048x64xbf16, #tpu.memory_space<vmem>>, vector<1x256x64xbf16>
      %swap3A_127 = vector.shape_cast %swap3A_126 : vector<1x256x64xbf16> to vector<256x64xbf16>
      %swap3A_128 = vector.shape_cast %convert_element_type3A_122 : vector<256x64xbf16> to vector<1x256x64xbf16>
      tpu.vector_store %arg15[%swap3A_123, %swap3A_124, %swap3A_125], %swap3A_128 {strides = array<i32>} : memref<4x2048x64xbf16, #tpu.memory_space<vmem>>, vector<1x256x64xbf16>,
      %slice3A_129 = vector.extract_strided_slice %slice3A_108 {offsets = [0, 0], sizes = [256, 32], strides = [1, 1]} : vector<256x64xf32> to vector<256x32xf32>
      %slice3A_130 = vector.extract_strided_slice %slice3A_108 {offsets = [0, 32], sizes = [256, 32], strides = [1, 1]} : vector<256x64xf32> to vector<256x32xf32>
      %neg3A_131 = arith.constant 0.000000e+00 : f32
      %neg3A_132 = vector.broadcast %neg3A_131 : f32 to vector<256x32xf32>
      %neg3A_133 = arith.subf %neg3A_132, %slice3A_130 : vector<256x32xf32>
      %concatenate3A_134 = tpu.concatenate %neg3A_133, %slice3A_129 in 1 : vector<256x32xf32>, vector<256x32xf32> -> vector<256x64xf32>
      %mul3A_135 = arith.mulf %slice3A_108, %get3A_62 : vector<256x64xf32>
      %mul3A_136 = arith.mulf %concatenate3A_134, %get3A_65 : vector<256x64xf32>
      %add3A_137 = arith.addf %mul3A_135, %mul3A_136 : vector<256x64xf32>
      %convert_element_type3A_138 = arith.truncf %add3A_137 : vector<256x64xf32> to vector<256x64xbf16>
      %swap3A_139 = arith.constant 1 : index
      %swap3A_140 = arith.index_cast %mul3A_47 : i32 to index
      %swap3A_141 = arith.constant 0 : index
      %swap3A_142 = vector.load %arg16[%swap3A_139, %swap3A_140, %swap3A_141] : memref<4x2048x64xbf16, #tpu.memory_space<vmem>>, vector<1x256x64xbf16>
      %swap3A_143 = vector.shape_cast %swap3A_142 : vector<1x256x64xbf16> to vector<256x64xbf16>
      %swap3A_144 = vector.shape_cast %convert_element_type3A_138 : vector<256x64xbf16> to vector<1x256x64xbf16>
      tpu.vector_store %arg16[%swap3A_139, %swap3A_140, %swap3A_141], %swap3A_144 {strides = array<i32>} : memref<4x2048x64xbf16, #tpu.memory_space<vmem>>, vector<1x256x64xbf16>,
      %convert_element_type3A_145 = arith.truncf %slice3A_109 : vector<256x64xf32> to vector<256x64xbf16>
      %swap3A_146 = arith.constant 1 : index
      %swap3A_147 = arith.index_cast %mul3A_47 : i32 to index
      %swap3A_148 = arith.constant 0 : index
      %swap3A_149 = vector.load %arg17[%swap3A_146, %swap3A_147, %swap3A_148] : memref<4x2048x64xbf16, #tpu.memory_space<vmem>>, vector<1x256x64xbf16>
      %swap3A_150 = vector.shape_cast %swap3A_149 : vector<1x256x64xbf16> to vector<256x64xbf16>
      %swap3A_151 = vector.shape_cast %convert_element_type3A_145 : vector<256x64xbf16> to vector<1x256x64xbf16>
      tpu.vector_store %arg17[%swap3A_146, %swap3A_147, %swap3A_148], %swap3A_151 {strides = array<i32>} : memref<4x2048x64xbf16, #tpu.memory_space<vmem>>, vector<1x256x64xbf16>,
      %slice3A_152 = vector.extract_strided_slice %dot_general3A_59 {offsets = [0, 128], sizes = [256, 64], strides = [1, 1]} : vector<256x768xf32> to vector<256x64xf32>
      %slice3A_153 = vector.extract_strided_slice %dot_general3A_59 {offsets = [0, 384], sizes = [256, 64], strides = [1, 1]} : vector<256x768xf32> to vector<256x64xf32>
      %slice3A_154 = vector.extract_strided_slice %dot_general3A_59 {offsets = [0, 640], sizes = [256, 64], strides = [1, 1]} : vector<256x768xf32> to vector<256x64xf32>
      %slice3A_155 = vector.extract_strided_slice %slice3A_152 {offsets = [0, 0], sizes = [256, 32], strides = [1, 1]} : vector<256x64xf32> to vector<256x32xf32>
      %slice3A_156 = vector.extract_strided_slice %slice3A_152 {offsets = [0, 32], sizes = [256, 32], strides = [1, 1]} : vector<256x64xf32> to vector<256x32xf32>
      %neg3A_157 = arith.constant 0.000000e+00 : f32
      %neg3A_158 = vector.broadcast %neg3A_157 : f32 to vector<256x32xf32>
      %neg3A_159 = arith.subf %neg3A_158, %slice3A_156 : vector<256x32xf32>
      %concatenate3A_160 = tpu.concatenate %neg3A_159, %slice3A_155 in 1 : vector<256x32xf32>, vector<256x32xf32> -> vector<256x64xf32>
      %mul3A_161 = arith.mulf %slice3A_152, %get3A_62 : vector<256x64xf32>
      %mul3A_162 = arith.mulf %concatenate3A_160, %get3A_65 : vector<256x64xf32>
      %add3A_163 = arith.addf %mul3A_161, %mul3A_162 : vector<256x64xf32>
      %mul3A_164 = arith.constant 1.250000e-01 : f32
      %mul3A_165 = vector.broadcast %mul3A_164 : f32 to vector<256x64xf32>
      %mul3A_166 = arith.mulf %add3A_163, %mul3A_165 : vector<256x64xf32>
      %convert_element_type3A_167 = arith.truncf %mul3A_166 : vector<256x64xf32> to vector<256x64xbf16>
      %swap3A_168 = arith.constant 2 : index
      %swap3A_169 = arith.index_cast %mul3A_47 : i32 to index
      %swap3A_170 = arith.constant 0 : index
      %swap3A_171 = vector.load %arg15[%swap3A_168, %swap3A_169, %swap3A_170] : memref<4x2048x64xbf16, #tpu.memory_space<vmem>>, vector<1x256x64xbf16>
      %swap3A_172 = vector.shape_cast %swap3A_171 : vector<1x256x64xbf16> to vector<256x64xbf16>
      %swap3A_173 = vector.shape_cast %convert_element_type3A_167 : vector<256x64xbf16> to vector<1x256x64xbf16>
      tpu.vector_store %arg15[%swap3A_168, %swap3A_169, %swap3A_170], %swap3A_173 {strides = array<i32>} : memref<4x2048x64xbf16, #tpu.memory_space<vmem>>, vector<1x256x64xbf16>,
      %slice3A_174 = vector.extract_strided_slice %slice3A_153 {offsets = [0, 0], sizes = [256, 32], strides = [1, 1]} : vector<256x64xf32> to vector<256x32xf32>
      %slice3A_175 = vector.extract_strided_slice %slice3A_153 {offsets = [0, 32], sizes = [256, 32], strides = [1, 1]} : vector<256x64xf32> to vector<256x32xf32>
      %neg3A_176 = arith.constant 0.000000e+00 : f32
      %neg3A_177 = vector.broadcast %neg3A_176 : f32 to vector<256x32xf32>
      %neg3A_178 = arith.subf %neg3A_177, %slice3A_175 : vector<256x32xf32>
      %concatenate3A_179 = tpu.concatenate %neg3A_178, %slice3A_174 in 1 : vector<256x32xf32>, vector<256x32xf32> -> vector<256x64xf32>
      %mul3A_180 = arith.mulf %slice3A_153, %get3A_62 : vector<256x64xf32>
      %mul3A_181 = arith.mulf %concatenate3A_179, %get3A_65 : vector<256x64xf32>
      %add3A_182 = arith.addf %mul3A_180, %mul3A_181 : vector<256x64xf32>
      %convert_element_type3A_183 = arith.truncf %add3A_182 : vector<256x64xf32> to vector<256x64xbf16>
      %swap3A_184 = arith.constant 2 : index
      %swap3A_185 = arith.index_cast %mul3A_47 : i32 to index
      %swap3A_186 = arith.constant 0 : index
      %swap3A_187 = vector.load %arg16[%swap3A_184, %swap3A_185, %swap3A_186] : memref<4x2048x64xbf16, #tpu.memory_space<vmem>>, vector<1x256x64xbf16>
      %swap3A_188 = vector.shape_cast %swap3A_187 : vector<1x256x64xbf16> to vector<256x64xbf16>
      %swap3A_189 = vector.shape_cast %convert_element_type3A_183 : vector<256x64xbf16> to vector<1x256x64xbf16>
      tpu.vector_store %arg16[%swap3A_184, %swap3A_185, %swap3A_186], %swap3A_189 {strides = array<i32>} : memref<4x2048x64xbf16, #tpu.memory_space<vmem>>, vector<1x256x64xbf16>,
      %convert_element_type3A_190 = arith.truncf %slice3A_154 : vector<256x64xf32> to vector<256x64xbf16>
      %swap3A_191 = arith.constant 2 : index
      %swap3A_192 = arith.index_cast %mul3A_47 : i32 to index
      %swap3A_193 = arith.constant 0 : index
      %swap3A_194 = vector.load %arg17[%swap3A_191, %swap3A_192, %swap3A_193] : memref<4x2048x64xbf16, #tpu.memory_space<vmem>>, vector<1x256x64xbf16>
      %swap3A_195 = vector.shape_cast %swap3A_194 : vector<1x256x64xbf16> to vector<256x64xbf16>
      %swap3A_196 = vector.shape_cast %convert_element_type3A_190 : vector<256x64xbf16> to vector<1x256x64xbf16>
      tpu.vector_store %arg17[%swap3A_191, %swap3A_192, %swap3A_193], %swap3A_196 {strides = array<i32>} : memref<4x2048x64xbf16, #tpu.memory_space<vmem>>, vector<1x256x64xbf16>,
      %slice3A_197 = vector.extract_strided_slice %dot_general3A_59 {offsets = [0, 192], sizes = [256, 64], strides = [1, 1]} : vector<256x768xf32> to vector<256x64xf32>
      %slice3A_198 = vector.extract_strided_slice %dot_general3A_59 {offsets = [0, 448], sizes = [256, 64], strides = [1, 1]} : vector<256x768xf32> to vector<256x64xf32>
      %slice3A_199 = vector.extract_strided_slice %dot_general3A_59 {offsets = [0, 704], sizes = [256, 64], strides = [1, 1]} : vector<256x768xf32> to vector<256x64xf32>
      %slice3A_200 = vector.extract_strided_slice %slice3A_197 {offsets = [0, 0], sizes = [256, 32], strides = [1, 1]} : vector<256x64xf32> to vector<256x32xf32>
      %slice3A_201 = vector.extract_strided_slice %slice3A_197 {offsets = [0, 32], sizes = [256, 32], strides = [1, 1]} : vector<256x64xf32> to vector<256x32xf32>
      %neg3A_202 = arith.constant 0.000000e+00 : f32
      %neg3A_203 = vector.broadcast %neg3A_202 : f32 to vector<256x32xf32>
      %neg3A_204 = arith.subf %neg3A_203, %slice3A_201 : vector<256x32xf32>
      %concatenate3A_205 = tpu.concatenate %neg3A_204, %slice3A_200 in 1 : vector<256x32xf32>, vector<256x32xf32> -> vector<256x64xf32>
      %mul3A_206 = arith.mulf %slice3A_197, %get3A_62 : vector<256x64xf32>
      %mul3A_207 = arith.mulf %concatenate3A_205, %get3A_65 : vector<256x64xf32>
      %add3A_208 = arith.addf %mul3A_206, %mul3A_207 : vector<256x64xf32>
      %mul3A_209 = arith.constant 1.250000e-01 : f32
      %mul3A_210 = vector.broadcast %mul3A_209 : f32 to vector<256x64xf32>
      %mul3A_211 = arith.mulf %add3A_208, %mul3A_210 : vector<256x64xf32>
      %convert_element_type3A_212 = arith.truncf %mul3A_211 : vector<256x64xf32> to vector<256x64xbf16>
      %swap3A_213 = arith.constant 3 : index
      %swap3A_214 = arith.index_cast %mul3A_47 : i32 to index
      %swap3A_215 = arith.constant 0 : index
      %swap3A_216 = vector.load %arg15[%swap3A_213, %swap3A_214, %swap3A_215] : memref<4x2048x64xbf16, #tpu.memory_space<vmem>>, vector<1x256x64xbf16>
      %swap3A_217 = vector.shape_cast %swap3A_216 : vector<1x256x64xbf16> to vector<256x64xbf16>
      %swap3A_218 = vector.shape_cast %convert_element_type3A_212 : vector<256x64xbf16> to vector<1x256x64xbf16>
      tpu.vector_store %arg15[%swap3A_213, %swap3A_214, %swap3A_215], %swap3A_218 {strides = array<i32>} : memref<4x2048x64xbf16, #tpu.memory_space<vmem>>, vector<1x256x64xbf16>,
      %slice3A_219 = vector.extract_strided_slice %slice3A_198 {offsets = [0, 0], sizes = [256, 32], strides = [1, 1]} : vector<256x64xf32> to vector<256x32xf32>
      %slice3A_220 = vector.extract_strided_slice %slice3A_198 {offsets = [0, 32], sizes = [256, 32], strides = [1, 1]} : vector<256x64xf32> to vector<256x32xf32>
      %neg3A_221 = arith.constant 0.000000e+00 : f32
      %neg3A_222 = vector.broadcast %neg3A_221 : f32 to vector<256x32xf32>
      %neg3A_223 = arith.subf %neg3A_222, %slice3A_220 : vector<256x32xf32>
      %concatenate3A_224 = tpu.concatenate %neg3A_223, %slice3A_219 in 1 : vector<256x32xf32>, vector<256x32xf32> -> vector<256x64xf32>
      %mul3A_225 = arith.mulf %slice3A_198, %get3A_62 : vector<256x64xf32>
      %mul3A_226 = arith.mulf %concatenate3A_224, %get3A_65 : vector<256x64xf32>
      %add3A_227 = arith.addf %mul3A_225, %mul3A_226 : vector<256x64xf32>
      %convert_element_type3A_228 = arith.truncf %add3A_227 : vector<256x64xf32> to vector<256x64xbf16>
      %swap3A_229 = arith.constant 3 : index
      %swap3A_230 = arith.index_cast %mul3A_47 : i32 to index
      %swap3A_231 = arith.constant 0 : index
      %swap3A_232 = vector.load %arg16[%swap3A_229, %swap3A_230, %swap3A_231] : memref<4x2048x64xbf16, #tpu.memory_space<vmem>>, vector<1x256x64xbf16>
      %swap3A_233 = vector.shape_cast %swap3A_232 : vector<1x256x64xbf16> to vector<256x64xbf16>
      %swap3A_234 = vector.shape_cast %convert_element_type3A_228 : vector<256x64xbf16> to vector<1x256x64xbf16>
      tpu.vector_store %arg16[%swap3A_229, %swap3A_230, %swap3A_231], %swap3A_234 {strides = array<i32>} : memref<4x2048x64xbf16, #tpu.memory_space<vmem>>, vector<1x256x64xbf16>,
      %convert_element_type3A_235 = arith.truncf %slice3A_199 : vector<256x64xf32> to vector<256x64xbf16>
      %swap3A_236 = arith.constant 3 : index
      %swap3A_237 = arith.index_cast %mul3A_47 : i32 to index
      %swap3A_238 = arith.constant 0 : index
      %swap3A_239 = vector.load %arg17[%swap3A_236, %swap3A_237, %swap3A_238] : memref<4x2048x64xbf16, #tpu.memory_space<vmem>>, vector<1x256x64xbf16>
      %swap3A_240 = vector.shape_cast %swap3A_239 : vector<1x256x64xbf16> to vector<256x64xbf16>
      %swap3A_241 = vector.shape_cast %convert_element_type3A_235 : vector<256x64xbf16> to vector<1x256x64xbf16>
      tpu.vector_store %arg17[%swap3A_236, %swap3A_237, %swap3A_238], %swap3A_241 {strides = array<i32>} : memref<4x2048x64xbf16, #tpu.memory_space<vmem>>, vector<1x256x64xbf16>,
    }
    %scan3A_16 = arith.constant 8 : i32
    %get3A_17 = arith.constant 0 : index
    %get3A_18 = arith.constant 0 : index
    %get3A_19 = arith.constant 0 : index
    %get3A_20 = vector.load %arg9[%get3A_17, %get3A_18, %get3A_19] : memref<1x256x256xf32, #tpu.memory_space<vmem>>, vector<1x256x256xf32>
    %get3A_21 = vector.shape_cast %get3A_20 : vector<1x256x256xf32> to vector<256x256xf32>
    %convert_element_type3A_22 = arith.truncf %get3A_21 : vector<256x256xf32> to vector<256x256xbf16>
    %get3A_23 = arith.constant 0 : index
    %get3A_24 = arith.constant 0 : index
    %get3A_25 = arith.constant 0 : index
    %get3A_26 = vector.load %arg10[%get3A_23, %get3A_24, %get3A_25] : memref<1x256x1536xf32, #tpu.memory_space<vmem>>, vector<1x256x1536xf32>
    %get3A_27 = vector.shape_cast %get3A_26 : vector<1x256x1536xf32> to vector<256x1536xf32>
    %convert_element_type3A_28 = arith.truncf %get3A_27 : vector<256x1536xf32> to vector<256x1536xbf16>
    %get3A_29 = arith.constant 0 : index
    %get3A_30 = arith.constant 0 : index
    %get3A_31 = arith.constant 0 : index
    %get3A_32 = vector.load %arg11[%get3A_29, %get3A_30, %get3A_31] : memref<1x768x256xf32, #tpu.memory_space<vmem>>, vector<1x768x256xf32>
    %get3A_33 = vector.shape_cast %get3A_32 : vector<1x768x256xf32> to vector<768x256xf32>
    %convert_element_type3A_34 = arith.truncf %get3A_33 : vector<768x256xf32> to vector<768x256xbf16>
    %get3A_35 = arith.constant 0 : index
    %get3A_36 = arith.constant 0 : index
    %get3A_37 = arith.constant 0 : index
    %get3A_38 = vector.load %arg12[%get3A_35, %get3A_36, %get3A_37] : memref<1x256x1024xf32, #tpu.memory_space<vmem>>, vector<1x256x1024xf32>
    %get3A_39 = vector.shape_cast %get3A_38 : vector<1x256x1024xf32> to vector<256x1024xf32>
    %convert_element_type3A_40 = arith.truncf %get3A_39 : vector<256x1024xf32> to vector<256x1024xbf16>
    %scan3A_41 = arith.constant 0 : i32
    %scan3A_42 = arith.constant 8 : i32
    %scan3A_43 = arith.addi %scan3A_41, %scan3A_42 : i32
    %scan3A_44 = arith.constant 1 : i32
    scf.for %scan3A_46 = %scan3A_41 to %scan3A_43 step %scan3A_44  : i32 {
      %mul3A = arith.constant 256 : i32
      %mul3A_47 = arith.muli %scan3A_46, %mul3A : i32
      %get3A_48 = arith.index_cast %mul3A_47 : i32 to index
      %get3A_49 = arith.constant 0 : index
      %get3A_50 = vector.load %arg14[%get3A_48, %get3A_49] : memref<2048x256xf32, #tpu.memory_space<vmem>>, vector<256x256xf32>
      %get3A_51 = arith.constant 0 : index
      %get3A_52 = arith.index_cast %mul3A_47 : i32 to index
      %get3A_53 = arith.constant 0 : index
      %get3A_54 = vector.load %arg15[%get3A_51, %get3A_52, %get3A_53] : memref<4x2048x64xbf16, #tpu.memory_space<vmem>>, vector<1x256x64xbf16>
      %get3A_55 = vector.shape_cast %get3A_54 : vector<1x256x64xbf16> to vector<256x64xbf16>
      %get3A_56 = arith.constant 0 : index
      %get3A_57 = arith.constant 0 : index
      %get3A_58 = arith.constant 0 : index
      %get3A_59 = vector.load %arg16[%get3A_56, %get3A_57, %get3A_58] : memref<4x2048x64xbf16, #tpu.memory_space<vmem>>, vector<1x2048x64xbf16>
      %get3A_60 = vector.shape_cast %get3A_59 : vector<1x2048x64xbf16> to vector<2048x64xbf16>
      %get3A_61 = arith.constant 0 : index
      %get3A_62 = arith.constant 0 : index
      %get3A_63 = arith.constant 0 : index
      %get3A_64 = vector.load %arg17[%get3A_61, %get3A_62, %get3A_63] : memref<4x2048x64xbf16, #tpu.memory_space<vmem>>, vector<1x2048x64xbf16>
      %get3A_65 = vector.shape_cast %get3A_64 : vector<1x2048x64xbf16> to vector<2048x64xbf16>
      %dot_general3A = arith.constant dense<0.000000e+00> : vector<256x2048xf32>
      %dot_general3A_66 = tpu.matmul %get3A_55, %get3A_60, %dot_general3A {dimension_numbers = #tpu.dot_dimension_numbers<[1], [1], [0], [0], [0, 0, 1, 0], [], []>, transpose_lhs_hint = false} : vector<256x64xbf16>, vector<2048x64xbf16>, vector<256x2048xf32> -> vector<256x2048xf32>
      %reduce_max3A = arith.constant dense<0xFF800000> : vector<256xf32>
      %reduce_max3A_67 = vector.multi_reduction <maximumf>, %dot_general3A_66, %reduce_max3A [1] : vector<256x2048xf32> to vector<256xf32>
      %broadcast_in_dim3A = vector.shape_cast %reduce_max3A_67 : vector<256xf32> to vector<256x1xf32>
      %sub3A = vector.broadcast %broadcast_in_dim3A : vector<256x1xf32> to vector<256x2048xf32>
      %sub3A_68 = arith.subf %dot_general3A_66, %sub3A : vector<256x2048xf32>
      %exp3A = math.exp %sub3A_68 : vector<256x2048xf32>
      %reduce_sum3A = arith.constant dense<0.000000e+00> : vector<256xf32>
      %reduce_sum3A_69 = vector.multi_reduction <add>, %exp3A, %reduce_sum3A [1] : vector<256x2048xf32> to vector<256xf32>
      %broadcast_in_dim3A_70 = vector.shape_cast %reduce_sum3A_69 : vector<256xf32> to vector<256x1xf32>
      %div3A = arith.constant 1.000000e+00 : f32
      %div3A_71 = vector.broadcast %div3A : f32 to vector<256x1xf32>
      %div3A_72 = arith.divf %div3A_71, %broadcast_in_dim3A_70 : vector<256x1xf32>
      %convert_element_type3A_73 = arith.truncf %exp3A : vector<256x2048xf32> to vector<256x2048xbf16>
      %dot_general3A_74 = arith.constant dense<0.000000e+00> : vector<256x64xf32>
      %dot_general3A_75 = tpu.matmul %convert_element_type3A_73, %get3A_65, %dot_general3A_74 {dimension_numbers = #tpu.dot_dimension_numbers<[1], [0], [0], [1], [0, 0, 1, 1], [], []>, transpose_lhs_hint = false} : vector<256x2048xbf16>, vector<2048x64xbf16>, vector<256x64xf32> -> vector<256x64xf32>
      %mul3A_76 = vector.broadcast %div3A_72 : vector<256x1xf32> to vector<256x64xf32>
      %mul3A_77 = arith.mulf %dot_general3A_75, %mul3A_76 : vector<256x64xf32>
      %get3A_78 = arith.constant 1 : index
      %get3A_79 = arith.index_cast %mul3A_47 : i32 to index
      %get3A_80 = arith.constant 0 : index
      %get3A_81 = vector.load %arg15[%get3A_78, %get3A_79, %get3A_80] : memref<4x2048x64xbf16, #tpu.memory_space<vmem>>, vector<1x256x64xbf16>
      %get3A_82 = vector.shape_cast %get3A_81 : vector<1x256x64xbf16> to vector<256x64xbf16>
      %get3A_83 = arith.constant 1 : index
      %get3A_84 = arith.constant 0 : index
      %get3A_85 = arith.constant 0 : index
      %get3A_86 = vector.load %arg16[%get3A_83, %get3A_84, %get3A_85] : memref<4x2048x64xbf16, #tpu.memory_space<vmem>>, vector<1x2048x64xbf16>
      %get3A_87 = vector.shape_cast %get3A_86 : vector<1x2048x64xbf16> to vector<2048x64xbf16>
      %get3A_88 = arith.constant 1 : index
      %get3A_89 = arith.constant 0 : index
      %get3A_90 = arith.constant 0 : index
      %get3A_91 = vector.load %arg17[%get3A_88, %get3A_89, %get3A_90] : memref<4x2048x64xbf16, #tpu.memory_space<vmem>>, vector<1x2048x64xbf16>
      %get3A_92 = vector.shape_cast %get3A_91 : vector<1x2048x64xbf16> to vector<2048x64xbf16>
      %dot_general3A_93 = arith.constant dense<0.000000e+00> : vector<256x2048xf32>
      %dot_general3A_94 = tpu.matmul %get3A_82, %get3A_87, %dot_general3A_93 {dimension_numbers = #tpu.dot_dimension_numbers<[1], [1], [0], [0], [0, 0, 1, 0], [], []>, transpose_lhs_hint = false} : vector<256x64xbf16>, vector<2048x64xbf16>, vector<256x2048xf32> -> vector<256x2048xf32>
      %reduce_max3A_95 = arith.constant dense<0xFF800000> : vector<256xf32>
      %reduce_max3A_96 = vector.multi_reduction <maximumf>, %dot_general3A_94, %reduce_max3A_95 [1] : vector<256x2048xf32> to vector<256xf32>
      %broadcast_in_dim3A_97 = vector.shape_cast %reduce_max3A_96 : vector<256xf32> to vector<256x1xf32>
      %sub3A_98 = vector.broadcast %broadcast_in_dim3A_97 : vector<256x1xf32> to vector<256x2048xf32>
      %sub3A_99 = arith.subf %dot_general3A_94, %sub3A_98 : vector<256x2048xf32>
      %exp3A_100 = math.exp %sub3A_99 : vector<256x2048xf32>
      %reduce_sum3A_101 = arith.constant dense<0.000000e+00> : vector<256xf32>
      %reduce_sum3A_102 = vector.multi_reduction <add>, %exp3A_100, %reduce_sum3A_101 [1] : vector<256x2048xf32> to vector<256xf32>
      %broadcast_in_dim3A_103 = vector.shape_cast %reduce_sum3A_102 : vector<256xf32> to vector<256x1xf32>
      %div3A_104 = arith.constant 1.000000e+00 : f32
      %div3A_105 = vector.broadcast %div3A_104 : f32 to vector<256x1xf32>
      %div3A_106 = arith.divf %div3A_105, %broadcast_in_dim3A_103 : vector<256x1xf32>
      %convert_element_type3A_107 = arith.truncf %exp3A_100 : vector<256x2048xf32> to vector<256x2048xbf16>
      %dot_general3A_108 = arith.constant dense<0.000000e+00> : vector<256x64xf32>
      %dot_general3A_109 = tpu.matmul %convert_element_type3A_107, %get3A_92, %dot_general3A_108 {dimension_numbers = #tpu.dot_dimension_numbers<[1], [0], [0], [1], [0, 0, 1, 1], [], []>, transpose_lhs_hint = false} : vector<256x2048xbf16>, vector<2048x64xbf16>, vector<256x64xf32> -> vector<256x64xf32>
      %mul3A_110 = vector.broadcast %div3A_106 : vector<256x1xf32> to vector<256x64xf32>
      %mul3A_111 = arith.mulf %dot_general3A_109, %mul3A_110 : vector<256x64xf32>
      %get3A_112 = arith.constant 2 : index
      %get3A_113 = arith.index_cast %mul3A_47 : i32 to index
      %get3A_114 = arith.constant 0 : index
      %get3A_115 = vector.load %arg15[%get3A_112, %get3A_113, %get3A_114] : memref<4x2048x64xbf16, #tpu.memory_space<vmem>>, vector<1x256x64xbf16>
      %get3A_116 = vector.shape_cast %get3A_115 : vector<1x256x64xbf16> to vector<256x64xbf16>
      %get3A_117 = arith.constant 2 : index
      %get3A_118 = arith.constant 0 : index
      %get3A_119 = arith.constant 0 : index
      %get3A_120 = vector.load %arg16[%get3A_117, %get3A_118, %get3A_119] : memref<4x2048x64xbf16, #tpu.memory_space<vmem>>, vector<1x2048x64xbf16>
      %get3A_121 = vector.shape_cast %get3A_120 : vector<1x2048x64xbf16> to vector<2048x64xbf16>
      %get3A_122 = arith.constant 2 : index
      %get3A_123 = arith.constant 0 : index
      %get3A_124 = arith.constant 0 : index
      %get3A_125 = vector.load %arg17[%get3A_122, %get3A_123, %get3A_124] : memref<4x2048x64xbf16, #tpu.memory_space<vmem>>, vector<1x2048x64xbf16>
      %get3A_126 = vector.shape_cast %get3A_125 : vector<1x2048x64xbf16> to vector<2048x64xbf16>
      %dot_general3A_127 = arith.constant dense<0.000000e+00> : vector<256x2048xf32>
      %dot_general3A_128 = tpu.matmul %get3A_116, %get3A_121, %dot_general3A_127 {dimension_numbers = #tpu.dot_dimension_numbers<[1], [1], [0], [0], [0, 0, 1, 0], [], []>, transpose_lhs_hint = false} : vector<256x64xbf16>, vector<2048x64xbf16>, vector<256x2048xf32> -> vector<256x2048xf32>
      %reduce_max3A_129 = arith.constant dense<0xFF800000> : vector<256xf32>
      %reduce_max3A_130 = vector.multi_reduction <maximumf>, %dot_general3A_128, %reduce_max3A_129 [1] : vector<256x2048xf32> to vector<256xf32>
      %broadcast_in_dim3A_131 = vector.shape_cast %reduce_max3A_130 : vector<256xf32> to vector<256x1xf32>
      %sub3A_132 = vector.broadcast %broadcast_in_dim3A_131 : vector<256x1xf32> to vector<256x2048xf32>
      %sub3A_133 = arith.subf %dot_general3A_128, %sub3A_132 : vector<256x2048xf32>
      %exp3A_134 = math.exp %sub3A_133 : vector<256x2048xf32>
      %reduce_sum3A_135 = arith.constant dense<0.000000e+00> : vector<256xf32>
      %reduce_sum3A_136 = vector.multi_reduction <add>, %exp3A_134, %reduce_sum3A_135 [1] : vector<256x2048xf32> to vector<256xf32>
      %broadcast_in_dim3A_137 = vector.shape_cast %reduce_sum3A_136 : vector<256xf32> to vector<256x1xf32>
      %div3A_138 = arith.constant 1.000000e+00 : f32
      %div3A_139 = vector.broadcast %div3A_138 : f32 to vector<256x1xf32>
      %div3A_140 = arith.divf %div3A_139, %broadcast_in_dim3A_137 : vector<256x1xf32>
      %convert_element_type3A_141 = arith.truncf %exp3A_134 : vector<256x2048xf32> to vector<256x2048xbf16>
      %dot_general3A_142 = arith.constant dense<0.000000e+00> : vector<256x64xf32>
      %dot_general3A_143 = tpu.matmul %convert_element_type3A_141, %get3A_126, %dot_general3A_142 {dimension_numbers = #tpu.dot_dimension_numbers<[1], [0], [0], [1], [0, 0, 1, 1], [], []>, transpose_lhs_hint = false} : vector<256x2048xbf16>, vector<2048x64xbf16>, vector<256x64xf32> -> vector<256x64xf32>
      %mul3A_144 = vector.broadcast %div3A_140 : vector<256x1xf32> to vector<256x64xf32>
      %mul3A_145 = arith.mulf %dot_general3A_143, %mul3A_144 : vector<256x64xf32>
      %get3A_146 = arith.constant 3 : index
      %get3A_147 = arith.index_cast %mul3A_47 : i32 to index
      %get3A_148 = arith.constant 0 : index
      %get3A_149 = vector.load %arg15[%get3A_146, %get3A_147, %get3A_148] : memref<4x2048x64xbf16, #tpu.memory_space<vmem>>, vector<1x256x64xbf16>
      %get3A_150 = vector.shape_cast %get3A_149 : vector<1x256x64xbf16> to vector<256x64xbf16>
      %get3A_151 = arith.constant 3 : index
      %get3A_152 = arith.constant 0 : index
      %get3A_153 = arith.constant 0 : index
      %get3A_154 = vector.load %arg16[%get3A_151, %get3A_152, %get3A_153] : memref<4x2048x64xbf16, #tpu.memory_space<vmem>>, vector<1x2048x64xbf16>
      %get3A_155 = vector.shape_cast %get3A_154 : vector<1x2048x64xbf16> to vector<2048x64xbf16>
      %get3A_156 = arith.constant 3 : index
      %get3A_157 = arith.constant 0 : index
      %get3A_158 = arith.constant 0 : index
      %get3A_159 = vector.load %arg17[%get3A_156, %get3A_157, %get3A_158] : memref<4x2048x64xbf16, #tpu.memory_space<vmem>>, vector<1x2048x64xbf16>
      %get3A_160 = vector.shape_cast %get3A_159 : vector<1x2048x64xbf16> to vector<2048x64xbf16>
      %dot_general3A_161 = arith.constant dense<0.000000e+00> : vector<256x2048xf32>
      %dot_general3A_162 = tpu.matmul %get3A_150, %get3A_155, %dot_general3A_161 {dimension_numbers = #tpu.dot_dimension_numbers<[1], [1], [0], [0], [0, 0, 1, 0], [], []>, transpose_lhs_hint = false} : vector<256x64xbf16>, vector<2048x64xbf16>, vector<256x2048xf32> -> vector<256x2048xf32>
      %reduce_max3A_163 = arith.constant dense<0xFF800000> : vector<256xf32>
      %reduce_max3A_164 = vector.multi_reduction <maximumf>, %dot_general3A_162, %reduce_max3A_163 [1] : vector<256x2048xf32> to vector<256xf32>
      %broadcast_in_dim3A_165 = vector.shape_cast %reduce_max3A_164 : vector<256xf32> to vector<256x1xf32>
      %sub3A_166 = vector.broadcast %broadcast_in_dim3A_165 : vector<256x1xf32> to vector<256x2048xf32>
      %sub3A_167 = arith.subf %dot_general3A_162, %sub3A_166 : vector<256x2048xf32>
      %exp3A_168 = math.exp %sub3A_167 : vector<256x2048xf32>
      %reduce_sum3A_169 = arith.constant dense<0.000000e+00> : vector<256xf32>
      %reduce_sum3A_170 = vector.multi_reduction <add>, %exp3A_168, %reduce_sum3A_169 [1] : vector<256x2048xf32> to vector<256xf32>
      %broadcast_in_dim3A_171 = vector.shape_cast %reduce_sum3A_170 : vector<256xf32> to vector<256x1xf32>
      %div3A_172 = arith.constant 1.000000e+00 : f32
      %div3A_173 = vector.broadcast %div3A_172 : f32 to vector<256x1xf32>
      %div3A_174 = arith.divf %div3A_173, %broadcast_in_dim3A_171 : vector<256x1xf32>
      %convert_element_type3A_175 = arith.truncf %exp3A_168 : vector<256x2048xf32> to vector<256x2048xbf16>
      %dot_general3A_176 = arith.constant dense<0.000000e+00> : vector<256x64xf32>
      %dot_general3A_177 = tpu.matmul %convert_element_type3A_175, %get3A_160, %dot_general3A_176 {dimension_numbers = #tpu.dot_dimension_numbers<[1], [0], [0], [1], [0, 0, 1, 1], [], []>, transpose_lhs_hint = false} : vector<256x2048xbf16>, vector<2048x64xbf16>, vector<256x64xf32> -> vector<256x64xf32>
      %mul3A_178 = vector.broadcast %div3A_174 : vector<256x1xf32> to vector<256x64xf32>
      %mul3A_179 = arith.mulf %dot_general3A_177, %mul3A_178 : vector<256x64xf32>
      %concatenate3A = tpu.concatenate %mul3A_77, %mul3A_111, %mul3A_145, %mul3A_179 in 1 : vector<256x64xf32>, vector<256x64xf32>, vector<256x64xf32>, vector<256x64xf32> -> vector<256x256xf32>
      %convert_element_type3A_180 = arith.truncf %concatenate3A : vector<256x256xf32> to vector<256x256xbf16>
      %dot_general3A_181 = arith.constant dense<0.000000e+00> : vector<256x256xf32>
      %dot_general3A_182 = tpu.matmul %convert_element_type3A_180, %convert_element_type3A_22, %dot_general3A_181 {dimension_numbers = #tpu.dot_dimension_numbers<[1], [0], [0], [1], [0, 0, 1, 1], [], []>, transpose_lhs_hint = false} : vector<256x256xbf16>, vector<256x256xbf16>, vector<256x256xf32> -> vector<256x256xf32>
      %add3A = arith.addf %get3A_50, %dot_general3A_182 : vector<256x256xf32>
      %mul3A_183 = arith.mulf %add3A, %add3A : vector<256x256xf32>
      %reduce_sum3A_184 = arith.constant dense<0.000000e+00> : vector<256xf32>
      %reduce_sum3A_185 = vector.multi_reduction <add>, %mul3A_183, %reduce_sum3A_184 [1] : vector<256x256xf32> to vector<256xf32>
      %broadcast_in_dim3A_186 = vector.shape_cast %reduce_sum3A_185 : vector<256xf32> to vector<256x1xf32>
      %div3A_187 = arith.constant 2.560000e+02 : f32
      %div3A_188 = vector.broadcast %div3A_187 : f32 to vector<256x1xf32>
      %div3A_189 = arith.divf %broadcast_in_dim3A_186, %div3A_188 : vector<256x1xf32>
      %add3A_190 = arith.constant 9.99999974E-6 : f32
      %add3A_191 = vector.broadcast %add3A_190 : f32 to vector<256x1xf32>
      %add3A_192 = arith.addf %div3A_189, %add3A_191 : vector<256x1xf32>
      %rsqrt3A = math.rsqrt %add3A_192 : vector<256x1xf32>
      %mul3A_193 = vector.broadcast %rsqrt3A : vector<256x1xf32> to vector<256x256xf32>
      %mul3A_194 = arith.mulf %add3A, %mul3A_193 : vector<256x256xf32>
      %convert_element_type3A_195 = arith.truncf %mul3A_194 : vector<256x256xf32> to vector<256x256xbf16>
      %dot_general3A_196 = arith.constant dense<0.000000e+00> : vector<256x1536xf32>
      %dot_general3A_197 = tpu.matmul %convert_element_type3A_195, %convert_element_type3A_28, %dot_general3A_196 {dimension_numbers = #tpu.dot_dimension_numbers<[1], [0], [0], [1], [0, 0, 1, 1], [], []>, transpose_lhs_hint = false} : vector<256x256xbf16>, vector<256x1536xbf16>, vector<256x1536xf32> -> vector<256x1536xf32>
      %slice3A = vector.extract_strided_slice %dot_general3A_197 {offsets = [0, 0], sizes = [256, 768], strides = [1, 1]} : vector<256x1536xf32> to vector<256x768xf32>
      %slice3A_198 = vector.extract_strided_slice %dot_general3A_197 {offsets = [0, 768], sizes = [256, 768], strides = [1, 1]} : vector<256x1536xf32> to vector<256x768xf32>
      %logistic3A = arith.negf %slice3A : vector<256x768xf32>
      %logistic3A_199 = math.exp %logistic3A : vector<256x768xf32>
      %logistic3A_200 = arith.constant 1.000000e+00 : f32
      %logistic3A_201 = vector.broadcast %logistic3A_200 : f32 to vector<256x768xf32>
      %logistic3A_202 = arith.addf %logistic3A_201, %logistic3A_199 : vector<256x768xf32>
      %logistic3A_203 = arith.divf %logistic3A_201, %logistic3A_202 : vector<256x768xf32>
      %mul3A_204 = arith.mulf %slice3A, %logistic3A_203 : vector<256x768xf32>
      %mul3A_205 = arith.mulf %mul3A_204, %slice3A_198 : vector<256x768xf32>
      %convert_element_type3A_206 = arith.truncf %mul3A_205 : vector<256x768xf32> to vector<256x768xbf16>
      %dot_general3A_207 = arith.constant dense<0.000000e+00> : vector<256x256xf32>
      %dot_general3A_208 = tpu.matmul %convert_element_type3A_206, %convert_element_type3A_34, %dot_general3A_207 {dimension_numbers = #tpu.dot_dimension_numbers<[1], [0], [0], [1], [0, 0, 1, 1], [], []>, transpose_lhs_hint = false} : vector<256x768xbf16>, vector<768x256xbf16>, vector<256x256xf32> -> vector<256x256xf32>
      %add3A_209 = arith.addf %mul3A_194, %dot_general3A_208 : vector<256x256xf32>
      %mul3A_210 = arith.mulf %add3A_209, %add3A_209 : vector<256x256xf32>
      %reduce_sum3A_211 = arith.constant dense<0.000000e+00> : vector<256xf32>
      %reduce_sum3A_212 = vector.multi_reduction <add>, %mul3A_210, %reduce_sum3A_211 [1] : vector<256x256xf32> to vector<256xf32>
      %broadcast_in_dim3A_213 = vector.shape_cast %reduce_sum3A_212 : vector<256xf32> to vector<256x1xf32>
      %div3A_214 = arith.constant 2.560000e+02 : f32
      %div3A_215 = vector.broadcast %div3A_214 : f32 to vector<256x1xf32>
      %div3A_216 = arith.divf %broadcast_in_dim3A_213, %div3A_215 : vector<256x1xf32>
      %add3A_217 = arith.constant 9.99999974E-6 : f32
      %add3A_218 = vector.broadcast %add3A_217 : f32 to vector<256x1xf32>
      %add3A_219 = arith.addf %div3A_216, %add3A_218 : vector<256x1xf32>
      %rsqrt3A_220 = math.rsqrt %add3A_219 : vector<256x1xf32>
      %mul3A_221 = vector.broadcast %rsqrt3A_220 : vector<256x1xf32> to vector<256x256xf32>
      %mul3A_222 = arith.mulf %add3A_209, %mul3A_221 : vector<256x256xf32>
      %convert_element_type3A_223 = arith.truncf %mul3A_222 : vector<256x256xf32> to vector<256x256xbf16>
      %dot_general3A_224 = arith.constant dense<0.000000e+00> : vector<256x1024xf32>
      %dot_general3A_225 = tpu.matmul %convert_element_type3A_223, %convert_element_type3A_40, %dot_general3A_224 {dimension_numbers = #tpu.dot_dimension_numbers<[1], [0], [0], [1], [0, 0, 1, 1], [], []>, transpose_lhs_hint = false} : vector<256x256xbf16>, vector<256x1024xbf16>, vector<256x1024xf32> -> vector<256x1024xf32>
      %eq3A = arith.constant 0 : i32
      %eq3A_226 = arith.cmpi eq, %arg1, %eq3A : i32
      %convert_element_type3A_227 = arith.extui %eq3A_226 : i1 to i32
      %cond3A = arith.constant 0 : i32
      %cond3A_228 = arith.cmpi ne, %convert_element_type3A_227, %cond3A : i32
      scf.if %cond3A_228 {
        %mul3A_234 = vector.broadcast %get3A_1 : f32 to vector<256x1024xf32>
        %mul3A_235 = arith.mulf %mul3A_234, %dot_general3A_225 : vector<256x1024xf32>
        %swap3A = arith.constant 0 : index
        %swap3A_236 = arith.index_cast %mul3A_47 : i32 to index
        %swap3A_237 = arith.constant 0 : index
        %swap3A_238 = vector.load %arg13[%swap3A, %swap3A_236, %swap3A_237] : memref<1x2048x1024xf32, #tpu.memory_space<vmem>>, vector<1x256x1024xf32>
        %swap3A_239 = vector.shape_cast %swap3A_238 : vector<1x256x1024xf32> to vector<256x1024xf32>
        %swap3A_240 = vector.shape_cast %mul3A_235 : vector<256x1024xf32> to vector<1x256x1024xf32>
        tpu.vector_store %arg13[%swap3A, %swap3A_236, %swap3A_237], %swap3A_240 {strides = array<i32>} : memref<1x2048x1024xf32, #tpu.memory_space<vmem>>, vector<1x256x1024xf32>,
      } else {
      }
      %eq3A_229 = arith.constant 1 : i32
      %eq3A_230 = arith.cmpi eq, %arg1, %eq3A_229 : i32
      %convert_element_type3A_231 = arith.extui %eq3A_230 : i1 to i32
      %cond3A_232 = arith.constant 0 : i32
      %cond3A_233 = arith.cmpi ne, %convert_element_type3A_231, %cond3A_232 : i32
      scf.if %cond3A_233 {
        %get3A_234 = arith.constant 0 : index
        %get3A_235 = arith.index_cast %mul3A_47 : i32 to index
        %get3A_236 = arith.constant 0 : index
        %get3A_237 = vector.load %arg4[%get3A_234, %get3A_235, %get3A_236] : memref<1x2048x1024xf32, #tpu.memory_space<vmem>>, vector<1x256x1024xf32>
        %get3A_238 = vector.shape_cast %get3A_237 : vector<1x256x1024xf32> to vector<256x1024xf32>
        %get3A_239 = arith.constant 0 : index
        %get3A_240 = arith.index_cast %mul3A_47 : i32 to index
        %get3A_241 = arith.constant 0 : index
        %get3A_242 = vector.load %arg13[%get3A_239, %get3A_240, %get3A_241] : memref<1x2048x1024xf32, #tpu.memory_space<vmem>>, vector<1x256x1024xf32>
        %get3A_243 = vector.shape_cast %get3A_242 : vector<1x256x1024xf32> to vector<256x1024xf32>
        %add3A_244 = arith.addf %get3A_238, %get3A_243 : vector<256x1024xf32>
        %mul3A_245 = vector.broadcast %get3A_1 : f32 to vector<256x1024xf32>
        %mul3A_246 = arith.mulf %mul3A_245, %dot_general3A_225 : vector<256x1024xf32>
        %add3A_247 = arith.addf %add3A_244, %mul3A_246 : vector<256x1024xf32>
        %mul3A_248 = arith.mulf %add3A_247, %add3A_247 : vector<256x1024xf32>
        %reduce_sum3A_249 = arith.constant dense<0.000000e+00> : vector<256xf32>
        %reduce_sum3A_250 = vector.multi_reduction <add>, %mul3A_248, %reduce_sum3A_249 [1] : vector<256x1024xf32> to vector<256xf32>
        %broadcast_in_dim3A_251 = vector.shape_cast %reduce_sum3A_250 : vector<256xf32> to vector<256x1xf32>
        %div3A_252 = arith.constant 1.024000e+03 : f32
        %div3A_253 = vector.broadcast %div3A_252 : f32 to vector<256x1xf32>
        %div3A_254 = arith.divf %broadcast_in_dim3A_251, %div3A_253 : vector<256x1xf32>
        %add3A_255 = arith.constant 9.99999974E-6 : f32
        %add3A_256 = vector.broadcast %add3A_255 : f32 to vector<256x1xf32>
        %add3A_257 = arith.addf %div3A_254, %add3A_256 : vector<256x1xf32>
        %rsqrt3A_258 = math.rsqrt %add3A_257 : vector<256x1xf32>
        %mul3A_259 = vector.broadcast %rsqrt3A_258 : vector<256x1xf32> to vector<256x1024xf32>
        %mul3A_260 = arith.mulf %add3A_247, %mul3A_259 : vector<256x1024xf32>
        %swap3A = arith.constant 0 : index
        %swap3A_261 = arith.index_cast %mul3A_47 : i32 to index
        %swap3A_262 = arith.constant 0 : index
        %swap3A_263 = vector.load %arg13[%swap3A, %swap3A_261, %swap3A_262] : memref<1x2048x1024xf32, #tpu.memory_space<vmem>>, vector<1x256x1024xf32>
        %swap3A_264 = vector.shape_cast %swap3A_263 : vector<1x256x1024xf32> to vector<256x1024xf32>
        %swap3A_265 = vector.shape_cast %mul3A_260 : vector<256x1024xf32> to vector<1x256x1024xf32>
        tpu.vector_store %arg13[%swap3A, %swap3A_261, %swap3A_262], %swap3A_265 {strides = array<i32>} : memref<1x2048x1024xf32, #tpu.memory_space<vmem>>, vector<1x256x1024xf32>,
      } else {
      }
    }
    %scan3A_45 = arith.constant 8 : i32
    return
  }
  func.func @transform_0(%arg0: i32, %arg1: i32, %arg2: memref<2x2xi32, #tpu.memory_space<smem>>, %arg3: memref<2x2xf32, #tpu.memory_space<smem>>) -> (i32, i32, i32) {
    %c0_i32 = arith.constant 0 : i32
    %c0_i32_0 = arith.constant 0 : i32
    %c0_i32_1 = arith.constant 0 : i32
    return %arg0, %c0_i32, %c0_i32_0 : i32, i32, i32
  }
  func.func @transform_1(%arg0: i32, %arg1: i32, %arg2: memref<2x2xi32, #tpu.memory_space<smem>>, %arg3: memref<2x2xf32, #tpu.memory_space<smem>>) -> (i32, i32) {
    %c0_i32 = arith.constant 0 : i32
    %c0_i32_0 = arith.constant 0 : i32
    %c0_i32_1 = arith.constant 0 : i32
    return %c0_i32, %c0_i32_0 : i32, i32
  }
  func.func @transform_2(%arg0: i32, %arg1: i32, %arg2: memref<2x2xi32, #tpu.memory_space<smem>>, %arg3: memref<2x2xf32, #tpu.memory_space<smem>>) -> (i32, i32) {
    %c0_i32 = arith.constant 0 : i32
    %c0_i32_0 = arith.constant 0 : i32
    %c0_i32_1 = arith.constant 0 : i32
    return %c0_i32, %c0_i32_0 : i32, i32
  }
  func.func @transform_3(%arg0: i32, %arg1: i32, %arg2: memref<2x2xi32, #tpu.memory_space<smem>>, %arg3: memref<2x2xf32, #tpu.memory_space<smem>>) -> (i32, i32, i32) {
    %get3A = arith.index_cast %arg0 : i32 to index
    %get3A_0 = arith.index_cast %arg1 : i32 to index
    %get3A_1 = memref.load %arg2[%get3A, %get3A_0] : memref<2x2xi32, #tpu.memory_space<smem>>
    %c0_i32 = arith.constant 0 : i32
    %c0_i32_2 = arith.constant 0 : i32
    %c0_i32_3 = arith.constant 0 : i32
    return %get3A_1, %c0_i32, %c0_i32_2 : i32, i32, i32
  }
  func.func @transform_4(%arg0: i32, %arg1: i32, %arg2: memref<2x2xi32, #tpu.memory_space<smem>>, %arg3: memref<2x2xf32, #tpu.memory_space<smem>>) -> (i32, i32, i32) {
    %get3A = arith.index_cast %arg0 : i32 to index
    %get3A_0 = arith.index_cast %arg1 : i32 to index
    %get3A_1 = memref.load %arg2[%get3A, %get3A_0] : memref<2x2xi32, #tpu.memory_space<smem>>
    %c0_i32 = arith.constant 0 : i32
    %c0_i32_2 = arith.constant 0 : i32
    %c0_i32_3 = arith.constant 0 : i32
    return %get3A_1, %c0_i32, %c0_i32_2 : i32, i32, i32
  }
  func.func @transform_5(%arg0: i32, %arg1: i32, %arg2: memref<2x2xi32, #tpu.memory_space<smem>>, %arg3: memref<2x2xf32, #tpu.memory_space<smem>>) -> (i32, i32, i32) {
    %get3A = arith.index_cast %arg0 : i32 to index
    %get3A_0 = arith.index_cast %arg1 : i32 to index
    %get3A_1 = memref.load %arg2[%get3A, %get3A_0] : memref<2x2xi32, #tpu.memory_space<smem>>
    %c0_i32 = arith.constant 0 : i32
    %c0_i32_2 = arith.constant 0 : i32
    %c0_i32_3 = arith.constant 0 : i32
    return %get3A_1, %c0_i32, %c0_i32_2 : i32, i32, i32
  }
  func.func @transform_6(%arg0: i32, %arg1: i32, %arg2: memref<2x2xi32, #tpu.memory_space<smem>>, %arg3: memref<2x2xf32, #tpu.memory_space<smem>>) -> (i32, i32, i32) {
    %get3A = arith.index_cast %arg0 : i32 to index
    %get3A_0 = arith.index_cast %arg1 : i32 to index
    %get3A_1 = memref.load %arg2[%get3A, %get3A_0] : memref<2x2xi32, #tpu.memory_space<smem>>
    %c0_i32 = arith.constant 0 : i32
    %c0_i32_2 = arith.constant 0 : i32
    %c0_i32_3 = arith.constant 0 : i32
    return %get3A_1, %c0_i32, %c0_i32_2 : i32, i32, i32
  }
  func.func @transform_7(%arg0: i32, %arg1: i32, %arg2: memref<2x2xi32, #tpu.memory_space<smem>>, %arg3: memref<2x2xf32, #tpu.memory_space<smem>>) -> (i32, i32, i32) {
    %get3A = arith.index_cast %arg0 : i32 to index
    %get3A_0 = arith.index_cast %arg1 : i32 to index
    %get3A_1 = memref.load %arg2[%get3A, %get3A_0] : memref<2x2xi32, #tpu.memory_space<smem>>
    %c0_i32 = arith.constant 0 : i32
    %c0_i32_2 = arith.constant 0 : i32
    %c0_i32_3 = arith.constant 0 : i32
    return %get3A_1, %c0_i32, %c0_i32_2 : i32, i32, i32
  }
  func.func @transform_8(%arg0: i32, %arg1: i32, %arg2: memref<2x2xi32, #tpu.memory_space<smem>>, %arg3: memref<2x2xf32, #tpu.memory_space<smem>>) -> (i32, i32, i32) {
    %get3A = arith.index_cast %arg0 : i32 to index
    %get3A_0 = arith.index_cast %arg1 : i32 to index
    %get3A_1 = memref.load %arg2[%get3A, %get3A_0] : memref<2x2xi32, #tpu.memory_space<smem>>
    %c0_i32 = arith.constant 0 : i32
    %c0_i32_2 = arith.constant 0 : i32
    %c0_i32_3 = arith.constant 0 : i32
    return %get3A_1, %c0_i32, %c0_i32_2 : i32, i32, i32
  }
  func.func @transform_9(%arg0: i32, %arg1: i32, %arg2: memref<2x2xi32, #tpu.memory_space<smem>>, %arg3: memref<2x2xf32, #tpu.memory_space<smem>>) -> (i32, i32, i32) {
    %c0_i32 = arith.constant 0 : i32
    %c0_i32_0 = arith.constant 0 : i32
    %c0_i32_1 = arith.constant 0 : i32
    return %arg0, %c0_i32, %c0_i32_0 : i32, i32, i32
  }
}

</mosaic_0001>

<sc_bundles>
// kernel: kernel.5.cloned.1.call-start
scs
__scs_entry_jumppad:
0x0: {  	(pc) =	sbr.rel $0x88, $3  }
0x1: {  	(tag) =	ssettag $0x0;
	lr =	simm.s32 $0x1  }
0x2: {  	[smem:$0x3F96] =	sst lr;
	_ =	strace $0xD0000000  }
0x3: {  	_ = 	snop  }
0x4: {  	_ = 	snop  }
0x5: {  	_ = 	snop  }
0x6: {  	_ = 	snop  }
0x7: {  	_ = 	snop  }
__scs_overlays_trampoline_lowered:
0x8: {  	[smem:$0x3FA5] =	sst s0  }
0x9: {  	[smem:$0x3FA6] =	sst s1  }
0xa: {  	[smem:$0x3FA7] =	sst s2  }
0xb: {  	[smem:$0x3FA8] =	sst s3  }
0xc: {  	[smem:$0x3FA9] =	sst s4  }
0xd: {  	[smem:$0x3FAA] =	sst s5  }
0xe: {  	[smem:$0x3FAB] =	sst s6  }
0xf: {  	[smem:$0x3FAC] =	sst s7  }
0x10: {  	[smem:$0x3FAD] =	sst s8  }
0x11: {  	[smem:$0x3FAE] =	sst s9;
	s0 =	simm.s32 @!p0 $0x0  }
0x12: {  	s1 =	sld [smem:$0x3F94];
	s0 =	simm.s32 @p0 $0x1  }
0x13: {  	[smem:$0x3FAF] =	sst s0;
	s0 =	simm.s32 @!p1 $0x0  }
0x14: {  	s2 =	sld [smem:$0x3F93];
	s0 =	simm.s32 @p1 $0x1  }
0x15: {  	[smem:$0x3FB0] =	sst s0;
	s0 =	simm.s32 @!p2 $0x0  }
0x16: {  	s3 =	sld [smem:$0x3FDB];
	s0 =	simm.s32 @p2 $0x1  }
0x17: {  	s4 =	simm.s32 $0x1BF5;
	[smem:$0x3FB2] =	sst s0  }
0x18: {  	s0 =	sld [smem:$0x3F95];
	_ =	swait.ge [sflag:s4], $0x0  }
0x19: {  	s7 =	sld [smem:$0x3F96]  }
0x1a: {  	s8 =	sadd.s32 $0xFFFFE003, lr  }
0x1b: {  	s9 =	sadd.s32 $0xFFFFFEF7, lr;
	s5 =	simm.s32 $0xFFFFFFFF;
	p2 =	slt.u32 s8, $0xFFFFF086  }
0x1c: {  	p1 =	slt.u32 s9, $0xF7A;
	s5 =	simm.s32 @!p2 $0x0  }
0x1d: {  	s5 =	simm.s32 @p1 $0x1;
	p0 =	seq.s32 s7, s2  }
0x1e: {  	s7 =	smul.u32 @!p0 $0xF7A, s2;
	p2 =	seq.s32 @!p0 s5, $0x0  }
0x1f: {  	s9 =	smul.u32 $0xF7A, s1;
	s8 =	simm.s32 @!p0 $0x1BF5;
	p2 =	por !p2, p0  }
0x20: {  	[sflag:s8] =	ssyncset.s32 @!p0 $0xFFFFF086;
	s6 =	sadd.s32 @!p0 s3, s7;
	s7 =	simm.s32 @!p0 $0x108  }
0x21: {  	s3 =	sadd.s32 s3, s9;
	s6 =	sadd.s32 @!p0 $0x88, s6;
	s7 =	simm.s32 @p2 $0x1082  }
0x22: {  	[simem:s7], [sflag:s8] =	dma.local @!p0 [hbm:s6], $0xF7A  }
0x23: {  	s9 =	sor.u32 $0xD0000000, s2;
	s6 =	simm.s32 $0x108;
	_ =	swait.ge @!p0 [sflag:s8], $0x0  }
0x24: {  	s3 =	sadd.s32 $0x88, s3;
	s6 =	simm.s32 @!p1 $0x1082;
	[sflag:s4] =	ssyncset.s32 $0xFFFFF086  }
0x25: {  	[simem:s6], [sflag:s4] =	dma.local [hbm:s3], $0xF7A  }
0x26: {  	[smem:$0x3F96] =	sst s1;
	(tag) =	ssettag s2;
	_ =	strace s9  }
0x27: {  	s1 =	sld [smem:$0x3FA6]  }
0x28: {  	s2 =	sld [smem:$0x3FA7]  }
0x29: {  	s4 =	sld [smem:$0x3FA9]  }
0x2a: {  	p0 =	seq.s32 s5, $0x0;
	s5 =	sld [smem:$0x3FAA]  }
0x2b: {  	s6 =	sld [smem:$0x3FAB]  }
0x2c: {  	s7 =	sld [smem:$0x3FAC]  }
0x2d: {  	s3 =	simm.s32 $0x108;
	s8 =	sld [smem:$0x3FAD]  }
0x2e: {  	s3 =	simm.s32 @!p0 $0x1082;
	s9 =	sld [smem:$0x3FAE]  }
0x2f: {  	lr =	sadd.s32 s0, s3;
	s0 =	sld [smem:$0x3FA5]  }
0x30: {  	s3 =	sld [smem:$0x3FA8]  }
0x31: {  	[smem:$0x3FB1] =	sst s10  }
0x32: {  	s10 =	sld [smem:$0x3FAF];
	_ =	sdelay $0x3  }
0x33: {  	p0 =	seq.s32 s10, $0x1;
	s10 =	sld [smem:$0x3FB1];
	_ =	sdelay $0x3  }
0x34: {  	[smem:$0x3FB1] =	sst s10  }
0x35: {  	s10 =	sld [smem:$0x3FB0];
	_ =	sdelay $0x3  }
0x36: {  	p1 =	seq.s32 s10, $0x1;
	s10 =	sld [smem:$0x3FB1];
	_ =	sdelay $0x3  }
0x37: {  	[smem:$0x3FB1] =	sst s10  }
0x38: {  	s10 =	sld [smem:$0x3FB2]  }
0x39: {  	_ = 	snop;
	(pc) =	sbr.ind lr, $3  }
0x3a: {  	_ = 	snop  }
0x3b: {  	_ = 	snop  }
0x3c: {  	p2 =	seq.s32 s10, $0x1;
	s10 =	sld [smem:$0x3FB1]  }
0x3d: {  	_ =	shalt  }
0x3e: {  	_ =	shalt  }
0x3f: {  	_ =	shalt  }
0x40: {  	_ =	shalt  }
0x41: {  	_ =	shalt  }
0x42: {  	_ =	shalt  }
0x43: {  	_ =	shalt  }
0x44: {  	_ =	shalt  }
0x45: {  	_ =	shalt  }
0x46: {  	_ =	shalt  }
0x47: {  	_ =	shalt  }
0x48: {  	_ =	shalt  }
0x49: {  	_ =	shalt  }
0x4a: {  	_ =	shalt  }
0x4b: {  	_ =	shalt  }
0x4c: {  	_ =	shalt  }
0x4d: {  	_ =	shalt  }
0x4e: {  	_ =	shalt  }
0x4f: {  	_ =	shalt  }
0x50: {  	_ =	shalt  }
0x51: {  	_ =	shalt  }
0x52: {  	_ =	shalt  }
0x53: {  	_ =	shalt  }
0x54: {  	_ =	shalt  }
0x55: {  	_ =	shalt  }
0x56: {  	_ =	shalt  }
0x57: {  	_ =	shalt  }
0x58: {  	_ =	shalt  }
0x59: {  	_ =	shalt  }
0x5a: {  	_ =	shalt  }
0x5b: {  	_ =	shalt  }
0x5c: {  	_ =	shalt  }
0x5d: {  	_ =	shalt  }
0x5e: {  	_ =	shalt  }
0x5f: {  	_ =	shalt  }
0x60: {  	_ =	shalt  }
0x61: {  	_ =	shalt  }
0x62: {  	_ =	shalt  }
0x63: {  	_ =	shalt  }
0x64: {  	_ =	shalt  }
0x65: {  	_ =	shalt  }
0x66: {  	_ =	shalt  }
0x67: {  	_ =	shalt  }
0x68: {  	_ =	shalt  }
0x69: {  	_ =	shalt  }
0x6a: {  	_ =	shalt  }
0x6b: {  	_ =	shalt  }
0x6c: {  	_ =	shalt  }
0x6d: {  	_ =	shalt  }
0x6e: {  	_ =	shalt  }
0x6f: {  	_ =	shalt  }
0x70: {  	_ =	shalt  }
0x71: {  	_ =	shalt  }
0x72: {  	_ =	shalt  }
0x73: {  	_ =	shalt  }
0x74: {  	_ =	shalt  }
0x75: {  	_ =	shalt  }
0x76: {  	_ =	shalt  }
0x77: {  	_ =	shalt  }
0x78: {  	_ =	shalt  }
0x79: {  	_ =	shalt  }
0x7a: {  	_ =	shalt  }
0x7b: {  	_ =	shalt  }
0x7c: {  	_ =	shalt  }
0x7d: {  	_ =	shalt  }
0x7e: {  	_ =	shalt  }
0x7f: {  	_ =	shalt  }
0x80: {  	_ =	shalt  }
0x81: {  	_ =	shalt  }
0x82: {  	_ =	shalt  }
0x83: {  	_ =	shalt  }
0x84: {  	_ =	shalt  }
0x85: {  	_ =	shalt  }
0x86: {  	_ =	shalt  }
0x87: {  	_ =	shalt  }
.Lfunc_end0:
.L_simem_size_0:
called_computation_lowered:
.L_overlay_start_0:
0x88: {  	s2 =	sld [smem:$0x3FD9]  }
0x89: {  	s3 =	sld [smem:$0x3FFE];
	_ =	sdelay $0x1  }
0x8a: {  	s1 =	srdreg.scid  }
0x8b: {  	s0 =	sand.u32 $0x1, s1  }
0x8c: {  	s14 =	sshll.u32 s0, $0xA;
	s2 =	sadd.s32 s3, s2  }
0x8d: {  	s2 =	sadd.s32 s2, s14  }
0x8e: {  	[smem:$0x3FBD] =	sst s2  }
0x8f: {  	_ = 	snop  }
0x90: {  	s2 =	sld [smem:$0x3FD0];
	_ =	sdelay $0x2  }
0x91: {  	s4 =	simm.s32 $0xA;
	s5 =	simm.s32 $0x10;
	s15 =	sld [smem:$0x3FC5]  }
0x92: {  	[smem:s5], [sflag:s4] =	dma.local [hbm:s2], $0x1  }
0x93: {  	_ =	swait.eq [sflag:s4], $0x1  }
0x94: {  	[sflag:s4] =	ssyncset.done $0x0  }
0x95: {  	s16 =	sld [smem:$0x10];
	[sflag:s4] =	ssyncadd.s32 $0xFFFFFFFF  }
0x96: {  	s17 =	sld [smem:$0x11];
	(tm) =	ssettm $0x1  }
0x97: {  	s18 =	sld [smem:$0x3FFB];
	_ =	sdelay $0x3  }
0x98: {  	_ =	strace s18  }
0x99: {  	s5 =	sld [smem:$0x3FFC];
	_ =	sdelay $0x3  }
0x9a: {  	_ =	strace s5  }
0x9b: {  	s5 =	sld [smem:$0x3FFD];
	_ =	sdelay $0x3  }
0x9c: {  	_ =	strace s5  }
0x9d: {  	_ =	strace $0x8FFFFFFF  }
0x9e: {  	s19 =	sld [smem:$0x3FDB];
	_ =	sdelay $0x1  }
0x9f: {  	s6 =	simm.s32 $_scs_section_size  }
0xa0: {  	s7 =	simm.s32 $_size__tile_overlayer_lowered;
	s8 =	simm.s32 $_tile_overlayer_lowered  }
0xa1: {  	s22 =	simm.s32 $0x1BFF;
	s21 =	sshll.u32 s8, $0x1;
	s5 =	sadd.s32 s6, s19  }
0xa2: {  	s9 =	simm.s32 $0x0;
	s20 =	sshll.u32 s7, $0x1;
	s7 =	sadd.s32 s21, s5  }
0xa3: {  	[timem:s9], [sflag:s22] =	dma.local [hbm:s7], s20  }
0xa4: {  	_ =	swait.ge [sflag:s22], s20  }
0xa5: {  	s6 =	ssub.s32 $0x0, s20;
	[sflag:s22] =	ssyncset.done $0x0  }
0xa6: {  	[sflag:s22] =	ssyncadd.s32 s6;
	_ =	sdelay $0x1  }
0xa7: {  	s23 =	simm.s32 $0x1B8B  }
0xa8: {  	_ =	swait.ge [sflag:s23], $0x1  }
0xa9: {  	[sflag:s23] =	ssyncset.done $0x0  }
0xaa: {  	s25 =	simm.s32 $0x1B8E;
	s24 =	sld [smem:$0x3FFE];
	[sflag:s23] =	ssyncadd.s32 $0xFFFFFFFF  }
0xab: {  	s26 =	simm.s32 $execute0_lowered;
	[smem:$0x3FD2] =	sst s25  }
0xac: {  	s7 =	sshll.u32 s26, $0x1;
	_ =	strace $0x80000046;
	[dreg:$0x1] =	wrdreg $0xFFFFFFFF  }
0xad: {  	s28 =	simm.s32 $_size_execute0_lowered;
	s5 =	sadd.s32 s5, s7;
	[dreg:$0x0] =	wrdreg $0x0  }
0xae: {  	s7 =	sshll.u32 s28, $0x1;
	[dreg:$0x2] =	wrdreg s5  }
0xaf: {  	[dreg:$0x3] =	wrdreg s7  }
0xb0: {  	[dreg:$0x4] =	wrdreg $0xC0  }
0xb1: {  	_ =	task [dreg:s9], $0x5FFFF  }
0xb2: {  	[dreg:$0x1] =	wrdreg $0xFFFFFFFF  }
0xb3: {  	[dreg:$0x0] =	wrdreg $0x60  }
0xb4: {  	[dreg:$0x2] =	wrdreg s24  }
0xb5: {  	[dreg:$0x3] =	wrdreg s16  }
0xb6: {  	[dreg:$0x4] =	wrdreg s15  }
0xb7: {  	[dreg:$0x5] =	wrdreg s17  }
0xb8: {  	[dreg:$0x6] =	wrdreg $0x9  }
0xb9: {  	_ =	task.clear_ibuf [dreg:s9], $0x7FFFF;
	_ =	strace $0x90000046  }
0xba: {  	s29 =	simm.s32 $0x9;
	_ =	strace $0x80000048  }
0xbb: {  	_ =	swait.ge [sflag:s29], $0x1  }
0xbc: {  	[sflag:s29] =	ssyncadd.s32 $0xFFFFFFFF  }
0xbd: {  	_ =	strace $0x90000048  }
0xbe: {  	_ =	sfence  }
0xbf: {  	s30 =	sld [smem:$0x0];
	_ =	sdelay $0x2  }
0xc0: {  	s31 =	sshll.u32 s1, $0xD;
	s1 =	sshrl.u32 s1, $0x2  }
0xc1: {  	s3 =	sand.u32 $0x4000, s31;
	s1 =	sadd.s32 s1, s30  }
0xc2: {  	s0 =	sor.u32 s3, s0;
	s1 =	sshll.u32 s1, $0x11  }
0xc3: {  	s0 =	sor.u32 s1, s0  }
0xc4: {  	s0 =	sadd.s32 $0x8F2B, s0  }
0xc5: {  	[sflag:s0] =	ssyncadd.remote.s32 $0x1  }
0xc6: {  	_ =	sfence.sel $0xFFFF  }
0xc7: {  	[dreg:$0x0] =	wrdreg $0xFFFFFFFF;
	(pc) =	sbr.abs _section_cstart, $3  }
0xc8: {  	[dreg:$0x1] =	wrdreg $0xFFFFFFFF  }
0xc9: {  	_ =	task.clear_ibuf [dreg:s9], $0x2FFFF;
	_ =	strace $0x9FFFFFFF  }
0xca: {  	(tm) =	ssettm $0x7FFFFFFF  }
0xcb: {  	_ =	shalt  }
tec
execute0_lowered:
.L_overlay_start_1:
0x0: {  	(tag) =	ssettag $0x1  }
0x1: {  	s1 =	srdreg.scid  }
0x2: {  	s2 =	stileid.u32;
	s1 =	sand.u32 $0x1, s1  }
0x3: {  	s2 =	sor.u32 s2, s1  }
0x4: {  	p0 =	sne.s32 s2, $0x0  }
.Ltmp0:
0x5: {  	_ = 	snop;
	(pc) =	sbr.rel @!p0 .LBB2_1-.Ltmp0, $2  }
0x6: {  	_ =	sdelay $0x2  }
0x7: {  	s0 =	rddreg [dreg:$0x0];
	_ =	strace $0x80000047  }
.LBB2_73:
0x8: {  	_ =	sfence.sel $0x180000  }
0x9: {  	[bflag:$0x0] =	sbarrier.arrive $0xFFFF  }
0xa: {  	_ =	strace $0x90000047  }
0xb: {  	s0 =	stileid.u32;
	[bflag:$0x2] =	sbarrier.arrive $0xFFFF  }
0xc: {  	p0 =	sne.s32 s0, $0x0;
	s0 =	rddreg [dreg:$0x4]  }
0xd: {  	s0 =	sadd.s32 @!p0 $0x100000, s0  }
0xe: {  	[sflag:s0] =	ssyncadd.tile.s32 @!p0 $0x1;
	_ =	shalt  }
.LBB2_1:
0xf: {  	vm0 =	vmmov $0x1;
	vm1 =	vcmask $0x320;
	vm2 =	vcmask $0x720;
	s2 =	sadd.s32 $0x600, s0  }
0x10: {  	s1 =	ssub.s32 $0x2, s1;
	vm3 =	vcmask $0xB20;
	vm4 =	vcmask $0xF20;
	vm5 =	vcmask $0x1320;
	s29 =	sadd.s32 $0x800, s0;
	[dreg:$0x5] =	wrdreg s2  }
0x11: {  	s30 =	sadd.s32 $0xA00, s0;
	vm6 =	vcmask $0x1720;
	vm7 =	vcmask $0x1B20;
	v0 =	vlaneseq.u32;
	[dreg:$0x6] =	wrdreg s29;
	s31 =	sshrl.u32 s1, $0x1  }
0x12: {  	s9 =	simm.s32 $0x0;
	vm8 =	vmmov $0xff;
	vm9 =	vcmask $0x704;
	v2 =	vimm.f32 $0.0e+00;
	[dreg:$0x7] =	wrdreg s30;
	s0 =	ssub.s32 s1, s31  }
0x13: {  	s10 =	simm.s32 $0x1;
	vm13 =	vcmask $0x710;
	vm14 =	vcmask $0xB10;
	v1 =	vor.u32 $0x80000000, v0;
	s2 =	simm.s32 $0x0;
	[dreg:$0x8] =	wrdreg s0  }
.LBB2_2:
0x14: {  	s0 =	rddreg [dreg:$0x5]  }
0x15: {  	[tilespmem:s2], [sflag:$0x1] =	stream.linear.gather [hbm4b:s0+s2], $0x800, $0x38;
	[tilespmem:$0x3180] =	vst v63  }
0x16: {  	_ =	swait.ge [sflag:s10], $0x800  }
0x17: {  	[sflag:s10] =	ssyncset.done $0x0  }
0x18: {  	[sflag:s10] =	ssyncadd.s32 $0xFFFFF800  }
0x19: {  	s1 =	simm.s32 $0x800;
	s22 =	rddreg [dreg:$0x1]  }
0x1a: {  	[tilespmem:s1], [sflag:$0x1] =	stream.linear.gather [hbm4b:s22+s2], $0x800, $0x38;
	[tilespmem:$0x3180] =	vst v63  }
0x1b: {  	_ =	swait.ge [sflag:s10], $0x800  }
0x1c: {  	[sflag:s10] =	ssyncset.done $0x0  }
0x1d: {  	[sflag:s10] =	ssyncadd.s32 $0xFFFFF800  }
0x1e: {  	s24 =	simm.s32 $0x1000;
	s23 =	rddreg [dreg:$0x2]  }
0x1f: {  	[tilespmem:s24], [sflag:$0x1] =	stream.linear.gather [hbm4b:s23+s2], $0x2000, $0x38;
	[tilespmem:$0x3180] =	vst v63  }
0x20: {  	_ =	swait.ge [sflag:s10], $0x2000  }
0x21: {  	s25 =	sand.u32 $0x40, s2;
	s26 =	sand.u32 $0x700, s2;
	[sflag:s10] =	ssyncset.done $0x0  }
0x22: {  	s1 =	sor.u32 s25, s26;
	[sflag:s10] =	ssyncadd.s32 $0xFFFFE000  }
0x23: {  	v3 =	vld [tilespmem:s1+$0x0]  }
0x24: {  	v4 =	vld [tilespmem:s1+$0x800];
	_ =	sdelay $0x2  }
0x25: {  	p0 =	por $0x0, $0x0;
	s0 =	simm.s32 $0x1  }
0x26: {  	s0 =	simm.s32 @!p0 $0x0  }
0x27: {  	s0 =	sshll.u32 s0, $0x6;
	v3 =	vadd.f32 v4, v3  }
0x28: {  	s0 =	sadd.s32 $0x0, s0  }
0x29: {  	s28 =	sor.u32 $0x80, s0;
	[tilespmem:s1+$0x0] =	vst v3  }
0x2a: {  	v3 =	vld [tilespmem:s28+$0x0]  }
0x2b: {  	v58 =	vld [tilespmem:s28+$0x800];
	_ =	sdelay $0x4  }
0x2c: {  	v3 =	vadd.f32 v58, v3;
	_ =	sdelay $0x1  }
0x2d: {  	[tilespmem:s28+$0x0] =	vst v3  }
0x2e: {  	v3 =	vld [tilespmem:s1+$0x10]  }
0x2f: {  	v59 =	vld [tilespmem:s1+$0x810];
	_ =	sdelay $0x4  }
0x30: {  	v3 =	vadd.f32 v59, v3  }
0x31: {  	s29 =	sadd.s32 $0x10, s0  }
0x32: {  	s2 =	sor.u32 $0x80, s29;
	[tilespmem:s1+$0x10] =	vst v3  }
0x33: {  	v3 =	vld [tilespmem:s2+$0x0]  }
0x34: {  	v60 =	vld [tilespmem:s2+$0x800];
	_ =	sdelay $0x4  }
0x35: {  	v3 =	vadd.f32 v60, v3;
	_ =	sdelay $0x1  }
0x36: {  	[tilespmem:s2+$0x0] =	vst v3  }
0x37: {  	v3 =	vld [tilespmem:s1+$0x20]  }
0x38: {  	v61 =	vld [tilespmem:s1+$0x820];
	_ =	sdelay $0x4  }
0x39: {  	v3 =	vadd.f32 v61, v3  }
0x3a: {  	s30 =	sadd.s32 $0x20, s0  }
0x3b: {  	s2 =	sor.u32 $0x80, s30;
	[tilespmem:s1+$0x20] =	vst v3  }
0x3c: {  	v3 =	vld [tilespmem:s2+$0x0]  }
0x3d: {  	v62 =	vld [tilespmem:s2+$0x800];
	_ =	sdelay $0x4  }
0x3e: {  	v3 =	vadd.f32 v62, v3;
	_ =	sdelay $0x1  }
0x3f: {  	[tilespmem:s2+$0x0] =	vst v3  }
0x40: {  	v3 =	vld [tilespmem:s1+$0x30]  }
0x41: {  	v63 =	vld [tilespmem:s1+$0x830];
	_ =	sdelay $0x4  }
0x42: {  	v3 =	vadd.f32 v63, v3  }
0x43: {  	s31 =	sadd.s32 $0x30, s0  }
0x44: {  	s0 =	simm.s32 $0x40;
	s2 =	simm.s32 $0x0;
	[tilespmem:s1+$0x30] =	vst v3;
	s1 =	sor.u32 $0x80, s31  }
.LBB2_3:
0x45: {  	p1 =	sne.s32 s0, $0x3C0;
	v3 =	vld [tilespmem:s1+$0x0];
	s2 =	sadd.s32 $0x80, s2;
	p0 =	por !p0, !p0  }
0x46: {  	s3 =	smov.u32 s0;
	s0 =	sadd.s32 $0x40, s0;
	v4 =	vld [tilespmem:s1+$0x800];
	_ =	sdelay $0x4  }
0x47: {  	v3 =	vadd.f32 v4, v3  }
0x48: {  	s3 =	sand.u32 $0x40, s3;
	s4 =	sand.u32 $0x700, s2  }
0x49: {  	s11 =	sor.u32 s3, s4;
	[tilespmem:s1+$0x0] =	vst v3  }
0x4a: {  	v3 =	vld [tilespmem:s11+$0x0]  }
0x4b: {  	v4 =	vld [tilespmem:s11+$0x800];
	_ =	sdelay $0x2  }
0x4c: {  	s1 =	simm.s32 $0x1  }
0x4d: {  	s1 =	simm.s32 @!p0 $0x0  }
0x4e: {  	s1 =	sshll.u32 s1, $0x6;
	v3 =	vadd.f32 v4, v3  }
0x4f: {  	s1 =	sadd.s32 s1, s2  }
0x50: {  	s3 =	sor.u32 $0x80, s1;
	s4 =	sadd.s32 $0x10, s1;
	s5 =	sadd.s32 $0x20, s1;
	[tilespmem:s11+$0x0] =	vst v3  }
0x51: {  	s12 =	sadd.s32 $0x30, s1;
	v3 =	vld [tilespmem:s3+$0x0]  }
0x52: {  	v4 =	vld [tilespmem:s3+$0x800];
	_ =	sdelay $0x4  }
0x53: {  	v3 =	vadd.f32 v4, v3;
	_ =	sdelay $0x1  }
0x54: {  	[tilespmem:s3+$0x0] =	vst v3  }
0x55: {  	v3 =	vld [tilespmem:s11+$0x10]  }
0x56: {  	v4 =	vld [tilespmem:s11+$0x810];
	_ =	sdelay $0x4  }
0x57: {  	v3 =	vadd.f32 v4, v3;
	_ =	sdelay $0x1  }
0x58: {  	s1 =	sor.u32 $0x80, s4;
	[tilespmem:s11+$0x10] =	vst v3  }
0x59: {  	v3 =	vld [tilespmem:s1+$0x0]  }
0x5a: {  	v4 =	vld [tilespmem:s1+$0x800];
	_ =	sdelay $0x4  }
0x5b: {  	v3 =	vadd.f32 v4, v3;
	_ =	sdelay $0x1  }
0x5c: {  	[tilespmem:s1+$0x0] =	vst v3  }
0x5d: {  	v3 =	vld [tilespmem:s11+$0x20]  }
0x5e: {  	v4 =	vld [tilespmem:s11+$0x820];
	_ =	sdelay $0x4  }
0x5f: {  	v3 =	vadd.f32 v4, v3;
	_ =	sdelay $0x1  }
0x60: {  	s1 =	sor.u32 $0x80, s5;
	[tilespmem:s11+$0x20] =	vst v3  }
0x61: {  	v3 =	vld [tilespmem:s1+$0x0]  }
0x62: {  	v4 =	vld [tilespmem:s1+$0x800];
	_ =	sdelay $0x4  }
0x63: {  	v3 =	vadd.f32 v4, v3;
	_ =	sdelay $0x1  }
0x64: {  	[tilespmem:s1+$0x0] =	vst v3  }
0x65: {  	v3 =	vld [tilespmem:s11+$0x30]  }
0x66: {  	v4 =	vld [tilespmem:s11+$0x830];
	_ =	sdelay $0x2  }
.Ltmp1:
0x67: {  	(pc) =	sbr.rel @p1 .LBB2_3-.Ltmp1, $3  }
0x68: {  	_ = 	snop  }
0x69: {  	v3 =	vadd.f32 v4, v3;
	_ =	sdelay $0x1  }
0x6a: {  	s3 =	simm.s32 $0x0;
	s1 =	sor.u32 $0x80, s12;
	[tilespmem:s11+$0x30] =	vst v3  }
0x6b: {  	v3 =	vld [tilespmem:s1+$0x0]  }
0x6c: {  	v4 =	vld [tilespmem:s1+$0x800];
	_ =	sdelay $0x4  }
0x6d: {  	s0 =	simm.s32 $0x0;
	s2 =	simm.s32 $0x0;
	v3 =	vadd.f32 v4, v3  }
0x6e: {  	s3 =	sand.u32 $0x40, s3;
	s0 =	sand.u32 $0x3FFFFC00, s0;
	s2 =	sand.u32 $0xFFFFFF00, s2  }
0x6f: {  	s19 =	sor.u32 s3, s2;
	s0 =	sadd.s32 $0x1000, s0;
	[tilespmem:s1+$0x0] =	vst v3  }
0x70: {  	s25 =	sor.u32 $0x10, s3;
	s20 =	sor.u32 s3, s0;
	v3 =	vld [tilespmem:s19+$0x0]  }
0x71: {  	s21 =	sor.u32 s25, s2;
	v4 =	vld [tilespmem:s20+$0x0]  }
0x72: {  	s26 =	sor.u32 $0x20, s3;
	s22 =	sor.u32 s25, s0;
	v6 =	vld [tilespmem:s21+$0x0]  }
0x73: {  	s4 =	simm.s32 $0x40;
	s23 =	sor.u32 s26, s2;
	v7 =	vld [tilespmem:s22+$0x0]  }
0x74: {  	s6 =	simm.s32 $0x200;
	s5 =	sor.u32 $0x30, s3;
	s11 =	sor.u32 s26, s0;
	v8 =	vld [tilespmem:s23+$0x0]  }
0x75: {  	s7 =	simm.s32 $0x80;
	s17 =	sand.u32 $0x40, s4;
	s12 =	sor.u32 s5, s2;
	v9 =	vld [tilespmem:s11+$0x0]  }
0x76: {  	s24 =	sand.u32 $0x3FFFFC00, s6;
	s18 =	sand.u32 $0xFFFFFF00, s7;
	s28 =	sor.u32 s5, s0;
	v11 =	vld [tilespmem:s12+$0x0];
	v4 =	vmul.f32 v4, v3  }
0x77: {  	s14 =	sadd.s32 $0x1000, s24;
	s26 =	sor.u32 s17, s18;
	v12 =	vld [tilespmem:s28+$0x0];
	v3 =	vimm.f32 $0.0e+00  }
0x78: {  	s8 =	sor.u32 s17, s14;
	s25 =	sor.u32 $0x10, s17;
	v5 =	vld [tilespmem:s26+$0x0];
	v6 =	vmul.f32 v7, v6;
	v10 =	vadd.f32 v4, v3  }
0x79: {  	s13 =	sor.u32 s25, s14;
	v7 =	vld [tilespmem:s8+$0x0]  }
0x7a: {  	s16 =	simm.s32 $0x80;
	s0 =	sor.u32 $0x20, s17;
	s29 =	sor.u32 s25, s18;
	v9 =	vmul.f32 v9, v8;
	v8 =	vld [tilespmem:s13+$0x0];
	v10 =	vadd.f32 v6, v10  }
0x7b: {  	s15 =	sand.u32 $0x40, s16;
	s2 =	simm.s32 $0x400;
	s30 =	sor.u32 s0, s18;
	v4 =	vld [tilespmem:s29+$0x0]  }
0x7c: {  	s31 =	sor.u32 $0x30, s17;
	s3 =	simm.s32 $0x100;
	s5 =	sor.u32 s0, s14;
	v11 =	vmul.f32 v12, v11;
	v6 =	vld [tilespmem:s30+$0x0];
	v10 =	vadd.f32 v9, v10  }
0x7d: {  	s4 =	sand.u32 $0x3FFFFC00, s2;
	s1 =	simm.s32 $0x3;
	v9 =	vld [tilespmem:s5+$0x0];
	s5 =	sor.u32 s31, s18  }
.LBB2_5:
0x7e: {  	p0 =	sne.s32 s1, $0xF;
	s6 =	sand.u32 $0xFFFFFF00, s3;
	v7 =	vmul.f32 v7, v5;
	v12 =	vld [tilespmem:s5+$0x0];
	s3 =	sor.u32 s31, s14;
	v10 =	vadd.f32 v11, v10  }
0x7f: {  	s14 =	sadd.s32 $0x1000, s4;
	s4 =	smov.u32 s15;
	s5 =	sor.u32 s15, s6;
	v11 =	vld [tilespmem:s3+$0x0]  }
0x80: {  	s3 =	sor.u32 s4, s14;
	v5 =	vld [tilespmem:s5+$0x0];
	s5 =	sor.u32 $0x10, s4;
	v10 =	vadd.f32 v7, v10;
	v8 =	vmul.f32 v8, v4  }
.Ltmp2:
0x81: {  	v7 =	vld [tilespmem:s3+$0x0];
	s3 =	sor.u32 s5, s6;
	(pc) =	sbr.rel @p0 .LBB2_5-.Ltmp2, $4  }
0x82: {  	s16 =	sadd.s32 $0x40, s16;
	v4 =	vld [tilespmem:s3+$0x0];
	s3 =	sor.u32 s5, s14;
	s5 =	sor.u32 $0x20, s4;
	v10 =	vadd.f32 v8, v10;
	v9 =	vmul.f32 v9, v6  }
0x83: {  	s7 =	sshll.u32 s1, $0x9;
	s15 =	sand.u32 $0x40, s16;
	v8 =	vld [tilespmem:s3+$0x0];
	s31 =	sor.u32 s5, s6  }
0x84: {  	s3 =	sshra.s32 s7, $0x2;
	s5 =	sor.u32 s5, s14;
	v6 =	vld [tilespmem:s31+$0x0];
	s31 =	sor.u32 $0x30, s4;
	v10 =	vadd.f32 v9, v10;
	v11 =	vmul.f32 v11, v12  }
0x85: {  	s1 =	sadd.s32 $0x1, s1;
	s4 =	sand.u32 $0x3FFFFC00, s7;
	v9 =	vld [tilespmem:s5+$0x0];
	s5 =	sor.u32 s31, s6  }
0x86: {  	v12 =	vld [tilespmem:s5+$0x0]  }
0x87: {  	v57 =	vld [tilespmem:s22+$0x80]  }
0x88: {  	s1 =	sand.u32 $0xFFFFFF00, s3;
	s13 =	sor.u32 s31, s14;
	v59 =	vld [tilespmem:s11+$0x80]  }
0x89: {  	s4 =	sadd.s32 $0x1000, s4;
	s14 =	sor.u32 s15, s1;
	v13 =	vld [tilespmem:s13+$0x0]  }
0x8a: {  	s31 =	sor.u32 $0x10, s15;
	s16 =	sor.u32 s15, s4;
	v14 =	vld [tilespmem:s14+$0x0]  }
0x8b: {  	s6 =	sor.u32 s31, s1;
	v15 =	vld [tilespmem:s16+$0x0]  }
0x8c: {  	s8 =	sor.u32 $0x20, s15;
	v5 =	vmul.f32 v7, v5;
	v7 =	vadd.f32 v11, v10;
	s7 =	sor.u32 s31, s4;
	v16 =	vld [tilespmem:s6+$0x0]  }
0x8d: {  	s13 =	sor.u32 s8, s1;
	v17 =	vld [tilespmem:s7+$0x0]  }
0x8e: {  	v10 =	vld [tilespmem:s13+$0x0];
	v5 =	vadd.f32 v5, v7;
	v4 =	vmul.f32 v8, v4  }
0x8f: {  	s14 =	sor.u32 s8, s4;
	v8 =	vld [tilespmem:s20+$0x80]  }
0x90: {  	s15 =	sor.u32 $0x30, s15;
	v11 =	vld [tilespmem:s14+$0x0];
	v4 =	vadd.f32 v4, v5;
	v5 =	vmul.f32 v9, v6  }
0x91: {  	s1 =	sor.u32 s15, s1;
	v6 =	vld [tilespmem:s19+$0x0]  }
0x92: {  	v7 =	vld [tilespmem:s1+$0x0];
	v4 =	vadd.f32 v5, v4;
	v5 =	vmul.f32 v13, v12  }
0x93: {  	s16 =	sor.u32 s15, s4;
	v9 =	vld [tilespmem:s21+$0x0]  }
0x94: {  	v18 =	vld [tilespmem:s16+$0x0];
	v58 =	vmul.f32 v15, v14;
	v4 =	vadd.f32 v5, v4  }
0x95: {  	v5 =	vld [tilespmem:s23+$0x0]  }
0x96: {  	v61 =	vld [tilespmem:s12+$0x0];
	v60 =	vmul.f32 v17, v16;
	v8 =	vmul.f32 v8, v6;
	v4 =	vadd.f32 v58, v4  }
0x97: {  	s11 =	sadd.s32 $0x1000, s24;
	v62 =	vld [tilespmem:s28+$0x80];
	v10 =	vmul.f32 v11, v10  }
0x98: {  	s28 =	sor.u32 s17, s11;
	v6 =	vld [tilespmem:s26+$0x0];
	v9 =	vmul.f32 v57, v9;
	v3 =	vadd.f32 v8, v3;
	v4 =	vadd.f32 v60, v4  }
0x99: {  	v11 =	vmul.f32 v18, v7;
	v8 =	vld [tilespmem:s28+$0x80]  }
0x9a: {  	v9 =	vadd.f32 v9, v3;
	v63 =	vmul.f32 v59, v5;
	v10 =	vadd.f32 v10, v4;
	v4 =	vld [tilespmem:s29+$0x0];
	s29 =	sor.u32 s25, s11  }
0x9b: {  	s3 =	sor.u32 $0x30, s17;
	s2 =	sand.u32 $0x3FFFFC00, s2;
	v7 =	vld [tilespmem:s29+$0x80]  }
0x9c: {  	s31 =	sor.u32 s0, s11;
	s0 =	simm.s32 $0x3;
	s14 =	simm.s32 $0x80;
	v5 =	vld [tilespmem:s30+$0x0];
	v3 =	vadd.f32 v11, v10;
	v10 =	vadd.f32 v63, v9;
	v11 =	vmul.f32 v62, v61  }
0x9d: {  	s4 =	sor.u32 s3, s18;
	s1 =	simm.s32 $0x100;
	s12 =	sand.u32 $0x40, s14;
	v9 =	vld [tilespmem:s31+$0x80]  }
.LBB2_7:
0x9e: {  	p0 =	sne.s32 s0, $0xF;
	s5 =	sand.u32 $0xFFFFFF00, s1;
	v8 =	vmul.f32 v8, v6;
	v12 =	vld [tilespmem:s4+$0x0];
	s1 =	sor.u32 s3, s11;
	v10 =	vadd.f32 v11, v10  }
0x9f: {  	s11 =	sadd.s32 $0x1000, s2;
	s2 =	smov.u32 s12;
	s3 =	sor.u32 s12, s5;
	v11 =	vld [tilespmem:s1+$0x80]  }
0xa0: {  	s1 =	sor.u32 s2, s11;
	v6 =	vld [tilespmem:s3+$0x0];
	s3 =	sor.u32 $0x10, s2;
	v10 =	vadd.f32 v8, v10;
	v7 =	vmul.f32 v7, v4  }
.Ltmp3:
0xa1: {  	v8 =	vld [tilespmem:s1+$0x80];
	s1 =	sor.u32 s3, s5;
	(pc) =	sbr.rel @p0 .LBB2_7-.Ltmp3, $4  }
0xa2: {  	s14 =	sadd.s32 $0x40, s14;
	v4 =	vld [tilespmem:s1+$0x0];
	s1 =	sor.u32 s3, s11;
	s3 =	sor.u32 $0x20, s2;
	v10 =	vadd.f32 v7, v10;
	v9 =	vmul.f32 v9, v5  }
0xa3: {  	s4 =	sshll.u32 s0, $0x9;
	s12 =	sand.u32 $0x40, s14;
	v7 =	vld [tilespmem:s1+$0x80];
	s6 =	sor.u32 s3, s5  }
0xa4: {  	s1 =	sshra.s32 s4, $0x2;
	v5 =	vld [tilespmem:s6+$0x0];
	s6 =	sor.u32 s3, s11;
	s3 =	sor.u32 $0x30, s2;
	v10 =	vadd.f32 v9, v10;
	v11 =	vmul.f32 v11, v12  }
0xa5: {  	s0 =	sadd.s32 $0x1, s0;
	s2 =	sand.u32 $0x3FFFFC00, s4;
	v9 =	vld [tilespmem:s6+$0x80];
	s4 =	sor.u32 s3, s5  }
0xa6: {  	s0 =	sand.u32 $0xFFFFFF00, s1;
	v6 =	vmul.f32 v8, v6;
	v8 =	vld [tilespmem:s4+$0x0];
	s18 =	sor.u32 s3, s11;
	v10 =	vadd.f32 v11, v10  }
0xa7: {  	s2 =	sadd.s32 $0x1000, s2;
	s19 =	sor.u32 s12, s0;
	v11 =	vld [tilespmem:s18+$0x80]  }
0xa8: {  	s21 =	sor.u32 $0x10, s12;
	s20 =	sor.u32 s12, s2;
	v12 =	vld [tilespmem:s19+$0x0];
	v6 =	vadd.f32 v6, v10;
	v4 =	vmul.f32 v7, v4  }
0xa9: {  	s22 =	sor.u32 s21, s0;
	v7 =	vld [tilespmem:s20+$0x80]  }
0xaa: {  	s24 =	sor.u32 $0x20, s12;
	s23 =	sor.u32 s21, s2;
	v10 =	vld [tilespmem:s22+$0x0];
	v4 =	vadd.f32 v4, v6;
	v5 =	vmul.f32 v9, v5  }
0xab: {  	s25 =	sor.u32 s24, s0;
	v6 =	vld [tilespmem:s23+$0x80]  }
0xac: {  	s28 =	sor.u32 $0x30, s12;
	s26 =	sor.u32 s24, s2;
	v9 =	vld [tilespmem:s25+$0x0];
	v4 =	vadd.f32 v5, v4;
	v5 =	vmul.f32 v11, v8  }
0xad: {  	s0 =	sor.u32 s28, s0;
	v8 =	vld [tilespmem:s26+$0x80]  }
0xae: {  	s29 =	sor.u32 s28, s2;
	v11 =	vld [tilespmem:s0+$0x0];
	v7 =	vmul.f32 v7, v12;
	v4 =	vadd.f32 v5, v4  }
0xaf: {  	v5 =	vld [tilespmem:s29+$0x80]  }
0xb0: {  	v6 =	vmul.f32 v6, v10;
	v4 =	vadd.f32 v7, v4  }
0xb1: {  	p1 =	por $0x1, $0x1  }
.Ltmp4:
0xb2: {  	v4 =	vadd.f32 v6, v4;
	v6 =	vmul.f32 v8, v9;
	(pc) =	sbr.rel @!p1 .LBB2_15-.Ltmp4, $4  }
0xb3: {  	s30 =	simm.s32 $0x0;
	s31 =	simm.s32 $0x0  }
0xb4: {  	p2 =	por $0x0, $0x0;
	p0 =	por $0x0, $0x0;
	s11 =	simm.s32 $0x0;
	v5 =	vmul.f32 v5, v11;
	v4 =	vadd.f32 v6, v4  }
0xb5: {  	p3 =	por $0x0, $0x0;
	s17 =	sand.u32 $0x40, s30;
	s18 =	sand.u32 $0x3FFFFC00, s31  }
0xb6: {  	s19 =	simm.s32 $0x0;
	s2 =	smov.u32 s17;
	s14 =	smov.u32 s18;
	v6 =	vimm.f32 $0.0e+00;
	v4 =	vadd.f32 v5, v4  }
0xb7: {  	s1 =	sand.u32 $0xFFFFFF00, s19  }
0xb8: {  	s0 =	sadd.s32 $0x1000, s18;
	s2 =	sor.u32 s17, s1  }
0xb9: {  	s3 =	sor.u32 $0x10, s17;
	p3 =	por $0x1, $0x1;
	s26 =	sor.u32 s17, s0;
	v5 =	vld [tilespmem:s2+$0x0]  }
.Ltmp5:
0xba: {  	s28 =	sor.u32 s3, s1;
	v9 =	vld [tilespmem:s26+$0x100];
	(pc) =	sbr.rel @!p3 .LBB2_10-.Ltmp5, $4  }
0xbb: {  	s4 =	sor.u32 $0x20, s17;
	s29 =	simm.s32 $0x40;
	s3 =	sor.u32 s3, s0;
	v7 =	vld [tilespmem:s28+$0x0]  }
0xbc: {  	s5 =	simm.s32 $0x200;
	s11 =	simm.s32 $0x80;
	s30 =	sor.u32 s4, s1;
	v10 =	vld [tilespmem:s3+$0x100]  }
0xbd: {  	s15 =	sor.u32 $0x30, s17;
	p2 =	por $0x1, $0x1;
	s31 =	sor.u32 s4, s0;
	v8 =	vld [tilespmem:s30+$0x0]  }
0xbe: {  	s14 =	sand.u32 $0x3FFFFC00, s5;
	s20 =	sor.u32 s15, s1;
	s2 =	sand.u32 $0x40, s29;
	v11 =	vld [tilespmem:s31+$0x100]  }
0xbf: {  	s3 =	sand.u32 $0xFFFFFF00, s11;
	v13 =	vld [tilespmem:s20+$0x0];
	s1 =	sor.u32 s15, s0;
	v9 =	vmul.f32 v9, v5  }
0xc0: {  	s0 =	sadd.s32 $0x1000, s14;
	s4 =	sor.u32 s2, s3;
	v14 =	vld [tilespmem:s1+$0x100]  }
0xc1: {  	s26 =	sor.u32 $0x10, s2;
	p4 =	por $0x1, $0x1;
	s25 =	sor.u32 s2, s0;
	v5 =	vld [tilespmem:s4+$0x0];
	v12 =	vadd.f32 v9, v6;
	v10 =	vmul.f32 v10, v7  }
.Ltmp6:
0xc2: {  	s12 =	simm.s32 $0x80;
	s28 =	sor.u32 s26, s3;
	v9 =	vld [tilespmem:s25+$0x100];
	(pc) =	sbr.rel @!p4 .LBB2_12-.Ltmp6, $4  }
0xc3: {  	s30 =	sor.u32 $0x20, s2;
	s5 =	simm.s32 $0x400;
	s29 =	sor.u32 s26, s0;
	v7 =	vld [tilespmem:s28+$0x0];
	v12 =	vadd.f32 v10, v12;
	v11 =	vmul.f32 v11, v8  }
0xc4: {  	s11 =	simm.s32 $0x100;
	s15 =	sor.u32 $0x30, s2;
	s31 =	sor.u32 s30, s3;
	v10 =	vld [tilespmem:s29+$0x100]  }
0xc5: {  	p3 =	por $0x1, $0x1;
	s16 =	sand.u32 $0x40, s12;
	s4 =	sor.u32 s30, s0;
	v8 =	vld [tilespmem:s31+$0x0];
	v12 =	vadd.f32 v11, v12;
	v13 =	vmul.f32 v14, v13  }
0xc6: {  	s14 =	sand.u32 $0x3FFFFC00, s5;
	s1 =	simm.s32 $0x3;
	s20 =	sor.u32 s15, s3;
	v11 =	vld [tilespmem:s4+$0x100]  }
.LBB2_13:
0xc7: {  	p4 =	sne.s32 s1, $0xF;
	s2 =	sand.u32 $0xFFFFFF00, s11;
	v9 =	vmul.f32 v9, v5;
	v14 =	vld [tilespmem:s20+$0x0];
	s3 =	sor.u32 s15, s0;
	v12 =	vadd.f32 v13, v12  }
0xc8: {  	s0 =	sadd.s32 $0x1000, s14;
	s4 =	sor.u32 s16, s2;
	v13 =	vld [tilespmem:s3+$0x100];
	s3 =	smov.u32 s16  }
0xc9: {  	v5 =	vld [tilespmem:s4+$0x0];
	s4 =	sor.u32 s3, s0;
	s5 =	sor.u32 $0x10, s3;
	v12 =	vadd.f32 v9, v12;
	v10 =	vmul.f32 v10, v7  }
.Ltmp7:
0xca: {  	v9 =	vld [tilespmem:s4+$0x100];
	s4 =	sor.u32 s5, s2;
	(pc) =	sbr.rel @p4 .LBB2_13-.Ltmp7, $4  }
0xcb: {  	s12 =	sadd.s32 $0x40, s12;
	v7 =	vld [tilespmem:s4+$0x0];
	s4 =	sor.u32 s5, s0;
	s5 =	sor.u32 $0x20, s3;
	v12 =	vadd.f32 v10, v12;
	v11 =	vmul.f32 v11, v8  }
0xcc: {  	s6 =	sshll.u32 s1, $0x9;
	s16 =	sand.u32 $0x40, s12;
	v10 =	vld [tilespmem:s4+$0x100];
	s4 =	sor.u32 s5, s2  }
0xcd: {  	s11 =	sshra.s32 s6, $0x2;
	s15 =	sor.u32 $0x30, s3;
	v8 =	vld [tilespmem:s4+$0x0];
	s4 =	sor.u32 s5, s0;
	v12 =	vadd.f32 v11, v12;
	v13 =	vmul.f32 v13, v14  }
0xce: {  	s1 =	sadd.s32 $0x1, s1;
	s14 =	sand.u32 $0x3FFFFC00, s6;
	s20 =	sor.u32 s15, s2;
	v11 =	vld [tilespmem:s4+$0x100]  }
0xcf: {  	s2 =	smov.u32 s16  }
.LBB2_15:
0xd0: {  	v12 =	vadd.f32 @p3 v13, v12  }
0xd1: {  	v5 =	vmul.f32 @p2 v9, v5;
	v9 =	vld @p2 [tilespmem:s20+$0x0];
	s0 =	sor.u32 @p2 s15, s0  }
0xd2: {  	v13 =	vld @p2 [tilespmem:s0+$0x100];
	v12 =	vpsel p3, v12, v6  }
0xd3: {  	s22 =	sand.u32 $0xFFFFFF00, s11;
	v7 =	vmul.f32 @p2 v10, v7;
	v5 =	vadd.f32 @p2 v5, v12  }
0xd4: {  	s3 =	sadd.s32 $0x1000, s14;
	s1 =	sor.u32 s2, s22  }
0xd5: {  	s4 =	sor.u32 $0x10, s2;
	s23 =	sor.u32 s2, s3;
	v58 =	vld [tilespmem:s1+$0x0];
	v5 =	vadd.f32 @p2 v7, v5;
	v7 =	vmul.f32 @p2 v11, v8  }
0xd6: {  	s24 =	sor.u32 s4, s22;
	v8 =	vld [tilespmem:s23+$0x100]  }
0xd7: {  	s26 =	sor.u32 $0x20, s2;
	s25 =	sor.u32 s4, s3;
	v59 =	vld [tilespmem:s24+$0x0];
	v5 =	vadd.f32 @p2 v7, v5;
	v7 =	vmul.f32 @p2 v13, v9  }
0xd8: {  	s28 =	sor.u32 s26, s22;
	v60 =	vld [tilespmem:s25+$0x100]  }
0xd9: {  	s30 =	sor.u32 $0x30, s2;
	s29 =	sor.u32 s26, s3;
	v61 =	vld [tilespmem:s28+$0x0];
	v5 =	vpsel p2, v5, v0;
	v7 =	vpsel p2, v7, v0  }
0xda: {  	s31 =	sor.u32 s30, s3;
	v62 =	vld [tilespmem:s29+$0x100];
	v5 =	vadd.f32 @p2 v7, v5  }
0xdb: {  	s0 =	sor.u32 s30, s22;
	v63 =	vld [tilespmem:s31+$0x100];
	v7 =	vmul.f32 v8, v58  }
0xdc: {  	v8 =	vld [tilespmem:s0+$0x0];
	v5 =	vpsel p2, v5, v6  }
0xdd: {  	v5 =	vadd.f32 v7, v5;
	v7 =	vmul.f32 v60, v59;
	_ =	sdelay $0x1  }
.Ltmp8:
0xde: {  	v5 =	vadd.f32 v7, v5;
	v7 =	vmul.f32 v62, v61;
	(pc) =	sbr.rel @!p1 .LBB2_16-.Ltmp8, $3  }
0xdf: {  	_ = 	snop  }
0xe0: {  	v5 =	vadd.f32 v7, v5;
	v7 =	vmul.f32 v63, v8;
	_ =	sdelay $0x1  }
0xe1: {  	v5 =	vadd.f32 v7, v5  }
0xe2: {  	s2 =	sand.u32 $0xFFFFFF00, s19  }
0xe3: {  	s0 =	sadd.s32 $0x1000, s18;
	s1 =	sor.u32 s17, s2  }
0xe4: {  	s3 =	sor.u32 $0x10, s17;
	p2 =	por $0x1, $0x1;
	s25 =	sor.u32 s17, s0;
	v7 =	vld [tilespmem:s1+$0x0]  }
.Ltmp9:
0xe5: {  	s26 =	sor.u32 s3, s2;
	v10 =	vld [tilespmem:s25+$0x180];
	(pc) =	sbr.rel @!p2 .LBB2_18-.Ltmp9, $4  }
0xe6: {  	s29 =	sor.u32 $0x20, s17;
	s4 =	simm.s32 $0x40;
	s28 =	sor.u32 s3, s0;
	v8 =	vld [tilespmem:s26+$0x0]  }
0xe7: {  	s30 =	simm.s32 $0x200;
	s19 =	simm.s32 $0x80;
	s31 =	sor.u32 s29, s2;
	v11 =	vld [tilespmem:s28+$0x180]  }
0xe8: {  	p1 =	por $0x1, $0x1;
	s3 =	sor.u32 s29, s0;
	v9 =	vld [tilespmem:s31+$0x0];
	s1 =	sor.u32 $0x30, s17  }
0xe9: {  	s11 =	sand.u32 $0x40, s4;
	s18 =	sand.u32 $0x3FFFFC00, s30;
	v12 =	vld [tilespmem:s3+$0x180];
	s3 =	sor.u32 s1, s2  }
0xea: {  	s4 =	sand.u32 $0xFFFFFF00, s19;
	v14 =	vld [tilespmem:s3+$0x0];
	s1 =	sor.u32 s1, s0;
	v10 =	vmul.f32 v10, v7  }
0xeb: {  	s0 =	sadd.s32 $0x1000, s18;
	s2 =	sor.u32 s11, s4;
	v15 =	vld [tilespmem:s1+$0x180]  }
0xec: {  	s26 =	sor.u32 $0x10, s11;
	p2 =	por $0x1, $0x1;
	s25 =	sor.u32 s11, s0;
	v7 =	vld [tilespmem:s2+$0x0];
	v13 =	vadd.f32 v10, v6;
	v11 =	vmul.f32 v11, v8  }
.Ltmp10:
0xed: {  	s30 =	sor.u32 $0x20, s11;
	s28 =	sor.u32 s26, s4;
	v10 =	vld [tilespmem:s25+$0x180];
	(pc) =	sbr.rel @!p2 .LBB2_21-.Ltmp10, $4  }
0xee: {  	s5 =	simm.s32 $0x400;
	s19 =	simm.s32 $0x100;
	s29 =	sor.u32 s26, s0;
	v8 =	vld [tilespmem:s28+$0x0];
	v13 =	vadd.f32 v11, v13;
	v12 =	vmul.f32 v12, v9  }
0xef: {  	p0 =	por $0x1, $0x1;
	s31 =	sor.u32 s30, s4;
	s3 =	sor.u32 s30, s0;
	v11 =	vld [tilespmem:s29+$0x180]  }
0xf0: {  	s1 =	sor.u32 $0x30, s11;
	s18 =	sand.u32 $0x3FFFFC00, s5;
	s2 =	simm.s32 $0x80;
	v9 =	vld [tilespmem:s31+$0x0];
	v13 =	vadd.f32 v12, v13;
	v14 =	vmul.f32 v15, v14  }
0xf1: {  	s11 =	simm.s32 $0x3;
	s17 =	sand.u32 $0x40, s2;
	v12 =	vld [tilespmem:s3+$0x180];
	s3 =	sor.u32 s1, s4  }
.LBB2_20:
0xf2: {  	p2 =	sne.s32 s11, $0xF;
	s4 =	sand.u32 $0xFFFFFF00, s19;
	v10 =	vmul.f32 v10, v7;
	v15 =	vld [tilespmem:s3+$0x0];
	s1 =	sor.u32 s1, s0;
	v13 =	vadd.f32 v14, v13  }
0xf3: {  	s0 =	sadd.s32 $0x1000, s18;
	s3 =	sor.u32 s17, s4;
	v14 =	vld [tilespmem:s1+$0x180];
	s1 =	smov.u32 s17  }
0xf4: {  	v7 =	vld [tilespmem:s3+$0x0];
	s3 =	sor.u32 s1, s0;
	s5 =	sor.u32 $0x10, s1;
	v13 =	vadd.f32 v10, v13;
	v11 =	vmul.f32 v11, v8  }
.Ltmp11:
0xf5: {  	v10 =	vld [tilespmem:s3+$0x180];
	s3 =	sor.u32 s5, s4;
	(pc) =	sbr.rel @p2 .LBB2_20-.Ltmp11, $4  }
0xf6: {  	s2 =	sadd.s32 $0x40, s2;
	v8 =	vld [tilespmem:s3+$0x0];
	s3 =	sor.u32 s5, s0;
	s5 =	sor.u32 $0x20, s1;
	v13 =	vadd.f32 v11, v13;
	v12 =	vmul.f32 v12, v9  }
0xf7: {  	s6 =	sshll.u32 s11, $0x9;
	s17 =	sand.u32 $0x40, s2;
	v11 =	vld [tilespmem:s3+$0x180];
	s3 =	sor.u32 s5, s4  }
0xf8: {  	s19 =	sshra.s32 s6, $0x2;
	s1 =	sor.u32 $0x30, s1;
	v9 =	vld [tilespmem:s3+$0x0];
	s3 =	sor.u32 s5, s0;
	v13 =	vadd.f32 v12, v13;
	v14 =	vmul.f32 v14, v15  }
0xf9: {  	s11 =	sadd.s32 $0x1, s11;
	s18 =	sand.u32 $0x3FFFFC00, s6;
	v12 =	vld [tilespmem:s3+$0x180];
	s3 =	sor.u32 s1, s4  }
.LBB2_21:
0xfa: {  	v13 =	vadd.f32 @p0 v14, v13  }
0xfb: {  	v7 =	vmul.f32 @p1 v10, v7;
	v10 =	vld @p1 [tilespmem:s3+$0x0];
	s0 =	sor.u32 @p1 s1, s0  }
0xfc: {  	v14 =	vld @p1 [tilespmem:s0+$0x180];
	v13 =	vpsel p0, v13, v6  }
0xfd: {  	s16 =	sand.u32 $0xFFFFFF00, s19;
	v8 =	vmul.f32 @p1 v11, v8;
	v7 =	vadd.f32 @p1 v7, v13  }
0xfe: {  	s2 =	sadd.s32 $0x1000, s18;
	s19 =	sor.u32 s17, s16  }
0xff: {  	s21 =	sor.u32 $0x10, s17;
	s20 =	sor.u32 s17, s2;
	v11 =	vld [tilespmem:s19+$0x0];
	v7 =	vadd.f32 @p1 v8, v7;
	v8 =	vmul.f32 @p1 v12, v9  }
0x100: {  	s22 =	sor.u32 s21, s16;
	v9 =	vld [tilespmem:s20+$0x180]  }
0x101: {  	s24 =	sor.u32 $0x20, s17;
	s23 =	sor.u32 s21, s2;
	v12 =	vld [tilespmem:s22+$0x0];
	v7 =	vadd.f32 @p1 v8, v7;
	v8 =	vmul.f32 @p1 v14, v10  }
0x102: {  	s25 =	sor.u32 s24, s16;
	v10 =	vld [tilespmem:s23+$0x180]  }
0x103: {  	s28 =	sor.u32 $0x30, s17;
	s26 =	sor.u32 s24, s2;
	v13 =	vld [tilespmem:s25+$0x0];
	v7 =	vpsel p1, v7, v0;
	v8 =	vpsel p1, v8, v0  }
0x104: {  	s0 =	sor.u32 s28, s16;
	v14 =	vld [tilespmem:s26+$0x180];
	v7 =	vadd.f32 @p1 v8, v7  }
0x105: {  	s29 =	sor.u32 s28, s2;
	v8 =	vmul.f32 v9, v11;
	v9 =	vld [tilespmem:s0+$0x0]  }
0x106: {  	v11 =	vld [tilespmem:s29+$0x180];
	v6 =	vpsel p1, v7, v6  }
0x107: {  	v7 =	vmul.f32 v10, v12;
	v6 =	vadd.f32 v8, v6  }
0x108: {  	p1 =	por $0x1, $0x1  }
.Ltmp12:
0x109: {  	v6 =	vadd.f32 v7, v6;
	v7 =	vmul.f32 v14, v13;
	(pc) =	sbr.rel @!p1 .LBB2_28-.Ltmp12, $4  }
0x10a: {  	s30 =	simm.s32 $0x0;
	s31 =	simm.s32 $0x0  }
0x10b: {  	p2 =	por $0x0, $0x0;
	s11 =	simm.s32 $0x0;
	p3 =	por $0x0, $0x0;
	v6 =	vadd.f32 v7, v6;
	v7 =	vmul.f32 v11, v9  }
0x10c: {  	s17 =	sand.u32 $0x40, s30;
	s18 =	sand.u32 $0x3FFFFC00, s31;
	s19 =	simm.s32 $0x0  }
0x10d: {  	p0 =	por $0x0, $0x0;
	s2 =	smov.u32 s17;
	s14 =	smov.u32 s18;
	v8 =	vimm.f32 $0.0e+00;
	v6 =	vadd.f32 v7, v6  }
0x10e: {  	s1 =	sand.u32 $0xFFFFFF00, s19  }
0x10f: {  	s0 =	sadd.s32 $0x1000, s18;
	s2 =	sor.u32 s17, s1  }
0x110: {  	s3 =	sor.u32 $0x10, s17;
	p3 =	por $0x1, $0x1;
	s26 =	sor.u32 s17, s0;
	v7 =	vld [tilespmem:s2+$0x0]  }
.Ltmp13:
0x111: {  	s28 =	sor.u32 s3, s1;
	v11 =	vld [tilespmem:s26+$0x200];
	(pc) =	sbr.rel @!p3 .LBB2_23-.Ltmp13, $4  }
0x112: {  	s4 =	sor.u32 $0x20, s17;
	s29 =	simm.s32 $0x40;
	s3 =	sor.u32 s3, s0;
	v9 =	vld [tilespmem:s28+$0x0]  }
0x113: {  	s5 =	simm.s32 $0x200;
	s11 =	simm.s32 $0x80;
	s30 =	sor.u32 s4, s1;
	v12 =	vld [tilespmem:s3+$0x200]  }
0x114: {  	s15 =	sor.u32 $0x30, s17;
	p2 =	por $0x1, $0x1;
	s31 =	sor.u32 s4, s0;
	v10 =	vld [tilespmem:s30+$0x0]  }
0x115: {  	s14 =	sand.u32 $0x3FFFFC00, s5;
	s20 =	sor.u32 s15, s1;
	s2 =	sand.u32 $0x40, s29;
	v13 =	vld [tilespmem:s31+$0x200]  }
0x116: {  	s3 =	sand.u32 $0xFFFFFF00, s11;
	v15 =	vld [tilespmem:s20+$0x0];
	s1 =	sor.u32 s15, s0;
	v11 =	vmul.f32 v11, v7  }
0x117: {  	s0 =	sadd.s32 $0x1000, s14;
	s4 =	sor.u32 s2, s3;
	v16 =	vld [tilespmem:s1+$0x200]  }
0x118: {  	s26 =	sor.u32 $0x10, s2;
	p4 =	por $0x1, $0x1;
	s25 =	sor.u32 s2, s0;
	v7 =	vld [tilespmem:s4+$0x0];
	v14 =	vadd.f32 v11, v8;
	v12 =	vmul.f32 v12, v9  }
.Ltmp14:
0x119: {  	s12 =	simm.s32 $0x80;
	s28 =	sor.u32 s26, s3;
	v11 =	vld [tilespmem:s25+$0x200];
	(pc) =	sbr.rel @!p4 .LBB2_25-.Ltmp14, $4  }
0x11a: {  	s30 =	sor.u32 $0x20, s2;
	s5 =	simm.s32 $0x400;
	s29 =	sor.u32 s26, s0;
	v9 =	vld [tilespmem:s28+$0x0];
	v14 =	vadd.f32 v12, v14;
	v13 =	vmul.f32 v13, v10  }
0x11b: {  	s11 =	simm.s32 $0x100;
	s15 =	sor.u32 $0x30, s2;
	s31 =	sor.u32 s30, s3;
	v12 =	vld [tilespmem:s29+$0x200]  }
0x11c: {  	p3 =	por $0x1, $0x1;
	s16 =	sand.u32 $0x40, s12;
	s4 =	sor.u32 s30, s0;
	v10 =	vld [tilespmem:s31+$0x0];
	v14 =	vadd.f32 v13, v14;
	v15 =	vmul.f32 v16, v15  }
0x11d: {  	s14 =	sand.u32 $0x3FFFFC00, s5;
	s1 =	simm.s32 $0x3;
	s20 =	sor.u32 s15, s3;
	v13 =	vld [tilespmem:s4+$0x200]  }
.LBB2_26:
0x11e: {  	p4 =	sne.s32 s1, $0xF;
	s2 =	sand.u32 $0xFFFFFF00, s11;
	v11 =	vmul.f32 v11, v7;
	v16 =	vld [tilespmem:s20+$0x0];
	s3 =	sor.u32 s15, s0;
	v14 =	vadd.f32 v15, v14  }
0x11f: {  	s0 =	sadd.s32 $0x1000, s14;
	s4 =	sor.u32 s16, s2;
	v15 =	vld [tilespmem:s3+$0x200];
	s3 =	smov.u32 s16  }
0x120: {  	v7 =	vld [tilespmem:s4+$0x0];
	s4 =	sor.u32 s3, s0;
	s5 =	sor.u32 $0x10, s3;
	v14 =	vadd.f32 v11, v14;
	v12 =	vmul.f32 v12, v9  }
.Ltmp15:
0x121: {  	v11 =	vld [tilespmem:s4+$0x200];
	s4 =	sor.u32 s5, s2;
	(pc) =	sbr.rel @p4 .LBB2_26-.Ltmp15, $4  }
0x122: {  	s12 =	sadd.s32 $0x40, s12;
	v9 =	vld [tilespmem:s4+$0x0];
	s4 =	sor.u32 s5, s0;
	s5 =	sor.u32 $0x20, s3;
	v14 =	vadd.f32 v12, v14;
	v13 =	vmul.f32 v13, v10  }
0x123: {  	s6 =	sshll.u32 s1, $0x9;
	s16 =	sand.u32 $0x40, s12;
	v12 =	vld [tilespmem:s4+$0x200];
	s4 =	sor.u32 s5, s2  }
0x124: {  	s11 =	sshra.s32 s6, $0x2;
	s15 =	sor.u32 $0x30, s3;
	v10 =	vld [tilespmem:s4+$0x0];
	s4 =	sor.u32 s5, s0;
	v14 =	vadd.f32 v13, v14;
	v15 =	vmul.f32 v15, v16  }
0x125: {  	s1 =	sadd.s32 $0x1, s1;
	s14 =	sand.u32 $0x3FFFFC00, s6;
	s20 =	sor.u32 s15, s2;
	v13 =	vld [tilespmem:s4+$0x200]  }
0x126: {  	s2 =	smov.u32 s16  }
.LBB2_28:
0x127: {  	v14 =	vadd.f32 @p3 v15, v14  }
0x128: {  	v7 =	vmul.f32 @p2 v11, v7;
	v11 =	vld @p2 [tilespmem:s20+$0x0];
	s0 =	sor.u32 @p2 s15, s0  }
0x129: {  	v15 =	vld @p2 [tilespmem:s0+$0x200];
	v14 =	vpsel p3, v14, v8  }
0x12a: {  	s22 =	sand.u32 $0xFFFFFF00, s11;
	v9 =	vmul.f32 @p2 v12, v9;
	v7 =	vadd.f32 @p2 v7, v14  }
0x12b: {  	s3 =	sadd.s32 $0x1000, s14;
	s1 =	sor.u32 s2, s22  }
0x12c: {  	s4 =	sor.u32 $0x10, s2;
	s23 =	sor.u32 s2, s3;
	v59 =	vld [tilespmem:s1+$0x0];
	v7 =	vadd.f32 @p2 v9, v7;
	v9 =	vmul.f32 @p2 v13, v10  }
0x12d: {  	s24 =	sor.u32 s4, s22;
	v10 =	vld [tilespmem:s23+$0x200]  }
0x12e: {  	s26 =	sor.u32 $0x20, s2;
	s25 =	sor.u32 s4, s3;
	v60 =	vld [tilespmem:s24+$0x0];
	v7 =	vadd.f32 @p2 v9, v7;
	v9 =	vmul.f32 @p2 v15, v11  }
0x12f: {  	s28 =	sor.u32 s26, s22;
	v11 =	vld [tilespmem:s25+$0x200]  }
0x130: {  	s30 =	sor.u32 $0x30, s2;
	s29 =	sor.u32 s26, s3;
	v61 =	vld [tilespmem:s28+$0x0];
	v7 =	vpsel p2, v7, v0;
	v9 =	vpsel p2, v9, v0  }
0x131: {  	s31 =	sor.u32 s30, s3;
	v62 =	vld [tilespmem:s29+$0x200];
	v7 =	vadd.f32 @p2 v9, v7  }
0x132: {  	s0 =	sor.u32 s30, s22;
	v63 =	vld [tilespmem:s31+$0x200];
	v9 =	vmul.f32 v10, v59  }
0x133: {  	v10 =	vld [tilespmem:s0+$0x0];
	v7 =	vpsel p2, v7, v8  }
0x134: {  	v7 =	vadd.f32 v9, v7;
	v9 =	vmul.f32 v11, v60;
	_ =	sdelay $0x1  }
.Ltmp16:
0x135: {  	v7 =	vadd.f32 v9, v7;
	v9 =	vmul.f32 v62, v61;
	(pc) =	sbr.rel @!p1 .LBB2_29-.Ltmp16, $3  }
0x136: {  	_ = 	snop  }
0x137: {  	v7 =	vadd.f32 v9, v7;
	v9 =	vmul.f32 v63, v10;
	_ =	sdelay $0x1  }
0x138: {  	v7 =	vadd.f32 v9, v7  }
0x139: {  	s2 =	sand.u32 $0xFFFFFF00, s19  }
0x13a: {  	s0 =	sadd.s32 $0x1000, s18;
	s1 =	sor.u32 s17, s2  }
0x13b: {  	s3 =	sor.u32 $0x10, s17;
	p2 =	por $0x1, $0x1;
	s25 =	sor.u32 s17, s0;
	v9 =	vld [tilespmem:s1+$0x0]  }
.Ltmp17:
0x13c: {  	s26 =	sor.u32 s3, s2;
	v12 =	vld [tilespmem:s25+$0x280];
	(pc) =	sbr.rel @!p2 .LBB2_31-.Ltmp17, $4  }
0x13d: {  	s29 =	sor.u32 $0x20, s17;
	s4 =	simm.s32 $0x40;
	s28 =	sor.u32 s3, s0;
	v10 =	vld [tilespmem:s26+$0x0]  }
0x13e: {  	s30 =	simm.s32 $0x200;
	s19 =	simm.s32 $0x80;
	s31 =	sor.u32 s29, s2;
	v13 =	vld [tilespmem:s28+$0x280]  }
0x13f: {  	p1 =	por $0x1, $0x1;
	s3 =	sor.u32 s29, s0;
	v11 =	vld [tilespmem:s31+$0x0];
	s1 =	sor.u32 $0x30, s17  }
0x140: {  	s11 =	sand.u32 $0x40, s4;
	s18 =	sand.u32 $0x3FFFFC00, s30;
	v14 =	vld [tilespmem:s3+$0x280];
	s3 =	sor.u32 s1, s2  }
0x141: {  	s4 =	sand.u32 $0xFFFFFF00, s19;
	v16 =	vld [tilespmem:s3+$0x0];
	s1 =	sor.u32 s1, s0;
	v12 =	vmul.f32 v12, v9  }
0x142: {  	s0 =	sadd.s32 $0x1000, s18;
	s2 =	sor.u32 s11, s4;
	v17 =	vld [tilespmem:s1+$0x280]  }
0x143: {  	s26 =	sor.u32 $0x10, s11;
	p2 =	por $0x1, $0x1;
	s25 =	sor.u32 s11, s0;
	v9 =	vld [tilespmem:s2+$0x0];
	v15 =	vadd.f32 v12, v8;
	v13 =	vmul.f32 v13, v10  }
.Ltmp18:
0x144: {  	s30 =	sor.u32 $0x20, s11;
	s28 =	sor.u32 s26, s4;
	v12 =	vld [tilespmem:s25+$0x280];
	(pc) =	sbr.rel @!p2 .LBB2_34-.Ltmp18, $4  }
0x145: {  	s5 =	simm.s32 $0x400;
	s19 =	simm.s32 $0x100;
	s29 =	sor.u32 s26, s0;
	v10 =	vld [tilespmem:s28+$0x0];
	v15 =	vadd.f32 v13, v15;
	v14 =	vmul.f32 v14, v11  }
0x146: {  	p0 =	por $0x1, $0x1;
	s31 =	sor.u32 s30, s4;
	s3 =	sor.u32 s30, s0;
	v13 =	vld [tilespmem:s29+$0x280]  }
0x147: {  	s1 =	sor.u32 $0x30, s11;
	s18 =	sand.u32 $0x3FFFFC00, s5;
	s2 =	simm.s32 $0x80;
	v11 =	vld [tilespmem:s31+$0x0];
	v15 =	vadd.f32 v14, v15;
	v16 =	vmul.f32 v17, v16  }
0x148: {  	s11 =	simm.s32 $0x3;
	s17 =	sand.u32 $0x40, s2;
	v14 =	vld [tilespmem:s3+$0x280];
	s3 =	sor.u32 s1, s4  }
.LBB2_33:
0x149: {  	p2 =	sne.s32 s11, $0xF;
	s4 =	sand.u32 $0xFFFFFF00, s19;
	v12 =	vmul.f32 v12, v9;
	v17 =	vld [tilespmem:s3+$0x0];
	s1 =	sor.u32 s1, s0;
	v15 =	vadd.f32 v16, v15  }
0x14a: {  	s0 =	sadd.s32 $0x1000, s18;
	s3 =	sor.u32 s17, s4;
	v16 =	vld [tilespmem:s1+$0x280];
	s1 =	smov.u32 s17  }
0x14b: {  	v9 =	vld [tilespmem:s3+$0x0];
	s3 =	sor.u32 s1, s0;
	s5 =	sor.u32 $0x10, s1;
	v15 =	vadd.f32 v12, v15;
	v13 =	vmul.f32 v13, v10  }
.Ltmp19:
0x14c: {  	v12 =	vld [tilespmem:s3+$0x280];
	s3 =	sor.u32 s5, s4;
	(pc) =	sbr.rel @p2 .LBB2_33-.Ltmp19, $4  }
0x14d: {  	s2 =	sadd.s32 $0x40, s2;
	v10 =	vld [tilespmem:s3+$0x0];
	s3 =	sor.u32 s5, s0;
	s5 =	sor.u32 $0x20, s1;
	v15 =	vadd.f32 v13, v15;
	v14 =	vmul.f32 v14, v11  }
0x14e: {  	s6 =	sshll.u32 s11, $0x9;
	s17 =	sand.u32 $0x40, s2;
	v13 =	vld [tilespmem:s3+$0x280];
	s3 =	sor.u32 s5, s4  }
0x14f: {  	s19 =	sshra.s32 s6, $0x2;
	s1 =	sor.u32 $0x30, s1;
	v11 =	vld [tilespmem:s3+$0x0];
	s3 =	sor.u32 s5, s0;
	v15 =	vadd.f32 v14, v15;
	v16 =	vmul.f32 v16, v17  }
0x150: {  	s11 =	sadd.s32 $0x1, s11;
	s18 =	sand.u32 $0x3FFFFC00, s6;
	v14 =	vld [tilespmem:s3+$0x280];
	s3 =	sor.u32 s1, s4  }
.LBB2_34:
0x151: {  	v15 =	vadd.f32 @p0 v16, v15  }
0x152: {  	v9 =	vmul.f32 @p1 v12, v9;
	v12 =	vld @p1 [tilespmem:s3+$0x0];
	s0 =	sor.u32 @p1 s1, s0  }
0x153: {  	v16 =	vld @p1 [tilespmem:s0+$0x280];
	v15 =	vpsel p0, v15, v8  }
0x154: {  	s16 =	sand.u32 $0xFFFFFF00, s19;
	v10 =	vmul.f32 @p1 v13, v10;
	v9 =	vadd.f32 @p1 v9, v15  }
0x155: {  	s2 =	sadd.s32 $0x1000, s18;
	s19 =	sor.u32 s17, s16  }
0x156: {  	s21 =	sor.u32 $0x10, s17;
	s20 =	sor.u32 s17, s2;
	v13 =	vld [tilespmem:s19+$0x0];
	v9 =	vadd.f32 @p1 v10, v9;
	v10 =	vmul.f32 @p1 v14, v11  }
0x157: {  	s22 =	sor.u32 s21, s16;
	v11 =	vld [tilespmem:s20+$0x280]  }
0x158: {  	s24 =	sor.u32 $0x20, s17;
	s23 =	sor.u32 s21, s2;
	v14 =	vld [tilespmem:s22+$0x0];
	v9 =	vadd.f32 @p1 v10, v9;
	v10 =	vmul.f32 @p1 v16, v12  }
0x159: {  	s25 =	sor.u32 s24, s16;
	v12 =	vld [tilespmem:s23+$0x280]  }
0x15a: {  	s28 =	sor.u32 $0x30, s17;
	s26 =	sor.u32 s24, s2;
	v15 =	vld [tilespmem:s25+$0x0];
	v9 =	vpsel p1, v9, v0;
	v10 =	vpsel p1, v10, v0  }
0x15b: {  	s0 =	sor.u32 s28, s16;
	v16 =	vld [tilespmem:s26+$0x280];
	v9 =	vadd.f32 @p1 v10, v9  }
0x15c: {  	s29 =	sor.u32 s28, s2;
	v10 =	vmul.f32 v11, v13;
	v11 =	vld [tilespmem:s0+$0x0]  }
0x15d: {  	v13 =	vld [tilespmem:s29+$0x280];
	v8 =	vpsel p1, v9, v8  }
0x15e: {  	v9 =	vmul.f32 v12, v14;
	v8 =	vadd.f32 v10, v8  }
0x15f: {  	p1 =	por $0x1, $0x1  }
.Ltmp20:
0x160: {  	v8 =	vadd.f32 v9, v8;
	v9 =	vmul.f32 v16, v15;
	(pc) =	sbr.rel @!p1 .LBB2_41-.Ltmp20, $4  }
0x161: {  	s30 =	simm.s32 $0x0;
	s31 =	simm.s32 $0x0  }
0x162: {  	p2 =	por $0x0, $0x0;
	s11 =	simm.s32 $0x0;
	p3 =	por $0x0, $0x0;
	v8 =	vadd.f32 v9, v8;
	v9 =	vmul.f32 v13, v11  }
0x163: {  	s17 =	sand.u32 $0x40, s30;
	s18 =	sand.u32 $0x3FFFFC00, s31;
	s19 =	simm.s32 $0x0  }
0x164: {  	p0 =	por $0x0, $0x0;
	s2 =	smov.u32 s17;
	s14 =	smov.u32 s18;
	v10 =	vimm.f32 $0.0e+00;
	v8 =	vadd.f32 v9, v8  }
0x165: {  	s1 =	sand.u32 $0xFFFFFF00, s19  }
0x166: {  	s0 =	sadd.s32 $0x1000, s18;
	s2 =	sor.u32 s17, s1  }
0x167: {  	s3 =	sor.u32 $0x10, s17;
	p3 =	por $0x1, $0x1;
	s26 =	sor.u32 s17, s0;
	v9 =	vld [tilespmem:s2+$0x0]  }
.Ltmp21:
0x168: {  	s28 =	sor.u32 s3, s1;
	v13 =	vld [tilespmem:s26+$0x300];
	(pc) =	sbr.rel @!p3 .LBB2_36-.Ltmp21, $4  }
0x169: {  	s4 =	sor.u32 $0x20, s17;
	s29 =	simm.s32 $0x40;
	s3 =	sor.u32 s3, s0;
	v11 =	vld [tilespmem:s28+$0x0]  }
0x16a: {  	s5 =	simm.s32 $0x200;
	s11 =	simm.s32 $0x80;
	s30 =	sor.u32 s4, s1;
	v14 =	vld [tilespmem:s3+$0x300]  }
0x16b: {  	s15 =	sor.u32 $0x30, s17;
	p2 =	por $0x1, $0x1;
	s31 =	sor.u32 s4, s0;
	v12 =	vld [tilespmem:s30+$0x0]  }
0x16c: {  	s14 =	sand.u32 $0x3FFFFC00, s5;
	s20 =	sor.u32 s15, s1;
	s2 =	sand.u32 $0x40, s29;
	v15 =	vld [tilespmem:s31+$0x300]  }
0x16d: {  	s3 =	sand.u32 $0xFFFFFF00, s11;
	v17 =	vld [tilespmem:s20+$0x0];
	s1 =	sor.u32 s15, s0;
	v13 =	vmul.f32 v13, v9  }
0x16e: {  	s0 =	sadd.s32 $0x1000, s14;
	s4 =	sor.u32 s2, s3;
	v18 =	vld [tilespmem:s1+$0x300]  }
0x16f: {  	s26 =	sor.u32 $0x10, s2;
	p4 =	por $0x1, $0x1;
	s25 =	sor.u32 s2, s0;
	v9 =	vld [tilespmem:s4+$0x0];
	v16 =	vadd.f32 v13, v10;
	v14 =	vmul.f32 v14, v11  }
.Ltmp22:
0x170: {  	s12 =	simm.s32 $0x80;
	s28 =	sor.u32 s26, s3;
	v13 =	vld [tilespmem:s25+$0x300];
	(pc) =	sbr.rel @!p4 .LBB2_38-.Ltmp22, $4  }
0x171: {  	s30 =	sor.u32 $0x20, s2;
	s5 =	simm.s32 $0x400;
	s29 =	sor.u32 s26, s0;
	v11 =	vld [tilespmem:s28+$0x0];
	v16 =	vadd.f32 v14, v16;
	v15 =	vmul.f32 v15, v12  }
0x172: {  	s11 =	simm.s32 $0x100;
	s15 =	sor.u32 $0x30, s2;
	s31 =	sor.u32 s30, s3;
	v14 =	vld [tilespmem:s29+$0x300]  }
0x173: {  	p3 =	por $0x1, $0x1;
	s16 =	sand.u32 $0x40, s12;
	s4 =	sor.u32 s30, s0;
	v12 =	vld [tilespmem:s31+$0x0];
	v16 =	vadd.f32 v15, v16;
	v17 =	vmul.f32 v18, v17  }
0x174: {  	s14 =	sand.u32 $0x3FFFFC00, s5;
	s1 =	simm.s32 $0x3;
	s20 =	sor.u32 s15, s3;
	v15 =	vld [tilespmem:s4+$0x300]  }
.LBB2_39:
0x175: {  	p4 =	sne.s32 s1, $0xF;
	s2 =	sand.u32 $0xFFFFFF00, s11;
	v13 =	vmul.f32 v13, v9;
	v18 =	vld [tilespmem:s20+$0x0];
	s3 =	sor.u32 s15, s0;
	v16 =	vadd.f32 v17, v16  }
0x176: {  	s0 =	sadd.s32 $0x1000, s14;
	s4 =	sor.u32 s16, s2;
	v17 =	vld [tilespmem:s3+$0x300];
	s3 =	smov.u32 s16  }
0x177: {  	v9 =	vld [tilespmem:s4+$0x0];
	s4 =	sor.u32 s3, s0;
	s5 =	sor.u32 $0x10, s3;
	v16 =	vadd.f32 v13, v16;
	v14 =	vmul.f32 v14, v11  }
.Ltmp23:
0x178: {  	v13 =	vld [tilespmem:s4+$0x300];
	s4 =	sor.u32 s5, s2;
	(pc) =	sbr.rel @p4 .LBB2_39-.Ltmp23, $4  }
0x179: {  	s12 =	sadd.s32 $0x40, s12;
	v11 =	vld [tilespmem:s4+$0x0];
	s4 =	sor.u32 s5, s0;
	s5 =	sor.u32 $0x20, s3;
	v16 =	vadd.f32 v14, v16;
	v15 =	vmul.f32 v15, v12  }
0x17a: {  	s6 =	sshll.u32 s1, $0x9;
	s16 =	sand.u32 $0x40, s12;
	v14 =	vld [tilespmem:s4+$0x300];
	s4 =	sor.u32 s5, s2  }
0x17b: {  	s11 =	sshra.s32 s6, $0x2;
	s15 =	sor.u32 $0x30, s3;
	v12 =	vld [tilespmem:s4+$0x0];
	s4 =	sor.u32 s5, s0;
	v16 =	vadd.f32 v15, v16;
	v17 =	vmul.f32 v17, v18  }
0x17c: {  	s1 =	sadd.s32 $0x1, s1;
	s14 =	sand.u32 $0x3FFFFC00, s6;
	s20 =	sor.u32 s15, s2;
	v15 =	vld [tilespmem:s4+$0x300]  }
0x17d: {  	s2 =	smov.u32 s16  }
.LBB2_41:
0x17e: {  	v16 =	vadd.f32 @p3 v17, v16  }
0x17f: {  	v9 =	vmul.f32 @p2 v13, v9;
	v13 =	vld @p2 [tilespmem:s20+$0x0];
	s0 =	sor.u32 @p2 s15, s0  }
0x180: {  	v17 =	vld @p2 [tilespmem:s0+$0x300];
	v16 =	vpsel p3, v16, v10  }
0x181: {  	s22 =	sand.u32 $0xFFFFFF00, s11;
	v11 =	vmul.f32 @p2 v14, v11;
	v9 =	vadd.f32 @p2 v9, v16  }
0x182: {  	s3 =	sadd.s32 $0x1000, s14;
	s1 =	sor.u32 s2, s22  }
0x183: {  	s4 =	sor.u32 $0x10, s2;
	s23 =	sor.u32 s2, s3;
	v56 =	vld [tilespmem:s1+$0x0];
	v9 =	vadd.f32 @p2 v11, v9;
	v11 =	vmul.f32 @p2 v15, v12  }
0x184: {  	s24 =	sor.u32 s4, s22;
	v57 =	vld [tilespmem:s23+$0x300]  }
0x185: {  	s26 =	sor.u32 $0x20, s2;
	s25 =	sor.u32 s4, s3;
	v58 =	vld [tilespmem:s24+$0x0];
	v9 =	vadd.f32 @p2 v11, v9;
	v11 =	vmul.f32 @p2 v17, v13  }
0x186: {  	s28 =	sor.u32 s26, s22;
	v59 =	vld [tilespmem:s25+$0x300]  }
0x187: {  	s30 =	sor.u32 $0x30, s2;
	s29 =	sor.u32 s26, s3;
	v60 =	vld [tilespmem:s28+$0x0];
	v9 =	vpsel p2, v9, v0;
	v11 =	vpsel p2, v11, v0  }
0x188: {  	s0 =	sor.u32 s30, s22;
	v61 =	vld [tilespmem:s29+$0x300];
	v9 =	vadd.f32 @p2 v11, v9  }
0x189: {  	s31 =	sor.u32 s30, s3;
	v62 =	vld [tilespmem:s0+$0x0];
	v11 =	vmul.f32 v57, v56  }
0x18a: {  	v63 =	vld [tilespmem:s31+$0x300];
	v9 =	vpsel p2, v9, v10  }
0x18b: {  	v9 =	vadd.f32 v11, v9;
	v11 =	vmul.f32 v59, v58;
	_ =	sdelay $0x1  }
.Ltmp24:
0x18c: {  	v9 =	vadd.f32 v11, v9;
	v11 =	vmul.f32 v61, v60;
	(pc) =	sbr.rel @!p1 .LBB2_42-.Ltmp24, $3  }
0x18d: {  	_ = 	snop  }
0x18e: {  	v9 =	vadd.f32 v11, v9;
	v11 =	vmul.f32 v63, v62;
	_ =	sdelay $0x1  }
0x18f: {  	v9 =	vadd.f32 v11, v9  }
0x190: {  	s2 =	sand.u32 $0xFFFFFF00, s19  }
0x191: {  	s0 =	sadd.s32 $0x1000, s18;
	s1 =	sor.u32 s17, s2  }
0x192: {  	s3 =	sor.u32 $0x10, s17;
	p2 =	por $0x1, $0x1;
	s25 =	sor.u32 s17, s0;
	v11 =	vld [tilespmem:s1+$0x0]  }
.Ltmp25:
0x193: {  	s26 =	sor.u32 s3, s2;
	v14 =	vld [tilespmem:s25+$0x380];
	(pc) =	sbr.rel @!p2 .LBB2_44-.Ltmp25, $4  }
0x194: {  	s29 =	sor.u32 $0x20, s17;
	s4 =	simm.s32 $0x40;
	s28 =	sor.u32 s3, s0;
	v12 =	vld [tilespmem:s26+$0x0]  }
0x195: {  	s30 =	simm.s32 $0x200;
	s19 =	simm.s32 $0x80;
	s31 =	sor.u32 s29, s2;
	v15 =	vld [tilespmem:s28+$0x380]  }
0x196: {  	p1 =	por $0x1, $0x1;
	s3 =	sor.u32 s29, s0;
	v13 =	vld [tilespmem:s31+$0x0];
	s1 =	sor.u32 $0x30, s17  }
0x197: {  	s11 =	sand.u32 $0x40, s4;
	s18 =	sand.u32 $0x3FFFFC00, s30;
	v16 =	vld [tilespmem:s3+$0x380];
	s3 =	sor.u32 s1, s2  }
0x198: {  	s4 =	sand.u32 $0xFFFFFF00, s19;
	v18 =	vld [tilespmem:s3+$0x0];
	s1 =	sor.u32 s1, s0;
	v14 =	vmul.f32 v14, v11  }
0x199: {  	s0 =	sadd.s32 $0x1000, s18;
	s2 =	sor.u32 s11, s4;
	v19 =	vld [tilespmem:s1+$0x380]  }
0x19a: {  	s26 =	sor.u32 $0x10, s11;
	p2 =	por $0x1, $0x1;
	s25 =	sor.u32 s11, s0;
	v11 =	vld [tilespmem:s2+$0x0];
	v17 =	vadd.f32 v14, v10;
	v15 =	vmul.f32 v15, v12  }
.Ltmp26:
0x19b: {  	s30 =	sor.u32 $0x20, s11;
	s28 =	sor.u32 s26, s4;
	v14 =	vld [tilespmem:s25+$0x380];
	(pc) =	sbr.rel @!p2 .LBB2_47-.Ltmp26, $4  }
0x19c: {  	s5 =	simm.s32 $0x400;
	s19 =	simm.s32 $0x100;
	s29 =	sor.u32 s26, s0;
	v12 =	vld [tilespmem:s28+$0x0];
	v17 =	vadd.f32 v15, v17;
	v16 =	vmul.f32 v16, v13  }
0x19d: {  	p0 =	por $0x1, $0x1;
	s31 =	sor.u32 s30, s4;
	s3 =	sor.u32 s30, s0;
	v15 =	vld [tilespmem:s29+$0x380]  }
0x19e: {  	s1 =	sor.u32 $0x30, s11;
	s18 =	sand.u32 $0x3FFFFC00, s5;
	s2 =	simm.s32 $0x80;
	v13 =	vld [tilespmem:s31+$0x0];
	v17 =	vadd.f32 v16, v17;
	v18 =	vmul.f32 v19, v18  }
0x19f: {  	s11 =	simm.s32 $0x3;
	s17 =	sand.u32 $0x40, s2;
	v16 =	vld [tilespmem:s3+$0x380];
	s3 =	sor.u32 s1, s4  }
.LBB2_46:
0x1a0: {  	p2 =	sne.s32 s11, $0xF;
	s4 =	sand.u32 $0xFFFFFF00, s19;
	v14 =	vmul.f32 v14, v11;
	v19 =	vld [tilespmem:s3+$0x0];
	s1 =	sor.u32 s1, s0;
	v17 =	vadd.f32 v18, v17  }
0x1a1: {  	s0 =	sadd.s32 $0x1000, s18;
	s3 =	sor.u32 s17, s4;
	v18 =	vld [tilespmem:s1+$0x380];
	s1 =	smov.u32 s17  }
0x1a2: {  	v11 =	vld [tilespmem:s3+$0x0];
	s3 =	sor.u32 s1, s0;
	s5 =	sor.u32 $0x10, s1;
	v17 =	vadd.f32 v14, v17;
	v15 =	vmul.f32 v15, v12  }
.Ltmp27:
0x1a3: {  	v14 =	vld [tilespmem:s3+$0x380];
	s3 =	sor.u32 s5, s4;
	(pc) =	sbr.rel @p2 .LBB2_46-.Ltmp27, $4  }
0x1a4: {  	s2 =	sadd.s32 $0x40, s2;
	v12 =	vld [tilespmem:s3+$0x0];
	s3 =	sor.u32 s5, s0;
	s5 =	sor.u32 $0x20, s1;
	v17 =	vadd.f32 v15, v17;
	v16 =	vmul.f32 v16, v13  }
0x1a5: {  	s6 =	sshll.u32 s11, $0x9;
	s17 =	sand.u32 $0x40, s2;
	v15 =	vld [tilespmem:s3+$0x380];
	s3 =	sor.u32 s5, s4  }
0x1a6: {  	s19 =	sshra.s32 s6, $0x2;
	s1 =	sor.u32 $0x30, s1;
	v13 =	vld [tilespmem:s3+$0x0];
	s3 =	sor.u32 s5, s0;
	v17 =	vadd.f32 v16, v17;
	v18 =	vmul.f32 v18, v19  }
0x1a7: {  	s11 =	sadd.s32 $0x1, s11;
	s18 =	sand.u32 $0x3FFFFC00, s6;
	v16 =	vld [tilespmem:s3+$0x380];
	s3 =	sor.u32 s1, s4  }
.LBB2_47:
0x1a8: {  	v17 =	vadd.f32 @p0 v18, v17  }
0x1a9: {  	v11 =	vmul.f32 @p1 v14, v11;
	v14 =	vld @p1 [tilespmem:s3+$0x0];
	s0 =	sor.u32 @p1 s1, s0  }
0x1aa: {  	v18 =	vld @p1 [tilespmem:s0+$0x380];
	v17 =	vpsel p0, v17, v10  }
0x1ab: {  	s19 =	sand.u32 $0xFFFFFF00, s19;
	v12 =	vmul.f32 @p1 v15, v12;
	v11 =	vadd.f32 @p1 v11, v17  }
0x1ac: {  	s2 =	sadd.s32 $0x1000, s18;
	s20 =	sor.u32 s17, s19  }
0x1ad: {  	s22 =	sor.u32 $0x10, s17;
	s21 =	sor.u32 s17, s2;
	v15 =	vld [tilespmem:s20+$0x0];
	v11 =	vadd.f32 @p1 v12, v11;
	v12 =	vmul.f32 @p1 v16, v13  }
0x1ae: {  	s23 =	sor.u32 s22, s19;
	v13 =	vld [tilespmem:s21+$0x380]  }
0x1af: {  	s25 =	sor.u32 $0x20, s17;
	s24 =	sor.u32 s22, s2;
	v61 =	vld [tilespmem:s23+$0x0];
	v11 =	vadd.f32 @p1 v12, v11;
	v12 =	vmul.f32 @p1 v18, v14  }
0x1b0: {  	s26 =	sor.u32 s25, s19;
	v14 =	vld [tilespmem:s24+$0x380]  }
0x1b1: {  	s29 =	sor.u32 $0x30, s17;
	s28 =	sor.u32 s25, s2;
	v62 =	vld [tilespmem:s26+$0x0];
	v11 =	vpsel p1, v11, v0;
	v12 =	vpsel p1, v12, v0  }
0x1b2: {  	s0 =	sor.u32 s29, s19;
	v63 =	vld [tilespmem:s28+$0x380];
	v11 =	vadd.f32 @p1 v12, v11  }
0x1b3: {  	s30 =	sor.u32 s29, s2;
	v12 =	vmul.f32 v13, v15;
	v13 =	vld [tilespmem:s0+$0x0]  }
0x1b4: {  	v15 =	vld [tilespmem:s30+$0x380];
	v10 =	vpsel p1, v11, v10  }
0x1b5: {  	v11 =	vmul.f32 v14, v61;
	v10 =	vadd.f32 v12, v10  }
0x1b6: {  	p1 =	por $0x1, $0x1  }
.Ltmp28:
0x1b7: {  	v10 =	vadd.f32 v11, v10;
	v11 =	vmul.f32 v63, v62;
	(pc) =	sbr.rel @!p1 .LBB2_48-.Ltmp28, $4  }
0x1b8: {  	_ = 	snop  }
0x1b9: {  	s31 =	simm.s32 $0x0;
	v10 =	vadd.f32 v11, v10;
	v11 =	vmul.f32 v15, v13  }
0x1ba: {  	p2 =	por $0x0, $0x0;
	s19 =	simm.s32 $0x0;
	s18 =	sand.u32 $0x40, s31  }
0x1bb: {  	s17 =	simm.s32 $0x0;
	s11 =	sand.u32 $0x3FFFFC00, s19;
	p0 =	por $0x0, $0x0;
	v12 =	vimm.f32 $0.0e+00;
	v10 =	vadd.f32 v11, v10  }
0x1bc: {  	s0 =	sor.u32 s18, s17;
	p3 =	por $0x1, $0x1  }
0x1bd: {  	s1 =	sadd.s32 $0x1000, s11;
	s2 =	sor.u32 $0x10, s18;
	s0 =	sor.u32 $0x80, s0  }
0x1be: {  	s3 =	simm.s32 $0x40;
	s4 =	simm.s32 $0x200;
	s25 =	sor.u32 s18, s1;
	v11 =	vld [tilespmem:s0+$0x0]  }
.Ltmp29:
0x1bf: {  	s26 =	sor.u32 s2, s17;
	s5 =	sor.u32 s2, s1;
	v15 =	vld [tilespmem:s25+$0x0];
	(pc) =	sbr.rel @!p3 .LBB2_50-.Ltmp29, $4  }
0x1c0: {  	s29 =	sor.u32 $0x20, s18;
	s31 =	sor.u32 $0x30, s18;
	s28 =	sor.u32 $0x80, s26;
	v13 =	vld [tilespmem:s5+$0x0]  }
0x1c1: {  	p2 =	por $0x1, $0x1;
	s30 =	sor.u32 s29, s17;
	s5 =	sor.u32 s29, s1;
	v16 =	vld [tilespmem:s28+$0x0]  }
0x1c2: {  	s2 =	sand.u32 $0x40, s3;
	s11 =	sand.u32 $0x3FFFFC00, s4;
	s3 =	sor.u32 $0x80, s30;
	v14 =	vld [tilespmem:s5+$0x0]  }
0x1c3: {  	s15 =	sor.u32 s31, s17;
	s16 =	sor.u32 s31, s1;
	s0 =	simm.s32 $0x80;
	v17 =	vld [tilespmem:s3+$0x0]  }
0x1c4: {  	s1 =	sor.u32 s2, s0  }
0x1c5: {  	s3 =	sor.u32 $0x80, s15;
	v19 =	vld [tilespmem:s16+$0x0];
	s4 =	sadd.s32 $0x1000, s11;
	p4 =	por $0x1, $0x1  }
0x1c6: {  	v15 =	vmul.f32 v15, v11;
	s28 =	sor.u32 $0x10, s2;
	s12 =	simm.s32 $0x80;
	s1 =	sor.u32 $0x80, s1;
	v20 =	vld [tilespmem:s3+$0x0]  }
0x1c7: {  	s5 =	simm.s32 $0x400;
	s6 =	sor.u32 $0x20, s2;
	s26 =	sor.u32 s2, s4;
	v11 =	vld [tilespmem:s1+$0x0]  }
.Ltmp30:
0x1c8: {  	s29 =	sor.u32 s28, s0;
	v18 =	vadd.f32 v15, v12;
	v16 =	vmul.f32 v13, v16;
	v15 =	vld [tilespmem:s26+$0x0];
	s1 =	sor.u32 s28, s4;
	(pc) =	sbr.rel @!p4 .LBB2_52-.Ltmp30, $4  }
0x1c9: {  	s31 =	sor.u32 $0x30, s2;
	p3 =	por $0x1, $0x1;
	s3 =	sor.u32 $0x80, s29;
	v13 =	vld [tilespmem:s1+$0x0]  }
0x1ca: {  	s14 =	sand.u32 $0x40, s12;
	s30 =	sor.u32 s6, s0;
	s6 =	sor.u32 s6, s4;
	v18 =	vadd.f32 v16, v18;
	v17 =	vmul.f32 v14, v17;
	v16 =	vld [tilespmem:s3+$0x0]  }
0x1cb: {  	s11 =	sand.u32 $0x3FFFFC00, s5;
	s2 =	simm.s32 $0x3;
	s3 =	sor.u32 $0x80, s30;
	v14 =	vld [tilespmem:s6+$0x0]  }
0x1cc: {  	s15 =	sor.u32 s31, s0;
	s16 =	sor.u32 s31, s4;
	s1 =	simm.s32 $0x100;
	v18 =	vadd.f32 v17, v18;
	v19 =	vmul.f32 v19, v20;
	v17 =	vld [tilespmem:s3+$0x0]  }
.LBB2_53:
0x1cd: {  	p4 =	sne.s32 s2, $0xF;
	s0 =	sor.u32 s14, s1  }
0x1ce: {  	v15 =	vmul.f32 v15, v11;
	s3 =	sor.u32 $0x80, s15;
	v20 =	vld [tilespmem:s16+$0x0];
	v18 =	vadd.f32 v19, v18;
	s4 =	smov.u32 s14;
	s5 =	smov.u32 s1  }
0x1cf: {  	s6 =	sadd.s32 $0x1000, s11;
	s12 =	sadd.s32 $0x40, s12;
	s0 =	sor.u32 $0x80, s0;
	v19 =	vld [tilespmem:s3+$0x0]  }
0x1d0: {  	s1 =	sor.u32 $0x10, s4;
	s3 =	sshll.u32 s2, $0x9;
	v11 =	vld [tilespmem:s0+$0x0];
	s0 =	sor.u32 s4, s6;
	v18 =	vadd.f32 v15, v18;
	v16 =	vmul.f32 v13, v16  }
.Ltmp31:
0x1d1: {  	v15 =	vld [tilespmem:s0+$0x0];
	s0 =	sor.u32 s1, s5;
	s1 =	sor.u32 s1, s6;
	(pc) =	sbr.rel @p4 .LBB2_53-.Ltmp31, $4  }
0x1d2: {  	s14 =	sand.u32 $0x40, s12;
	s7 =	sor.u32 $0x20, s4;
	s0 =	sor.u32 $0x80, s0;
	v13 =	vld [tilespmem:s1+$0x0];
	v18 =	vadd.f32 v16, v18;
	v17 =	vmul.f32 v14, v17  }
0x1d3: {  	s1 =	sshra.s32 s3, $0x2;
	v16 =	vld [tilespmem:s0+$0x0];
	s0 =	sor.u32 s7, s5;
	s7 =	sor.u32 s7, s6  }
0x1d4: {  	s11 =	sand.u32 $0x3FFFFC00, s3;
	s3 =	sor.u32 $0x30, s4;
	s0 =	sor.u32 $0x80, s0;
	v14 =	vld [tilespmem:s7+$0x0];
	v18 =	vadd.f32 v17, v18;
	v19 =	vmul.f32 v20, v19  }
0x1d5: {  	s2 =	sadd.s32 $0x1, s2;
	s15 =	sor.u32 s3, s5;
	s16 =	sor.u32 s3, s6;
	v17 =	vld [tilespmem:s0+$0x0]  }
0x1d6: {  	s0 =	smov.u32 s1;
	s2 =	smov.u32 s14  }
.LBB2_55:
0x1d7: {  	v18 =	vadd.f32 @p3 v19, v18  }
0x1d8: {  	v11 =	vmul.f32 @p2 v15, v11;
	s1 =	sor.u32 @p2 $0x80, s15;
	v15 =	vld @p2 [tilespmem:s16+$0x0]  }
0x1d9: {  	v19 =	vld @p2 [tilespmem:s1+$0x0];
	v18 =	vpsel p3, v18, v12  }
0x1da: {  	s23 =	sor.u32 s2, s0;
	v13 =	vmul.f32 @p2 v13, v16;
	v11 =	vadd.f32 @p2 v11, v18  }
0x1db: {  	s3 =	sadd.s32 $0x1000, s11;
	s1 =	sor.u32 $0x80, s23  }
0x1dc: {  	s4 =	sor.u32 $0x10, s2;
	s24 =	sor.u32 s2, s3;
	v59 =	vld [tilespmem:s1+$0x0];
	v11 =	vadd.f32 @p2 v13, v11;
	v13 =	vmul.f32 @p2 v14, v17  }
0x1dd: {  	s25 =	sor.u32 s4, s0;
	s4 =	sor.u32 s4, s3;
	v14 =	vld [tilespmem:s24+$0x0]  }
0x1de: {  	s26 =	sor.u32 $0x20, s2;
	s1 =	sor.u32 $0x80, s25;
	v60 =	vld [tilespmem:s4+$0x0];
	v11 =	vadd.f32 @p2 v13, v11;
	v13 =	vmul.f32 @p2 v15, v19  }
0x1df: {  	s29 =	sor.u32 $0x30, s2;
	s28 =	sor.u32 s26, s0;
	s4 =	sor.u32 s26, s3;
	v15 =	vld [tilespmem:s1+$0x0]  }
0x1e0: {  	s30 =	sor.u32 s29, s0;
	v61 =	vld [tilespmem:s4+$0x0];
	s1 =	sor.u32 $0x80, s28;
	v11 =	vpsel p2, v11, v0;
	v13 =	vpsel p2, v13, v0  }
0x1e1: {  	s0 =	sor.u32 $0x80, s30;
	v62 =	vld [tilespmem:s1+$0x0];
	v11 =	vadd.f32 @p2 v13, v11  }
0x1e2: {  	s31 =	sor.u32 s29, s3;
	v63 =	vld [tilespmem:s0+$0x0];
	v13 =	vmul.f32 v14, v59  }
0x1e3: {  	v14 =	vld [tilespmem:s31+$0x0];
	v11 =	vpsel p2, v11, v12  }
0x1e4: {  	v11 =	vadd.f32 v13, v11;
	v13 =	vmul.f32 v60, v15;
	_ =	sdelay $0x1  }
.Ltmp32:
0x1e5: {  	v11 =	vadd.f32 v13, v11;
	v13 =	vmul.f32 v61, v62;
	(pc) =	sbr.rel @!p1 .LBB2_56-.Ltmp32, $3  }
0x1e6: {  	_ = 	snop  }
0x1e7: {  	v11 =	vadd.f32 v13, v11;
	v13 =	vmul.f32 v14, v63;
	_ =	sdelay $0x1  }
0x1e8: {  	v11 =	vadd.f32 v13, v11  }
0x1e9: {  	s0 =	sor.u32 s18, s17;
	s1 =	sand.u32 $0x3FFFFC00, s19  }
0x1ea: {  	s0 =	sor.u32 $0x80, s0;
	s1 =	sadd.s32 $0x1000, s1  }
0x1eb: {  	s2 =	sor.u32 $0x10, s18;
	s3 =	sor.u32 $0x20, s18;
	v16 =	vld [tilespmem:s0+$0x0];
	s28 =	sor.u32 s18, s1  }
0x1ec: {  	p1 =	por $0x1, $0x1;
	s29 =	sor.u32 s2, s17;
	s2 =	sor.u32 s2, s1;
	v18 =	vld [tilespmem:s28+$0x80]  }
.Ltmp33:
0x1ed: {  	s4 =	sor.u32 $0x30, s18;
	s0 =	sor.u32 $0x80, s29;
	v13 =	vld [tilespmem:s2+$0x80];
	(pc) =	sbr.rel @!p1 .LBB2_58-.Ltmp33, $4  }
0x1ee: {  	s19 =	simm.s32 $0x200;
	s30 =	sor.u32 s3, s17;
	s3 =	sor.u32 s3, s1;
	v15 =	vld [tilespmem:s0+$0x0]  }
0x1ef: {  	p0 =	por $0x1, $0x1;
	s31 =	sor.u32 s4, s17;
	s2 =	sor.u32 $0x80, s30;
	v14 =	vld [tilespmem:s3+$0x80]  }
0x1f0: {  	s17 =	simm.s32 $0x80;
	s4 =	sor.u32 s4, s1;
	s0 =	simm.s32 $0x40;
	v17 =	vld [tilespmem:s2+$0x0]  }
0x1f1: {  	v19 =	vimm.f32 $0.0e+00;
	s1 =	sor.u32 $0x80, s31;
	s18 =	sand.u32 $0x40, s0;
	s2 =	simm.s32 $0x2;
	v18 =	vmul.f32 v18, v16;
	v16 =	vld [tilespmem:s4+$0x80]  }
.LBB2_59:
0x1f2: {  	p1 =	sne.s32 s2, $0xF;
	s3 =	sor.u32 s18, s17;
	s4 =	sand.u32 $0x3FFFFC00, s19;
	v20 =	vld [tilespmem:s1+$0x0]  }
0x1f3: {  	s1 =	sor.u32 $0x80, s3;
	s3 =	sadd.s32 $0x1000, s4;
	v18 =	vadd.f32 v18, v19;
	v13 =	vmul.f32 v13, v15  }
0x1f4: {  	s4 =	sor.u32 $0x10, s18;
	v21 =	vld [tilespmem:s1+$0x0];
	s1 =	sor.u32 s18, s3  }
0x1f5: {  	v22 =	vld [tilespmem:s1+$0x80];
	s1 =	sor.u32 s4, s17;
	s4 =	sor.u32 s4, s3;
	v18 =	vadd.f32 v13, v18;
	v14 =	vmul.f32 v14, v17  }
.Ltmp34:
0x1f6: {  	s1 =	sor.u32 $0x80, s1;
	v13 =	vld [tilespmem:s4+$0x80];
	s4 =	sor.u32 $0x20, s18;
	(pc) =	sbr.rel @p1 .LBB2_59-.Ltmp34, $4  }
0x1f7: {  	s0 =	sadd.s32 $0x40, s0;
	v15 =	vld [tilespmem:s1+$0x0];
	s1 =	sor.u32 s4, s17;
	s4 =	sor.u32 s4, s3;
	v18 =	vadd.f32 v14, v18;
	v16 =	vmul.f32 v16, v20  }
0x1f8: {  	s19 =	sshll.u32 s2, $0x9;
	s1 =	sor.u32 $0x80, s1;
	v14 =	vld [tilespmem:s4+$0x80];
	s4 =	sor.u32 $0x30, s18  }
0x1f9: {  	s18 =	sand.u32 $0x40, s0;
	v17 =	vld [tilespmem:s1+$0x0];
	s1 =	sor.u32 s4, s17;
	s3 =	sor.u32 s4, s3;
	v19 =	vadd.f32 v16, v18  }
0x1fa: {  	s2 =	sadd.s32 $0x1, s2;
	s17 =	sshra.s32 s19, $0x2;
	v18 =	vmul.f32 v22, v21;
	s1 =	sor.u32 $0x80, s1;
	v16 =	vld [tilespmem:s3+$0x80]  }
.LBB2_60:
0x1fb: {  	s0 =	sor.u32 s18, s17;
	s2 =	sand.u32 $0x3FFFFC00, s19  }
0x1fc: {  	v20 =	vld @p0 [tilespmem:s1+$0x0];
	s0 =	sor.u32 $0x80, s0;
	s19 =	sadd.s32 $0x1000, s2  }
0x1fd: {  	s21 =	sor.u32 $0x10, s18;
	v21 =	vld [tilespmem:s0+$0x0];
	s20 =	sor.u32 s18, s19  }
0x1fe: {  	s22 =	sor.u32 s21, s17;
	s2 =	sor.u32 s21, s19;
	v22 =	vld [tilespmem:s20+$0x80]  }
0x1ff: {  	s3 =	sor.u32 $0x20, s18;
	s25 =	sor.u32 $0x30, s18;
	s0 =	sor.u32 $0x80, s22;
	v23 =	vld [tilespmem:s2+$0x80]  }
0x200: {  	s28 =	simm.s32 $0x0;
	s29 =	simm.s32 $0x0;
	s24 =	sor.u32 s3, s19;
	v24 =	vld [tilespmem:s0+$0x0]  }
0x201: {  	s23 =	sor.u32 s3, s17;
	s26 =	sor.u32 s25, s17;
	v18 =	vadd.f32 @p0 v18, v19;
	v13 =	vmul.f32 @p0 v13, v15;
	s1 =	sor.u32 s25, s19;
	v25 =	vld [tilespmem:s24+$0x80]  }
0x202: {  	s30 =	sand.u32 $0x3FFFFC00, s29;
	s22 =	simm.s32 $0x0;
	s2 =	sor.u32 $0x80, s23;
	v19 =	vld [tilespmem:s1+$0x80]  }
0x203: {  	s23 =	sand.u32 $0x40, s28;
	s0 =	sor.u32 $0x80, s26;
	v13 =	vadd.f32 @p0 v13, v18;
	v14 =	vmul.f32 @p0 v14, v17;
	s24 =	sadd.s32 $0x1000, s30;
	v15 =	vld [tilespmem:s2+$0x0]  }
0x204: {  	s31 =	sor.u32 s23, s22;
	v17 =	vld [tilespmem:s0+$0x0];
	s3 =	sor.u32 s23, s24  }
0x205: {  	s4 =	sor.u32 $0x10, s23;
	s25 =	sor.u32 $0x80, s31;
	v13 =	vadd.f32 @p0 v14, v13;
	v14 =	vmul.f32 @p0 v16, v20;
	v16 =	vld [tilespmem:s3+$0x100]  }
0x206: {  	s19 =	simm.s32 $0x40;
	s5 =	sor.u32 s4, s22;
	s1 =	sor.u32 s4, s24;
	v18 =	vld [tilespmem:s25+$0x0]  }
0x207: {  	s21 =	simm.s32 $0x200;
	s6 =	sor.u32 $0x20, s23;
	s0 =	sor.u32 $0x80, s5;
	v20 =	vld [tilespmem:s1+$0x100]  }
0x208: {  	s18 =	simm.s32 $0x80;
	s7 =	sor.u32 s6, s22;
	s1 =	sor.u32 s6, s24;
	v26 =	vld [tilespmem:s0+$0x0]  }
0x209: {  	s17 =	sand.u32 $0x40, s19;
	s8 =	sor.u32 $0x30, s23;
	v13 =	vadd.f32 @p0 v14, v13;
	s0 =	sor.u32 $0x80, s7;
	v14 =	vmul.f32 v22, v21;
	v21 =	vld [tilespmem:s1+$0x100]  }
0x20a: {  	s16 =	sor.u32 $0x10, s17;
	s11 =	sor.u32 s8, s22;
	v22 =	vld [tilespmem:s0+$0x0];
	s1 =	sor.u32 s8, s24  }
0x20b: {  	s12 =	sand.u32 $0x3FFFFC00, s21;
	s5 =	sor.u32 s16, s18;
	s0 =	sor.u32 $0x80, s11;
	v12 =	vpsel p0, v13, v12;
	v13 =	vmul.f32 v23, v24;
	v23 =	vld [tilespmem:s1+$0x100]  }
0x20c: {  	s4 =	sadd.s32 $0x1000, s12;
	s5 =	sor.u32 $0x80, s5;
	v63 =	vld [tilespmem:s0+$0x0];
	v12 =	vadd.f32 v14, v12;
	v16 =	vmul.f32 v16, v18  }
0x20d: {  	s20 =	simm.s32 $0x2;
	s13 =	sor.u32 s17, s18;
	s15 =	sor.u32 s17, s4;
	v15 =	vmul.f32 v25, v15;
	v19 =	vmul.f32 v19, v17;
	v17 =	vld [tilespmem:s5+$0x0];
	v14 =	vimm.f32 $0.0e+00  }
0x20e: {  	s26 =	simm.s32 $0x400;
	s28 =	sor.u32 $0x20, s17;
	s14 =	sor.u32 $0x80, s13;
	v18 =	vld [tilespmem:s15+$0x100];
	v12 =	vadd.f32 v13, v12;
	v20 =	vmul.f32 v20, v26;
	v16 =	vadd.f32 v16, v14  }
0x20f: {  	s2 =	simm.s32 $0x80;
	s29 =	sor.u32 s28, s18;
	s1 =	sor.u32 s16, s4;
	v13 =	vld [tilespmem:s14+$0x0]  }
0x210: {  	s31 =	sor.u32 $0x30, s17;
	s12 =	simm.s32 $0x3;
	s6 =	sor.u32 s28, s4;
	v21 =	vmul.f32 v21, v22;
	v12 =	vadd.f32 v15, v12;
	v15 =	vld [tilespmem:s1+$0x100];
	v20 =	vadd.f32 v20, v16  }
0x211: {  	s30 =	sor.u32 $0x80, s29;
	s3 =	sor.u32 s31, s18;
	s11 =	simm.s32 $0x100;
	v16 =	vld [tilespmem:s6+$0x100]  }
0x212: {  	s0 =	sand.u32 $0x40, s2;
	s4 =	sor.u32 s31, s4;
	s1 =	sand.u32 $0x3FFFFC00, s26;
	v12 =	vadd.f32 v19, v12;
	v19 =	vld [tilespmem:s30+$0x0];
	v20 =	vadd.f32 v21, v20;
	v21 =	vmul.f32 v23, v63  }
.LBB2_61:
0x213: {  	p0 =	sne.s32 s12, $0xF;
	s5 =	sor.u32 s0, s11  }
0x214: {  	v18 =	vmul.f32 v18, v13;
	s3 =	sor.u32 $0x80, s3;
	v22 =	vld [tilespmem:s4+$0x100];
	v20 =	vadd.f32 v21, v20;
	s4 =	smov.u32 s0;
	s6 =	smov.u32 s11  }
0x215: {  	s2 =	sadd.s32 $0x40, s2;
	s0 =	sor.u32 $0x80, s5;
	s5 =	sadd.s32 $0x1000, s1;
	v21 =	vld [tilespmem:s3+$0x0]  }
0x216: {  	s1 =	sor.u32 $0x10, s4;
	s3 =	sshll.u32 s12, $0x9;
	v13 =	vld [tilespmem:s0+$0x0];
	s0 =	sor.u32 s4, s5;
	v20 =	vadd.f32 v18, v20;
	v17 =	vmul.f32 v15, v17  }
.Ltmp35:
0x217: {  	s7 =	sor.u32 s1, s6;
	s1 =	sor.u32 s1, s5;
	v18 =	vld [tilespmem:s0+$0x100];
	(pc) =	sbr.rel @p0 .LBB2_61-.Ltmp35, $4  }
0x218: {  	s0 =	sand.u32 $0x40, s2;
	s7 =	sor.u32 $0x80, s7;
	v15 =	vld [tilespmem:s1+$0x100];
	s1 =	sor.u32 $0x20, s4;
	v20 =	vadd.f32 v17, v20;
	v19 =	vmul.f32 v16, v19  }
0x219: {  	s11 =	sshra.s32 s3, $0x2;
	v17 =	vld [tilespmem:s7+$0x0];
	s7 =	sor.u32 s1, s6;
	s14 =	sor.u32 s1, s5  }
0x21a: {  	s4 =	sor.u32 $0x30, s4;
	s1 =	sand.u32 $0x3FFFFC00, s3;
	s3 =	sor.u32 $0x80, s7;
	v16 =	vld [tilespmem:s14+$0x100];
	v20 =	vadd.f32 v19, v20;
	v21 =	vmul.f32 v22, v21  }
0x21b: {  	s12 =	sadd.s32 $0x1, s12;
	v19 =	vld [tilespmem:s3+$0x0];
	s3 =	sor.u32 s4, s6;
	s4 =	sor.u32 s4, s5  }
0x21c: {  	s2 =	sor.u32 s0, s11;
	v13 =	vmul.f32 v18, v13;
	s3 =	sor.u32 $0x80, s3;
	v18 =	vld [tilespmem:s4+$0x100];
	v20 =	vadd.f32 v21, v20  }
0x21d: {  	s1 =	sadd.s32 $0x1000, s1;
	s2 =	sor.u32 $0x80, s2;
	v21 =	vld [tilespmem:s3+$0x0]  }
0x21e: {  	s6 =	sor.u32 $0x10, s0;
	s5 =	sor.u32 s0, s1;
	v22 =	vld [tilespmem:s2+$0x0];
	v13 =	vadd.f32 v13, v20;
	v15 =	vmul.f32 v15, v17  }
0x21f: {  	s7 =	sor.u32 s6, s11;
	s3 =	sor.u32 s6, s1;
	v17 =	vld [tilespmem:s5+$0x100]  }
0x220: {  	s8 =	sor.u32 $0x20, s0;
	s2 =	sor.u32 $0x80, s7;
	v20 =	vld [tilespmem:s3+$0x100];
	v13 =	vadd.f32 v15, v13;
	v15 =	vmul.f32 v16, v19  }
0x221: {  	s12 =	sor.u32 s8, s11;
	s3 =	sor.u32 s8, s1;
	v16 =	vld [tilespmem:s2+$0x0]  }
0x222: {  	s13 =	sor.u32 $0x30, s0;
	s2 =	sor.u32 $0x80, s12;
	v19 =	vld [tilespmem:s3+$0x100];
	v13 =	vadd.f32 v15, v13;
	v15 =	vmul.f32 v18, v21  }
0x223: {  	s14 =	sor.u32 s13, s11;
	s0 =	sor.u32 s13, s1;
	v18 =	vld [tilespmem:s2+$0x0]  }
0x224: {  	s15 =	sor.u32 $0x80, s14;
	v21 =	vld [tilespmem:s0+$0x100];
	v17 =	vmul.f32 v17, v22;
	v13 =	vadd.f32 v15, v13  }
0x225: {  	v22 =	vld [tilespmem:s15+$0x0]  }
0x226: {  	s16 =	sor.u32 s23, s24;
	v15 =	vmul.f32 v20, v16;
	v13 =	vadd.f32 v17, v13;
	v17 =	vld [tilespmem:s25+$0x0];
	s25 =	sor.u32 $0x10, s23  }
0x227: {  	v20 =	vld [tilespmem:s16+$0x180];
	s26 =	sor.u32 s25, s22;
	s1 =	sor.u32 s25, s24  }
0x228: {  	s28 =	sor.u32 $0x20, s23;
	v16 =	vmul.f32 v19, v18;
	v13 =	vadd.f32 v15, v13;
	s0 =	sor.u32 $0x80, s26;
	v15 =	vld [tilespmem:s1+$0x180]  }
0x229: {  	s29 =	sor.u32 s28, s22;
	s1 =	sor.u32 s28, s24;
	v18 =	vld [tilespmem:s0+$0x0]  }
0x22a: {  	s30 =	sor.u32 $0x30, s23;
	v21 =	vmul.f32 v21, v22;
	s0 =	sor.u32 $0x80, s29;
	v13 =	vadd.f32 v16, v13;
	v16 =	vld [tilespmem:s1+$0x180]  }
0x22b: {  	s31 =	sor.u32 s30, s22;
	v19 =	vld [tilespmem:s0+$0x0];
	s1 =	sor.u32 s30, s24  }
0x22c: {  	s0 =	sor.u32 $0x80, s31;
	v20 =	vmul.f32 v20, v17;
	v17 =	vld [tilespmem:s1+$0x180];
	v13 =	vadd.f32 v21, v13  }
.LBB2_63:
0x22d: {  	p0 =	sne.s32 s20, $0xF;
	s1 =	sor.u32 s17, s18;
	s2 =	sand.u32 $0x3FFFFC00, s21;
	v21 =	vld [tilespmem:s0+$0x0]  }
0x22e: {  	s0 =	sor.u32 $0x80, s1;
	s1 =	sadd.s32 $0x1000, s2;
	v14 =	vadd.f32 v20, v14;
	v15 =	vmul.f32 v15, v18  }
0x22f: {  	s2 =	sor.u32 $0x10, s17;
	v20 =	vld [tilespmem:s0+$0x0];
	s0 =	sor.u32 s17, s1  }
0x230: {  	v22 =	vld [tilespmem:s0+$0x180];
	s0 =	sor.u32 s2, s18;
	s2 =	sor.u32 s2, s1;
	v14 =	vadd.f32 v15, v14;
	v16 =	vmul.f32 v16, v19  }
.Ltmp36:
0x231: {  	s0 =	sor.u32 $0x80, s0;
	v15 =	vld [tilespmem:s2+$0x180];
	s2 =	sor.u32 $0x20, s17;
	(pc) =	sbr.rel @p0 .LBB2_63-.Ltmp36, $4  }
0x232: {  	s19 =	sadd.s32 $0x40, s19;
	v18 =	vld [tilespmem:s0+$0x0];
	s0 =	sor.u32 s2, s18;
	s2 =	sor.u32 s2, s1;
	v14 =	vadd.f32 v16, v14;
	v17 =	vmul.f32 v17, v21  }
0x233: {  	s21 =	sshll.u32 s20, $0x9;
	s0 =	sor.u32 $0x80, s0;
	v16 =	vld [tilespmem:s2+$0x180];
	s2 =	sor.u32 $0x30, s17  }
0x234: {  	s17 =	sand.u32 $0x40, s19;
	v19 =	vld [tilespmem:s0+$0x0];
	s0 =	sor.u32 s2, s18;
	s1 =	sor.u32 s2, s1;
	v14 =	vadd.f32 v17, v14  }
0x235: {  	s20 =	sadd.s32 $0x1, s20;
	s18 =	sshra.s32 s21, $0x2;
	v20 =	vmul.f32 v22, v20;
	s0 =	sor.u32 $0x80, s0;
	v17 =	vld [tilespmem:s1+$0x180]  }
0x236: {  	s1 =	sor.u32 s17, s18;
	s2 =	sand.u32 $0x3FFFFC00, s21  }
0x237: {  	v21 =	vld [tilespmem:s0+$0x0];
	s16 =	sor.u32 $0x80, s1;
	s19 =	sadd.s32 $0x1000, s2  }
0x238: {  	s21 =	sor.u32 $0x10, s17;
	v22 =	vld [tilespmem:s16+$0x0];
	s20 =	sor.u32 s17, s19  }
0x239: {  	s22 =	sor.u32 s21, s18;
	s2 =	sor.u32 s21, s19;
	v23 =	vld [tilespmem:s20+$0x180]  }
0x23a: {  	s3 =	sor.u32 $0x20, s17;
	s25 =	sor.u32 $0x30, s17;
	s0 =	sor.u32 $0x80, s22;
	v24 =	vld [tilespmem:s2+$0x180]  }
0x23b: {  	s28 =	simm.s32 $0x0;
	s29 =	simm.s32 $0x0;
	s24 =	sor.u32 s3, s19;
	v25 =	vld [tilespmem:s0+$0x0]  }
0x23c: {  	s23 =	sor.u32 s3, s18;
	s26 =	sor.u32 s25, s18;
	s1 =	sor.u32 s25, s19;
	v26 =	vld [tilespmem:s24+$0x180]  }
0x23d: {  	v15 =	vmul.f32 v15, v18;
	s30 =	sand.u32 $0x3FFFFC00, s29;
	s22 =	simm.s32 $0x0;
	s2 =	sor.u32 $0x80, s23;
	v18 =	vld [tilespmem:s1+$0x180]  }
0x23e: {  	v14 =	vadd.f32 v20, v14;
	s23 =	sand.u32 $0x40, s28;
	s0 =	sor.u32 $0x80, s26;
	s24 =	sadd.s32 $0x1000, s30;
	v27 =	vld [tilespmem:s2+$0x0]  }
0x23f: {  	s31 =	sor.u32 s23, s22;
	v28 =	vld [tilespmem:s0+$0x0];
	s3 =	sor.u32 s23, s24  }
0x240: {  	v14 =	vadd.f32 v15, v14;
	v15 =	vmul.f32 v16, v19;
	s4 =	sor.u32 $0x10, s23;
	s25 =	sor.u32 $0x80, s31;
	v19 =	vld [tilespmem:s3+$0x200]  }
0x241: {  	s18 =	simm.s32 $0x80;
	s5 =	sor.u32 s4, s22;
	s1 =	sor.u32 s4, s24;
	v16 =	vld [tilespmem:s25+$0x0]  }
0x242: {  	s19 =	simm.s32 $0x40;
	s6 =	sor.u32 $0x20, s23;
	v14 =	vadd.f32 v15, v14;
	v15 =	vmul.f32 v17, v21;
	s0 =	sor.u32 $0x80, s5;
	v17 =	vld [tilespmem:s1+$0x200]  }
0x243: {  	s21 =	simm.s32 $0x200;
	s7 =	sor.u32 s6, s22;
	s1 =	sor.u32 s6, s24;
	v20 =	vld [tilespmem:s0+$0x0]  }
0x244: {  	s17 =	sand.u32 $0x40, s19;
	s8 =	sor.u32 $0x30, s23;
	s0 =	sor.u32 $0x80, s7;
	v21 =	vld [tilespmem:s1+$0x200]  }
0x245: {  	s12 =	sand.u32 $0x3FFFFC00, s21;
	s11 =	sor.u32 s8, s22;
	v14 =	vadd.f32 v15, v14;
	s1 =	sor.u32 s8, s24;
	v15 =	vmul.f32 v23, v22;
	v22 =	vld [tilespmem:s0+$0x0]  }
0x246: {  	s28 =	sor.u32 $0x20, s17;
	s4 =	sadd.s32 $0x1000, s12;
	s0 =	sor.u32 $0x80, s11;
	v23 =	vld [tilespmem:s1+$0x200]  }
0x247: {  	s13 =	sor.u32 s17, s18;
	s6 =	sor.u32 s28, s4;
	v60 =	vld [tilespmem:s0+$0x0];
	v14 =	vadd.f32 v15, v14;
	v15 =	vmul.f32 v24, v25;
	v19 =	vmul.f32 v19, v16  }
0x248: {  	s20 =	simm.s32 $0x2;
	s26 =	simm.s32 $0x400;
	s14 =	sor.u32 $0x80, s13;
	v61 =	vmul.f32 v26, v27;
	v63 =	vmul.f32 v18, v28;
	v18 =	vld [tilespmem:s6+$0x200];
	v16 =	vimm.f32 $0.0e+00  }
0x249: {  	s16 =	sor.u32 $0x10, s17;
	s2 =	simm.s32 $0x80;
	s15 =	sor.u32 s17, s4;
	v14 =	vadd.f32 v15, v14;
	v15 =	vld [tilespmem:s14+$0x0];
	v62 =	vmul.f32 v17, v20;
	v19 =	vadd.f32 v19, v16  }
0x24a: {  	s29 =	sor.u32 s28, s18;
	s5 =	sor.u32 s16, s18;
	s1 =	sor.u32 s16, s4;
	v20 =	vld [tilespmem:s15+$0x200]  }
0x24b: {  	s31 =	sor.u32 $0x30, s17;
	s12 =	simm.s32 $0x3;
	s5 =	sor.u32 $0x80, s5;
	v17 =	vld [tilespmem:s1+$0x200];
	v21 =	vmul.f32 v21, v22;
	v14 =	vadd.f32 v61, v14;
	v26 =	vadd.f32 v62, v19  }
0x24c: {  	s30 =	sor.u32 $0x80, s29;
	s3 =	sor.u32 s31, s18;
	s11 =	simm.s32 $0x100;
	v19 =	vld [tilespmem:s5+$0x0]  }
0x24d: {  	s4 =	sor.u32 s31, s4;
	s0 =	sand.u32 $0x40, s2;
	s1 =	sand.u32 $0x3FFFFC00, s26;
	v23 =	vmul.f32 v23, v60;
	v14 =	vadd.f32 v63, v14;
	v22 =	vadd.f32 v21, v26;
	v21 =	vld [tilespmem:s30+$0x0]  }
.LBB2_65:
0x24e: {  	p0 =	sne.s32 s12, $0xF;
	s5 =	sor.u32 s0, s11  }
0x24f: {  	v20 =	vmul.f32 v20, v15;
	s3 =	sor.u32 $0x80, s3;
	v24 =	vld [tilespmem:s4+$0x200];
	v22 =	vadd.f32 v23, v22;
	s4 =	smov.u32 s0;
	s6 =	smov.u32 s11  }
0x250: {  	s2 =	sadd.s32 $0x40, s2;
	s0 =	sor.u32 $0x80, s5;
	s5 =	sadd.s32 $0x1000, s1;
	v23 =	vld [tilespmem:s3+$0x0]  }
0x251: {  	s1 =	sor.u32 $0x10, s4;
	s3 =	sshll.u32 s12, $0x9;
	v15 =	vld [tilespmem:s0+$0x0];
	s0 =	sor.u32 s4, s5;
	v22 =	vadd.f32 v20, v22;
	v19 =	vmul.f32 v17, v19  }
.Ltmp37:
0x252: {  	s7 =	sor.u32 s1, s6;
	s1 =	sor.u32 s1, s5;
	v20 =	vld [tilespmem:s0+$0x200];
	(pc) =	sbr.rel @p0 .LBB2_65-.Ltmp37, $4  }
0x253: {  	s0 =	sand.u32 $0x40, s2;
	s7 =	sor.u32 $0x80, s7;
	v17 =	vld [tilespmem:s1+$0x200];
	s1 =	sor.u32 $0x20, s4;
	v22 =	vadd.f32 v19, v22;
	v21 =	vmul.f32 v18, v21  }
0x254: {  	s11 =	sshra.s32 s3, $0x2;
	v19 =	vld [tilespmem:s7+$0x0];
	s7 =	sor.u32 s1, s6;
	s14 =	sor.u32 s1, s5  }
0x255: {  	s4 =	sor.u32 $0x30, s4;
	s1 =	sand.u32 $0x3FFFFC00, s3;
	s3 =	sor.u32 $0x80, s7;
	v18 =	vld [tilespmem:s14+$0x200];
	v22 =	vadd.f32 v21, v22;
	v23 =	vmul.f32 v24, v23  }
0x256: {  	s12 =	sadd.s32 $0x1, s12;
	v21 =	vld [tilespmem:s3+$0x0];
	s3 =	sor.u32 s4, s6;
	s4 =	sor.u32 s4, s5  }
0x257: {  	s2 =	sor.u32 s0, s11;
	v15 =	vmul.f32 v20, v15;
	s3 =	sor.u32 $0x80, s3;
	v20 =	vld [tilespmem:s4+$0x200];
	v22 =	vadd.f32 v23, v22  }
0x258: {  	s1 =	sadd.s32 $0x1000, s1;
	s2 =	sor.u32 $0x80, s2;
	v23 =	vld [tilespmem:s3+$0x0]  }
0x259: {  	s6 =	sor.u32 $0x10, s0;
	s5 =	sor.u32 s0, s1;
	v24 =	vld [tilespmem:s2+$0x0];
	v15 =	vadd.f32 v15, v22;
	v17 =	vmul.f32 v17, v19  }
0x25a: {  	s7 =	sor.u32 s6, s11;
	s3 =	sor.u32 s6, s1;
	v19 =	vld [tilespmem:s5+$0x200]  }
0x25b: {  	s8 =	sor.u32 $0x20, s0;
	s2 =	sor.u32 $0x80, s7;
	v22 =	vld [tilespmem:s3+$0x200];
	v15 =	vadd.f32 v17, v15;
	v17 =	vmul.f32 v18, v21  }
0x25c: {  	s13 =	sor.u32 $0x30, s0;
	s12 =	sor.u32 s8, s11;
	s3 =	sor.u32 s8, s1;
	v18 =	vld [tilespmem:s2+$0x0]  }
0x25d: {  	s14 =	sor.u32 s13, s11;
	s2 =	sor.u32 $0x80, s12;
	v21 =	vld [tilespmem:s3+$0x200];
	v15 =	vadd.f32 v17, v15;
	v17 =	vmul.f32 v20, v23  }
0x25e: {  	s15 =	sor.u32 $0x80, s14;
	v20 =	vld [tilespmem:s2+$0x0]  }
0x25f: {  	s0 =	sor.u32 s13, s1;
	v63 =	vld [tilespmem:s15+$0x0];
	v19 =	vmul.f32 v19, v24;
	v15 =	vadd.f32 v17, v15  }
0x260: {  	v23 =	vld [tilespmem:s0+$0x200]  }
0x261: {  	s16 =	sor.u32 s23, s24;
	v17 =	vmul.f32 v22, v18;
	v15 =	vadd.f32 v19, v15;
	v19 =	vld [tilespmem:s25+$0x0];
	s25 =	sor.u32 $0x10, s23  }
0x262: {  	v22 =	vld [tilespmem:s16+$0x280];
	s26 =	sor.u32 s25, s22;
	s1 =	sor.u32 s25, s24  }
0x263: {  	s28 =	sor.u32 $0x20, s23;
	v18 =	vmul.f32 v21, v20;
	v15 =	vadd.f32 v17, v15;
	s0 =	sor.u32 $0x80, s26;
	v17 =	vld [tilespmem:s1+$0x280]  }
0x264: {  	s29 =	sor.u32 s28, s22;
	s1 =	sor.u32 s28, s24;
	v20 =	vld [tilespmem:s0+$0x0]  }
0x265: {  	s30 =	sor.u32 $0x30, s23;
	v23 =	vmul.f32 v23, v63;
	s0 =	sor.u32 $0x80, s29;
	v15 =	vadd.f32 v18, v15;
	v18 =	vld [tilespmem:s1+$0x280]  }
0x266: {  	s31 =	sor.u32 s30, s22;
	v21 =	vld [tilespmem:s0+$0x0];
	s1 =	sor.u32 s30, s24  }
0x267: {  	s0 =	sor.u32 $0x80, s31;
	v22 =	vmul.f32 v22, v19;
	v19 =	vld [tilespmem:s1+$0x280];
	v15 =	vadd.f32 v23, v15  }
.LBB2_67:
0x268: {  	p0 =	sne.s32 s20, $0xF;
	s1 =	sor.u32 s17, s18;
	s2 =	sand.u32 $0x3FFFFC00, s21;
	v23 =	vld [tilespmem:s0+$0x0]  }
0x269: {  	s0 =	sor.u32 $0x80, s1;
	s1 =	sadd.s32 $0x1000, s2;
	v16 =	vadd.f32 v22, v16;
	v17 =	vmul.f32 v17, v20  }
0x26a: {  	s2 =	sor.u32 $0x10, s17;
	v22 =	vld [tilespmem:s0+$0x0];
	s0 =	sor.u32 s17, s1  }
0x26b: {  	v24 =	vld [tilespmem:s0+$0x280];
	s0 =	sor.u32 s2, s18;
	s2 =	sor.u32 s2, s1;
	v16 =	vadd.f32 v17, v16;
	v18 =	vmul.f32 v18, v21  }
.Ltmp38:
0x26c: {  	s0 =	sor.u32 $0x80, s0;
	v17 =	vld [tilespmem:s2+$0x280];
	s2 =	sor.u32 $0x20, s17;
	(pc) =	sbr.rel @p0 .LBB2_67-.Ltmp38, $4  }
0x26d: {  	s19 =	sadd.s32 $0x40, s19;
	v20 =	vld [tilespmem:s0+$0x0];
	s0 =	sor.u32 s2, s18;
	s2 =	sor.u32 s2, s1;
	v16 =	vadd.f32 v18, v16;
	v19 =	vmul.f32 v19, v23  }
0x26e: {  	s21 =	sshll.u32 s20, $0x9;
	s0 =	sor.u32 $0x80, s0;
	v18 =	vld [tilespmem:s2+$0x280];
	s2 =	sor.u32 $0x30, s17  }
0x26f: {  	s17 =	sand.u32 $0x40, s19;
	v21 =	vld [tilespmem:s0+$0x0];
	s0 =	sor.u32 s2, s18;
	s1 =	sor.u32 s2, s1;
	v16 =	vadd.f32 v19, v16  }
0x270: {  	s20 =	sadd.s32 $0x1, s20;
	s18 =	sshra.s32 s21, $0x2;
	v22 =	vmul.f32 v24, v22;
	s0 =	sor.u32 $0x80, s0;
	v19 =	vld [tilespmem:s1+$0x280]  }
0x271: {  	s1 =	sor.u32 s17, s18;
	s2 =	sand.u32 $0x3FFFFC00, s21  }
0x272: {  	v23 =	vld [tilespmem:s0+$0x0];
	s4 =	sor.u32 $0x80, s1;
	s5 =	sadd.s32 $0x1000, s2  }
0x273: {  	s7 =	sor.u32 $0x10, s17;
	v24 =	vld [tilespmem:s4+$0x0];
	s6 =	sor.u32 s17, s5  }
0x274: {  	s8 =	sor.u32 s7, s18;
	s2 =	sor.u32 s7, s5;
	v25 =	vld [tilespmem:s6+$0x280]  }
0x275: {  	s3 =	sor.u32 $0x20, s17;
	s13 =	sor.u32 $0x30, s17;
	s0 =	sor.u32 $0x80, s8;
	v26 =	vld [tilespmem:s2+$0x280]  }
0x276: {  	s15 =	simm.s32 $0x0;
	s16 =	simm.s32 $0x0;
	s12 =	sor.u32 s3, s5;
	v27 =	vld [tilespmem:s0+$0x0]  }
0x277: {  	s11 =	sor.u32 s3, s18;
	s14 =	sor.u32 s13, s18;
	s1 =	sor.u32 s13, s5;
	v28 =	vld [tilespmem:s12+$0x280]  }
0x278: {  	v17 =	vmul.f32 v17, v20;
	s3 =	sand.u32 $0x40, s15;
	s4 =	simm.s32 $0x0;
	s2 =	sor.u32 $0x80, s11;
	v20 =	vld [tilespmem:s1+$0x280]  }
0x279: {  	v16 =	vadd.f32 v22, v16;
	s17 =	sand.u32 $0x3FFFFC00, s16;
	s0 =	sor.u32 $0x80, s14;
	s18 =	sor.u32 s3, s4;
	v29 =	vld [tilespmem:s2+$0x0]  }
0x27a: {  	s19 =	sadd.s32 $0x1000, s17;
	v30 =	vld [tilespmem:s0+$0x0];
	s18 =	sor.u32 $0x80, s18  }
0x27b: {  	v16 =	vadd.f32 v17, v16;
	v17 =	vmul.f32 v18, v21;
	s22 =	sor.u32 $0x10, s3;
	s20 =	sor.u32 s3, s19;
	v18 =	vld [tilespmem:s18+$0x0]  }
0x27c: {  	s23 =	sor.u32 s22, s4;
	s21 =	sor.u32 s22, s19;
	v21 =	vld [tilespmem:s20+$0x300]  }
0x27d: {  	s24 =	simm.s32 $0x40;
	s25 =	sor.u32 $0x20, s3;
	v16 =	vadd.f32 v17, v16;
	v17 =	vmul.f32 v19, v23;
	s22 =	sor.u32 $0x80, s23;
	v19 =	vld [tilespmem:s21+$0x300]  }
0x27e: {  	s5 =	simm.s32 $0x200;
	s6 =	sor.u32 s25, s4;
	s23 =	sor.u32 s25, s19;
	v22 =	vld [tilespmem:s22+$0x0]  }
0x27f: {  	s1 =	sand.u32 $0x40, s24;
	s26 =	sor.u32 $0x30, s3;
	s24 =	sor.u32 $0x80, s6;
	v23 =	vld [tilespmem:s23+$0x300];
	v16 =	vadd.f32 v17, v16;
	v17 =	vmul.f32 v25, v24  }
0x280: {  	s17 =	simm.s32 $0x80;
	s3 =	sor.u32 s26, s4;
	s25 =	sor.u32 s26, s19;
	v24 =	vld [tilespmem:s24+$0x0]  }
0x281: {  	s7 =	sor.u32 s1, s17;
	s6 =	sand.u32 $0x3FFFFC00, s5;
	s28 =	sor.u32 $0x80, s3;
	v25 =	vld [tilespmem:s25+$0x300];
	v16 =	vadd.f32 v17, v16;
	v17 =	vmul.f32 v26, v27  }
0x282: {  	s29 =	sor.u32 $0x80, s7;
	s19 =	sadd.s32 $0x1000, s6;
	v21 =	vmul.f32 v21, v18;
	v26 =	vld [tilespmem:s28+$0x0]  }
0x283: {  	s16 =	simm.s32 $0x100;
	s8 =	sor.u32 $0x10, s1;
	s30 =	sor.u32 s1, s19;
	v18 =	vld [tilespmem:s29+$0x0];
	v16 =	vadd.f32 v17, v16;
	v17 =	vimm.f32 $0.0e+00  }
0x284: {  	s14 =	simm.s32 $0x80;
	s12 =	sor.u32 $0x20, s1;
	s2 =	sor.u32 s8, s19;
	v27 =	vmul.f32 v28, v29;
	v63 =	vmul.f32 v19, v22;
	v22 =	vld [tilespmem:s30+$0x300];
	v21 =	vadd.f32 v21, v17  }
0x285: {  	s11 =	sor.u32 s8, s17;
	s13 =	sor.u32 s12, s17;
	s12 =	sor.u32 s12, s19;
	v19 =	vld [tilespmem:s2+$0x300];
	v23 =	vmul.f32 v23, v24  }
0x286: {  	s15 =	sand.u32 $0x40, s14;
	s26 =	simm.s32 $0x400;
	s31 =	sor.u32 $0x80, s11;
	v16 =	vadd.f32 v27, v16;
	v27 =	vmul.f32 v20, v30;
	v20 =	vld [tilespmem:s12+$0x300];
	v28 =	vadd.f32 v63, v21  }
0x287: {  	s3 =	sand.u32 $0x3FFFFC00, s26;
	s0 =	sor.u32 $0x80, s13;
	s11 =	sor.u32 $0x30, s1;
	v21 =	vld [tilespmem:s31+$0x0]  }
0x288: {  	s1 =	simm.s32 $0x3;
	s4 =	sor.u32 s11, s17;
	s5 =	sor.u32 s11, s19;
	v25 =	vmul.f32 v25, v26;
	v16 =	vadd.f32 v27, v16;
	v24 =	vadd.f32 v23, v28;
	v23 =	vld [tilespmem:s0+$0x0]  }
.LBB2_69:
0x289: {  	p0 =	sne.s32 s1, $0xF;
	s6 =	sor.u32 s15, s16  }
0x28a: {  	v22 =	vmul.f32 v22, v18;
	s4 =	sor.u32 $0x80, s4;
	v26 =	vld [tilespmem:s5+$0x300];
	v24 =	vadd.f32 v25, v24;
	s5 =	smov.u32 s15;
	s7 =	smov.u32 s16  }
0x28b: {  	s8 =	sadd.s32 $0x1000, s3;
	s14 =	sadd.s32 $0x40, s14;
	s6 =	sor.u32 $0x80, s6;
	v25 =	vld [tilespmem:s4+$0x0]  }
0x28c: {  	s3 =	sor.u32 s5, s8;
	s4 =	sor.u32 $0x10, s5;
	v18 =	vld [tilespmem:s6+$0x0];
	v24 =	vadd.f32 v22, v24;
	v21 =	vmul.f32 v19, v21;
	s6 =	sshll.u32 s1, $0x9  }
.Ltmp39:
0x28d: {  	v22 =	vld [tilespmem:s3+$0x300];
	s3 =	sor.u32 s4, s7;
	s4 =	sor.u32 s4, s8;
	(pc) =	sbr.rel @p0 .LBB2_69-.Ltmp39, $4  }
0x28e: {  	s15 =	sand.u32 $0x40, s14;
	s3 =	sor.u32 $0x80, s3;
	v19 =	vld [tilespmem:s4+$0x300];
	s4 =	sor.u32 $0x20, s5;
	v24 =	vadd.f32 v21, v24;
	v23 =	vmul.f32 v20, v23  }
0x28f: {  	s16 =	sshra.s32 s6, $0x2;
	v21 =	vld [tilespmem:s3+$0x0];
	s13 =	sor.u32 s4, s7;
	s4 =	sor.u32 s4, s8  }
0x290: {  	s5 =	sor.u32 $0x30, s5;
	s3 =	sand.u32 $0x3FFFFC00, s6;
	s6 =	sor.u32 $0x80, s13;
	v20 =	vld [tilespmem:s4+$0x300];
	v24 =	vadd.f32 v23, v24;
	v25 =	vmul.f32 v26, v25  }
0x291: {  	s1 =	sadd.s32 $0x1, s1;
	s4 =	sor.u32 s5, s7;
	s5 =	sor.u32 s5, s8;
	v23 =	vld [tilespmem:s6+$0x0]  }
0x292: {  	v26 =	vld [tilespmem:s5+$0x300]  }
0x293: {  	s1 =	sor.u32 s15, s16;
	s4 =	sor.u32 $0x80, s4;
	v60 =	vld [tilespmem:s24+$0x0]  }
0x294: {  	s3 =	sadd.s32 $0x1000, s3;
	s1 =	sor.u32 $0x80, s1;
	v27 =	vld [tilespmem:s4+$0x0]  }
0x295: {  	s7 =	sor.u32 $0x10, s15;
	s6 =	sor.u32 s15, s3;
	v28 =	vld [tilespmem:s1+$0x0]  }
0x296: {  	s8 =	sor.u32 s7, s16;
	s4 =	sor.u32 s7, s3;
	v29 =	vld [tilespmem:s6+$0x300]  }
0x297: {  	s13 =	sor.u32 $0x20, s15;
	s1 =	sor.u32 $0x80, s8;
	v30 =	vld [tilespmem:s4+$0x300]  }
0x298: {  	v18 =	vmul.f32 v22, v18;
	v22 =	vadd.f32 v25, v24;
	s15 =	sor.u32 $0x30, s15;
	s4 =	sor.u32 s13, s3;
	v31 =	vld [tilespmem:s1+$0x0]  }
0x299: {  	s14 =	sor.u32 s13, s16;
	s3 =	sor.u32 s15, s3;
	v24 =	vld [tilespmem:s4+$0x300]  }
0x29a: {  	v18 =	vadd.f32 v18, v22;
	v19 =	vmul.f32 v19, v21;
	s1 =	sor.u32 $0x80, s14;
	v21 =	vld [tilespmem:s3+$0x300]  }
0x29b: {  	v25 =	vld [tilespmem:s1+$0x0]  }
0x29c: {  	s16 =	sor.u32 s15, s16;
	v18 =	vadd.f32 v19, v18;
	v19 =	vmul.f32 v20, v23;
	v20 =	vld [tilespmem:s18+$0x0]  }
0x29d: {  	s1 =	sor.u32 $0x80, s16;
	v23 =	vld [tilespmem:s20+$0x380]  }
0x29e: {  	v22 =	vld [tilespmem:s1+$0x0]  }
0x29f: {  	v18 =	vadd.f32 v19, v18;
	v19 =	vmul.f32 v26, v27;
	v26 =	vld [tilespmem:s21+$0x380]  }
0x2a0: {  	v27 =	vld [tilespmem:s22+$0x0]  }
0x2a1: {  	v62 =	vld [tilespmem:s25+$0x380];
	v28 =	vmul.f32 v29, v28;
	v18 =	vadd.f32 v19, v18  }
0x2a2: {  	v19 =	vld [tilespmem:s23+$0x380]  }
0x2a3: {  	v63 =	vld [tilespmem:s28+$0x0];
	v61 =	vmul.f32 v30, v31;
	v23 =	vmul.f32 v23, v20;
	v18 =	vadd.f32 v28, v18  }
0x2a4: {  	v24 =	vmul.f32 v24, v25;
	v20 =	vld [tilespmem:s29+$0x0];
	v22 =	vmul.f32 v21, v22  }
0x2a5: {  	v21 =	vld [tilespmem:s31+$0x0];
	v17 =	vadd.f32 v23, v17;
	v25 =	vmul.f32 v26, v27;
	v18 =	vadd.f32 v61, v18  }
0x2a6: {  	v23 =	vld [tilespmem:s30+$0x380]  }
0x2a7: {  	s14 =	simm.s32 $0x80;
	v25 =	vadd.f32 v25, v17;
	v26 =	vmul.f32 v19, v60;
	v19 =	vld [tilespmem:s12+$0x380];
	v24 =	vadd.f32 v24, v18  }
0x2a8: {  	s18 =	simm.s32 $0x100;
	s20 =	sand.u32 $0x3FFFFC00, s26;
	s1 =	simm.s32 $0x3;
	v18 =	vld [tilespmem:s2+$0x380]  }
0x2a9: {  	s2 =	sand.u32 $0x40, s14;
	v17 =	vadd.f32 v22, v24;
	v24 =	vadd.f32 v26, v25;
	v25 =	vmul.f32 v62, v63;
	v22 =	vld [tilespmem:s0+$0x0];
	s0 =	sor.u32 s11, s17;
	s11 =	sor.u32 s11, s19  }
.LBB2_71:
0x2aa: {  	p0 =	sne.s32 s1, $0xF;
	s3 =	sor.u32 s2, s18  }
0x2ab: {  	v23 =	vmul.f32 v23, v20;
	s0 =	sor.u32 $0x80, s0;
	v26 =	vld [tilespmem:s11+$0x380];
	v24 =	vadd.f32 v25, v24;
	s4 =	smov.u32 s2;
	s5 =	smov.u32 s18  }
0x2ac: {  	s14 =	sadd.s32 $0x40, s14;
	s2 =	sor.u32 $0x80, s3;
	s3 =	sadd.s32 $0x1000, s20;
	v25 =	vld [tilespmem:s0+$0x0]  }
0x2ad: {  	s6 =	sshll.u32 s1, $0x9;
	v20 =	vld [tilespmem:s2+$0x0];
	s0 =	sor.u32 s4, s3;
	s2 =	sor.u32 $0x10, s4;
	v24 =	vadd.f32 v23, v24;
	v21 =	vmul.f32 v18, v21  }
.Ltmp40:
0x2ae: {  	v23 =	vld [tilespmem:s0+$0x380];
	s0 =	sor.u32 s2, s5;
	s7 =	sor.u32 s2, s3;
	(pc) =	sbr.rel @p0 .LBB2_71-.Ltmp40, $4  }
0x2af: {  	s2 =	sand.u32 $0x40, s14;
	s0 =	sor.u32 $0x80, s0;
	v18 =	vld [tilespmem:s7+$0x380];
	s7 =	sor.u32 $0x20, s4;
	v24 =	vadd.f32 v21, v24;
	v22 =	vmul.f32 v19, v22  }
0x2b0: {  	s18 =	sshra.s32 s6, $0x2;
	v21 =	vld [tilespmem:s0+$0x0];
	s0 =	sor.u32 s7, s5;
	s7 =	sor.u32 s7, s3  }
0x2b1: {  	s20 =	sand.u32 $0x3FFFFC00, s6;
	s4 =	sor.u32 $0x30, s4;
	s0 =	sor.u32 $0x80, s0;
	v19 =	vld [tilespmem:s7+$0x380];
	v24 =	vadd.f32 v22, v24;
	v25 =	vmul.f32 v26, v25  }
0x2b2: {  	s1 =	sadd.s32 $0x1, s1;
	s11 =	sor.u32 s4, s3;
	v22 =	vld [tilespmem:s0+$0x0];
	s0 =	sor.u32 s4, s5  }
0x2b3: {  	(xrf2) =	vadd.scan.msk.f32 $0xffff, v3  }
0x2b4: {  	(xrf2) =	vadd.scan.msk.f32 $0xffff, v4  }
0x2b5: {  	(xrf2) =	vadd.scan.msk.f32 $0xffff, v5  }
0x2b6: {  	(xrf2) =	vadd.scan.msk.f32 $0xffff, v6  }
0x2b7: {  	(xrf2) =	vadd.scan.msk.f32 $0xffff, v7  }
0x2b8: {  	(xrf2) =	vadd.scan.msk.f32 $0xffff, v8  }
0x2b9: {  	(xrf2) =	vadd.scan.msk.f32 $0xffff, v9  }
0x2ba: {  	(xrf2) =	vadd.scan.msk.f32 $0xffff, v10;
	_ =	sdelay $0x2  }
0x2bb: {  	v3, _, _ =	vpop (xrf2)  }
0x2bc: {  	v3 =	vbroadcast v3, $0xF;
	v4, _, _ =	vpop (xrf2)  }
0x2bd: {  	v4 =	vbroadcast v4, $0xF;
	v5, _, _ =	vpop (xrf2)  }
0x2be: {  	v3 =	vnsel vm0, $0xFF61B1E6, v3;
	v5 =	vbroadcast v5, $0xF;
	v6, _, _ =	vpop (xrf2)  }
0x2bf: {  	v3 =	vsel vm1, v3, v4;
	v36 =	vbroadcast v6, $0xF;
	v37, _, _ =	vpop (xrf2)  }
0x2c0: {  	v3 =	vsel vm2, v3, v5;
	v38 =	vbroadcast v37, $0xF;
	v39, _, _ =	vpop (xrf2)  }
0x2c1: {  	v3 =	vsel vm3, v3, v36;
	v40 =	vbroadcast v39, $0xF;
	v41, _, _ =	vpop (xrf2)  }
0x2c2: {  	v3 =	vsel vm4, v3, v38;
	v42 =	vbroadcast v41, $0xF;
	v43, _, _ =	vpop (xrf2)  }
0x2c3: {  	v3 =	vsel vm5, v3, v40;
	v44 =	vbroadcast v43, $0xF  }
0x2c4: {  	v3 =	vsel vm6, v3, v42  }
0x2c5: {  	v3 =	vsel vm7, v3, v44  }
0x2c6: {  	(xrf0) =	vmax.scan.msk.f32 $0xffff, v3;
	_ =	sdelay $0x5  }
0x2c7: {  	v45, _, _ =	vpop (xrf0)  }
0x2c8: {  	v4 =	vbroadcast v45, $0xF;
	_ =	sdelay $0x1  }
0x2c9: {  	v3 =	vsub.f32 v3, v4;
	_ =	sdelay $0x1  }
0x2ca: {  	v3 =	vmul.f32 $1.442695020e+00, v3;
	_ =	sdelay $0x1  }
0x2cb: {  	(erf) = vpow2.f32 v3;
	_ =	sdelay $0x8  }
0x2cc: {  	v3 =	vpop (erf)  }
0x2cd: {  	v3 =	vnsel vm8, $0x0, v3  }
0x2ce: {  	(xrf2) =	vadd.scan.msk.f32 $0xffff, v3;
	_ =	sdelay $0x9  }
0x2cf: {  	v46, _, _ =	vpop (xrf2)  }
0x2d0: {  	v4 =	vbroadcast v46, $0xF;
	_ =	sdelay $0x1  }
0x2d1: {  	(erf) = vrcp.f32 v4;
	_ =	sdelay $0x8  }
0x2d2: {  	v4 =	vpop (erf)  }
0x2d3: {  	v4 =	vmul.f32 v4, v3;
	_ =	sdelay $0x1  }
0x2d4: {  	(xrf0) =	vmax.scan.msk.f32 $0xffff, v4;
	_ =	sdelay $0x5  }
0x2d5: {  	v47, _, _ =	vpop (xrf0)  }
0x2d6: {  	v3 =	vbroadcast v47, $0xF;
	_ =	sdelay $0x1  }
0x2d7: {  	vm15 =	veq.f32 v4, v3  }
0x2d8: {  	v48 =	vnsel vm15, $0x80000010, v1  }
0x2d9: {  	(xrf0) =	vmin.scan.msk.u32 $0xffff, v48;
	_ =	sdelay $0x5  }
0x2da: {  	(v2sf) =	vpush v47, $0xF;
	v49, _, _ =	vpop (xrf0)  }
0x2db: {  	(v2sf) =	vpush v49, $0xF;
	_ =	sdelay $0x2  }
0x2dc: {  	s1 =	sor.u32 s2, s18;
	v50 =	vmul.f32 v23, v20;
	s0 =	sor.u32 $0x80, s0;
	v51 =	vld [tilespmem:s11+$0x380];
	v52 =	vadd.f32 v25, v24  }
0x2dd: {  	s3 =	sadd.s32 $0x1000, s20;
	s1 =	sor.u32 $0x80, s1;
	v53 =	vld [tilespmem:s0+$0x0]  }
0x2de: {  	s8 =	sor.u32 $0x10, s2;
	s7 =	sor.u32 s2, s3;
	v54 =	vld [tilespmem:s1+$0x0];
	v55 =	vmul.f32 v18, v21;
	v5 =	vadd.f32 v50, v52  }
0x2df: {  	s11 =	sor.u32 s8, s18;
	v56 =	vld [tilespmem:s7+$0x380];
	s1 =	sor.u32 s8, s3  }
0x2e0: {  	s12 =	sor.u32 $0x20, s2;
	s0 =	sor.u32 $0x80, s11;
	v57 =	vld [tilespmem:s1+$0x380];
	v58 =	vmul.f32 v19, v22;
	v5 =	vadd.f32 v55, v5  }
0x2e1: {  	s13 =	sor.u32 s12, s18;
	v59 =	vld [tilespmem:s0+$0x0];
	s1 =	sor.u32 s12, s3  }
0x2e2: {  	s14 =	sor.u32 $0x30, s2;
	s0 =	sor.u32 $0x80, s13;
	v60 =	vld [tilespmem:s1+$0x380];
	v6 =	vmul.f32 v51, v53;
	v5 =	vadd.f32 v58, v5  }
0x2e3: {  	s15 =	sor.u32 s14, s18;
	v61 =	vld [tilespmem:s0+$0x0];
	s1 =	sor.u32 s14, s3  }
0x2e4: {  	s0 =	sor.u32 $0x80, s15;
	v63 =	vld [tilespmem:s1+$0x380];
	v62 =	vmul.f32 v56, v54;
	v5 =	vadd.f32 v6, v5  }
0x2e5: {  	v21 =	vld [tilespmem:s0+$0x0]  }
0x2e6: {  	v22 =	vmul.f32 v57, v59;
	v5 =	vadd.f32 v62, v5;
	(xrf2) =	vadd.scan.msk.f32 $0xffff, v11  }
0x2e7: {  	(xrf2) =	vadd.scan.msk.f32 $0xffff, v12;
	s16 =	spop (v2sf)  }
0x2e8: {  	v7 =	vmul.f32 v60, v61;
	v5 =	vadd.f32 v22, v5;
	(xrf2) =	vadd.scan.msk.f32 $0xffff, v13;
	s17 =	spop (v2sf)  }
0x2e9: {  	(xrf2) =	vadd.scan.msk.f32 $0xffff, v14;
	s18 =	sxor.u32 $0x80000000, s17  }
0x2ea: {  	v6 =	vmul.f32 v63, v21;
	v5 =	vadd.f32 v7, v5;
	(xrf2) =	vadd.scan.msk.f32 $0xffff, v15;
	v23 =	vmov s18  }
0x2eb: {  	(xrf2) =	vadd.scan.msk.f32 $0xffff, v16;
	vm15 =	veq.s32 v23, v0  }
0x2ec: {  	v5 =	vadd.f32 v6, v5;
	(xrf2) =	vadd.scan.msk.f32 $0xffff, v17;
	v24 =	vsel vm15, $0xBF800000, v4  }
0x2ed: {  	(xrf0) =	vmax.scan.msk.f32 $0xffff, v24  }
0x2ee: {  	(xrf2) =	vadd.scan.msk.f32 $0xffff, v5;
	_ =	sdelay $0x1  }
0x2ef: {  	v25, _, _ =	vpop (xrf2)  }
0x2f0: {  	v26, _, _ =	vpop (xrf2)  }
0x2f1: {  	v5 =	vbroadcast v25, $0xF;
	v27, _, _ =	vpop (xrf2)  }
0x2f2: {  	v6 =	vbroadcast v26, $0xF;
	v28, _, _ =	vpop (xrf0)  }
0x2f3: {  	v29, _, _ =	vpop (xrf2);
	v5 =	vnsel vm0, $0xFF61B1E6, v5;
	v7 =	vbroadcast v27, $0xF;
	(v2sf) =	vpush v28, $0xF  }
0x2f4: {  	v30, _, _ =	vpop (xrf2);
	v5 =	vsel vm1, v5, v6;
	v31 =	vbroadcast v29, $0xF  }
0x2f5: {  	v32, _, _ =	vpop (xrf2);
	v5 =	vsel vm2, v5, v7;
	v33 =	vbroadcast v30, $0xF  }
0x2f6: {  	v34, _, _ =	vpop (xrf2);
	v5 =	vsel vm3, v5, v31;
	v35 =	vbroadcast v32, $0xF;
	v9 =	vbroadcast v28, $0xF  }
0x2f7: {  	v5 =	vsel vm4, v5, v33;
	v36 =	vbroadcast v34, $0xF;
	v37, _, _ =	vpop (xrf2)  }
0x2f8: {  	v5 =	vsel vm5, v5, v35;
	v38 =	vbroadcast v37, $0xF;
	vm10 =	veq.f32 v24, v9  }
0x2f9: {  	v5 =	vsel vm6, v5, v36;
	v8 =	vnsel vm10, $0x80000010, v1  }
0x2fa: {  	v5 =	vsel vm7, v5, v38;
	(xrf0) =	vmin.scan.msk.u32 $0xffff, v8  }
0x2fb: {  	(xrf0) =	vmax.scan.msk.f32 $0xffff, v5;
	_ =	sdelay $0x4  }
0x2fc: {  	v39, _, _ =	vpop (xrf0)  }
0x2fd: {  	v40, _, _ =	vpop (xrf0)  }
0x2fe: {  	v7 =	vbroadcast v40, $0xF;
	s19 =	spop (v2sf)  }
0x2ff: {  	s0 =	sadd.f32 s19, s16  }
0x300: {  	v5 =	vsub.f32 v5, v7  }
0x301: {  	s0 =	smax.f32 s0, $9.999999930e-09  }
0x302: {  	v5 =	vmul.f32 $1.442695020e+00, v5;
	v41 =	vmov s0  }
0x303: {  	(erf) = vrcp.f32 v41  }
0x304: {  	(erf) = vpow2.f32 v5;
	_ =	sdelay $0x7  }
0x305: {  	v42 =	vpop (erf)  }
0x306: {  	v43 =	vpop (erf)  }
0x307: {  	v7 =	vnsel vm8, $0x0, v43  }
0x308: {  	(xrf2) =	vadd.scan.msk.f32 $0xffff, v7;
	_ =	sdelay $0x9  }
0x309: {  	v44, _, _ =	vpop (xrf2)  }
0x30a: {  	v8 =	vbroadcast v44, $0xF;
	_ =	sdelay $0x1  }
0x30b: {  	(erf) = vrcp.f32 v8;
	_ =	sdelay $0x8  }
0x30c: {  	v8 =	vpop (erf)  }
0x30d: {  	v7 =	vmul.f32 v8, v7;
	_ =	sdelay $0x1  }
0x30e: {  	(xrf0) =	vmax.scan.msk.f32 $0xffff, v7;
	_ =	sdelay $0x5  }
0x30f: {  	v45, _, _ =	vpop (xrf0)  }
0x310: {  	v46 =	vbroadcast v45, $0xF;
	_ =	sdelay $0x1  }
0x311: {  	vm10 =	veq.f32 v7, v46  }
0x312: {  	v47 =	vnsel vm10, $0x80000010, v1  }
0x313: {  	(xrf0) =	vmin.scan.msk.u32 $0xffff, v47;
	_ =	sdelay $0x4  }
0x314: {  	(v2sf) =	vpush v39, $0xF  }
0x315: {  	(v2sf) =	vpush v45, $0xF;
	v48, _, _ =	vpop (xrf0)  }
0x316: {  	(v2sf) =	vpush v48, $0xF;
	_ =	sdelay $0xc  }
0x317: {  	s20 =	spop (v2sf)  }
0x318: {  	s21 =	spop (v2sf)  }
0x319: {  	s22 =	spop (v2sf)  }
0x31a: {  	s2 =	sxor.u32 $0x80000000, s22  }
0x31b: {  	v49 =	vmov s2  }
0x31c: {  	vm10 =	veq.s32 v49, v0  }
0x31d: {  	v6 =	vsel vm10, $0xBF800000, v7  }
0x31e: {  	(xrf0) =	vmax.scan.msk.f32 $0xffff, v6;
	_ =	sdelay $0x5  }
0x31f: {  	v50, _, _ =	vpop (xrf0)  }
0x320: {  	v51 =	vbroadcast v50, $0xF;
	_ =	sdelay $0x1  }
0x321: {  	vm11 =	veq.f32 v6, v51  }
0x322: {  	v6 =	vnsel vm11, $0x80000010, v1  }
0x323: {  	(xrf0) =	vmin.scan.msk.u32 $0xffff, v6;
	_ =	sdelay $0x5  }
0x324: {  	(v2sf) =	vpush v50, $0xF;
	v6, _, _ =	vpop (xrf0)  }
0x325: {  	(v2sf) =	vpush v6, $0xF;
	_ =	sdelay $0xd  }
0x326: {  	s23 =	spop (v2sf)  }
0x327: {  	s4 =	spop (v2sf)  }
0x328: {  	s0 =	sxor.u32 $0x80000000, s20;
	s4 =	sxor.u32 $0x80000000, s4  }
0x329: {  	v52 =	vmov s0;
	v53 =	vmov s4  }
0x32a: {  	vm11 =	veq.s32 v52, v0;
	vm12 =	veq.s32 v53, v0  }
0x32b: {  	v4 =	vadd.f32 $0.0e+00, v4;
	vm11 =	vmor vm15, vm11;
	vm10 =	vmor vm10, vm12  }
0x32c: {  	v54 =	vsel vm11, $0x3F800000, v2;
	s1 =	sadd.f32 s23, s21;
	v55 =	vsel vm10, $0x3F800000, v2  }
0x32d: {  	v4 =	vadd.f32 v7, v4;
	v6 =	vadd.f32 v55, v54  }
0x32e: {  	s1 =	smax.f32 s1, $9.999999930e-09  }
0x32f: {  	v56 =	vmov s1;
	v4 =	vmul.f32 v6, v4  }
0x330: {  	(erf) = vrcp.f32 v56  }
0x331: {  	(xrf2) =	vadd.scan.msk.f32 $0xffff, v4;
	_ =	sdelay $0x3  }
0x332: {  	v3 =	vnsel vm0, $0x0, v3;
	v57 =	vnsel vm9, $0x0, v9;
	vm10 =	vcmask $0xB08  }
0x333: {  	v3 =	vadd.f32 v57, v3;
	v58 =	vnsel vm10, $0x0, v46;
	vm10 =	vcmask $0xF0C  }
0x334: {  	v59 =	vnsel vm10, $0x0, v51  }
0x335: {  	v3 =	vmul.f32 v42, v3;
	vm10 =	vcmask $0x300;
	v4 =	vadd.f32 v59, v58  }
0x336: {  	v61 =	vpop (erf);
	v60 =	vnsel vm10, $0x0, v23  }
0x337: {  	v3 =	vadd.f32 $0.0e+00, v3;
	v5 =	vsel vm9, s0, v60;
	v4 =	vmul.f32 v61, v4  }
0x338: {  	v5 =	vnsel vm13, s2, v5;
	v62, _, _ =	vpop (xrf2)  }
0x339: {  	v5 =	vnsel vm14, s4, v5;
	v3 =	vadd.f32 v4, v3;
	v63 =	vbroadcast v62, $0xF  }
0x33a: {  	[tilespmem:$0x3000] =	vst v5  }
0x33b: {  	[tilespmem:$0x3080] =	vst v3;
	v3 =	vnsel vm0, $0x0, v63  }
0x33c: {  	s24 =	rddreg [dreg:$0x6];
	s25 =	simm.s32 $0x3000;
	s2 =	simm.s32 $0x0;
	[tilespmem:$0x3100] =	vst v3  }
0x33d: {  	[hbm4b:s24+s2] =	stream.linear.scatter [tilespmem:s25], [sflag:$0x1], $0x80, $0x38;
	[tilespmem:$0x3180] =	vst v63  }
0x33e: {  	_ =	swait.ge [sflag:s10], $0x80  }
0x33f: {  	[sflag:s10] =	ssyncset.done $0x0  }
0x340: {  	s28 =	simm.s32 $0x3080;
	s26 =	rddreg [dreg:$0x7];
	[sflag:s10] =	ssyncadd.s32 $0xFFFFFF80  }
0x341: {  	[hbm4b:s26+s2] =	stream.linear.scatter [tilespmem:s28], [sflag:$0x1], $0x80, $0x38;
	[tilespmem:$0x3180] =	vst v63  }
0x342: {  	_ =	swait.ge [sflag:s10], $0x80  }
0x343: {  	[sflag:s10] =	ssyncset.done $0x0  }
0x344: {  	[sflag:s10] =	ssyncadd.s32 $0xFFFFFF80  }
0x345: {  	s30 =	simm.s32 $0x3100;
	s29 =	rddreg [dreg:$0x3]  }
0x346: {  	[hbm4b:s29+s2] =	stream.linear.scatter [tilespmem:s30], [sflag:$0x1], $0x80, $0x38;
	[tilespmem:$0x3180] =	vst v63  }
0x347: {  	_ =	swait.ge [sflag:s10], $0x80  }
0x348: {  	s9 =	sadd.s32 $0x1, s9;
	s31 =	rddreg [dreg:$0x8]  }
0x349: {  	p0 =	sne.s32 s9, s31  }
.Ltmp41:
0x34a: {  	_ = 	snop;
	(pc) =	sbr.rel @p0 .LBB2_2-.Ltmp41, $4  }
.Ltmp42:
0x34b: {  	_ = 	snop;
	(pc) =	sbr.rel @!p0 .LBB2_73-.Ltmp42, $4  }
0x34c: {  	_ = 	snop  }
0x34d: {  	[sflag:s10] =	ssyncset.done $0x0  }
0x34e: {  	[sflag:s10] =	ssyncadd.s32 $0xFFFFFF80  }
0x34f: {  	_ = 	snop  }
.LBB2_16:
.Ltmp43:
0x350: {  	(pc) =	sbr.rel .LBB2_21-.Ltmp43, $2  }
0x351: {  	_ =	sdelay $0x2  }
0x352: {  	p1 =	por $0x0, $0x0  }
.LBB2_29:
.Ltmp44:
0x353: {  	(pc) =	sbr.rel .LBB2_34-.Ltmp44, $2  }
0x354: {  	_ =	sdelay $0x2  }
0x355: {  	p1 =	por $0x0, $0x0  }
.LBB2_42:
.Ltmp45:
0x356: {  	(pc) =	sbr.rel .LBB2_47-.Ltmp45, $2  }
0x357: {  	_ =	sdelay $0x2  }
0x358: {  	p1 =	por $0x0, $0x0  }
.LBB2_48:
.Ltmp46:
0x359: {  	(pc) =	sbr.rel .LBB2_55-.Ltmp46, $2  }
0x35a: {  	_ =	sdelay $0x2  }
0x35b: {  	s0 =	simm.s32 $0x0;
	s2 =	smov.u32 s18;
	p3 =	por $0x0, $0x0  }
.LBB2_56:
.Ltmp47:
0x35c: {  	(pc) =	sbr.rel .LBB2_60-.Ltmp47, $2  }
0x35d: {  	_ =	sdelay $0x2  }
0x35e: {  	v19 =	vimm.f32 $0.0e+00  }
.LBB2_10:
.Ltmp48:
0x35f: {  	(pc) =	sbr.rel .LBB2_15-.Ltmp48, $2  }
0x360: {  	_ =	sdelay $0x2  }
0x361: {  	p3 =	por $0x0, $0x0  }
.LBB2_18:
.Ltmp49:
0x362: {  	(pc) =	sbr.rel .LBB2_21-.Ltmp49, $2  }
0x363: {  	_ =	sdelay $0x2  }
0x364: {  	s17 =	smov.u32 s11  }
.LBB2_23:
.Ltmp50:
0x365: {  	(pc) =	sbr.rel .LBB2_28-.Ltmp50, $2  }
0x366: {  	_ =	sdelay $0x2  }
0x367: {  	p3 =	por $0x0, $0x0  }
.LBB2_31:
.Ltmp51:
0x368: {  	(pc) =	sbr.rel .LBB2_34-.Ltmp51, $2  }
0x369: {  	_ =	sdelay $0x2  }
0x36a: {  	s17 =	smov.u32 s11  }
.LBB2_36:
.Ltmp52:
0x36b: {  	(pc) =	sbr.rel .LBB2_41-.Ltmp52, $2  }
0x36c: {  	_ =	sdelay $0x2  }
0x36d: {  	p3 =	por $0x0, $0x0  }
.LBB2_44:
.Ltmp53:
0x36e: {  	(pc) =	sbr.rel .LBB2_47-.Ltmp53, $2  }
0x36f: {  	_ =	sdelay $0x2  }
0x370: {  	s17 =	smov.u32 s11  }
.LBB2_50:
.Ltmp54:
0x371: {  	(pc) =	sbr.rel .LBB2_55-.Ltmp54, $2  }
0x372: {  	_ =	sdelay $0x2  }
0x373: {  	p3 =	por $0x0, $0x0  }
.LBB2_58:
.Ltmp55:
0x374: {  	(pc) =	sbr.rel .LBB2_60-.Ltmp55, $2  }
0x375: {  	_ =	sdelay $0x2  }
0x376: {  	v19 =	vimm.f32 $0.0e+00  }
.LBB2_12:
.Ltmp56:
0x377: {  	(pc) =	sbr.rel .LBB2_15-.Ltmp56, $2  }
0x378: {  	_ =	sdelay $0x2  }
0x379: {  	s2 =	smov.u32 s16  }
.LBB2_25:
.Ltmp57:
0x37a: {  	(pc) =	sbr.rel .LBB2_28-.Ltmp57, $2  }
0x37b: {  	_ =	sdelay $0x2  }
0x37c: {  	s2 =	smov.u32 s16  }
.LBB2_38:
.Ltmp58:
0x37d: {  	(pc) =	sbr.rel .LBB2_41-.Ltmp58, $2  }
0x37e: {  	_ =	sdelay $0x2  }
0x37f: {  	s2 =	smov.u32 s16  }
.LBB2_52:
.Ltmp59:
0x380: {  	(pc) =	sbr.rel .LBB2_55-.Ltmp59, $2  }
0x381: {  	_ =	sdelay $0x2  }
0x382: {  	s0 =	simm.s32 $0x100;
	s2 =	smov.u32 s14  }
.Lfunc_end2:
_tile_overlayer_lowered:
.L_overlay_start_2:
0x383: {  	(tag) =	ssettag $0x2  }
0x384: {  	s0 =	rddreg [dreg:$0x0];
	s2 =	stileid.u32  }
0x385: {  	s1 =	rddreg [dreg:$0x1];
	p0 =	sne.s32 s2, $0x0  }
0x386: {  	s3 =	rddreg [dreg:$0x2];
	[bflag:$0x3] =	sbarrier.arrive $0xFFFF;
	s2 =	simm.s32 @!p0 $0x1C02  }
0x387: {  	[timem:s3], [sflag:s2] =	dma.local @!p0 [hbm:s0], s1  }
0x388: {  	s0 =	simm.s32 @!p0 $0x2  }
0x389: {  	_ =	swait.ge @!p0 [sflag:s0], s1  }
0x38a: {  	s1 =	ssub.s32 @!p0 $0x0, s1;
	[sflag:s0] =	ssyncset.done @!p0 $0x0  }
0x38b: {  	[sflag:s0] =	ssyncadd.s32 @!p0 s1  }
0x38c: {  	[bflag:$0x3] =	sbarrier.arrive $0xFFFF  }
0x38d: {  	_ =	shalt  }

</sc_bundles>
